<compile_context>
chip_gen: v7x
topology: tpu7x:2x2x1
jax: 0.10.2.dev20260603
libtpu: 0.0.44.dev20260713+nightly
codegen_flags: <defaults>
</compile_context>

<pallas_src>
import functools

import jax
import jax.numpy as jnp
from jax import lax
from jax.experimental import pallas as pl
from jax.experimental.pallas import tpu as pltpu
from jax.experimental.pallas import tpu_sc as plsc

N_NODES = 50000
D = 512
B = 512
F1 = 25
F2 = 10
H1 = 512
OUT = 256

NW = 32
ROWS_W = (B * F1) // NW
CH = 8
GCH = CH * F2
NCH = ROWS_W // CH
NCH1 = ROWS_W // GCH
G0_W = B // NW
LG = D // 16


def _sc_gather_g1(x, hop1c, bn):
    mesh = plsc.VectorSubcoreMesh(core_axis_name="c", subcore_axis_name="s")

    @functools.partial(
        pl.kernel,
        mesh=mesh,
        out_type=[
            jax.ShapeDtypeStruct((B * F1, D), jnp.float32),
            jax.ShapeDtypeStruct((B, D), jnp.float32),
        ],
        scratch_types=[
            pltpu.VMEM((NCH1, GCH), jnp.int32),
            pltpu.VMEM((G0_W,), jnp.int32),
            pltpu.VMEM((GCH, D), jnp.float32),
            pltpu.VMEM((GCH, D), jnp.float32),
            pltpu.VMEM((G0_W, D), jnp.float32),
            pltpu.SemaphoreType.DMA,
            pltpu.SemaphoreType.DMA,
            pltpu.SemaphoreType.DMA,
            pltpu.SemaphoreType.DMA,
        ],
    )
    def k(x_hbm, h1_hbm, bn_hbm, g1_hbm, g0_hbm,
          idx1_v, idx0_v, gbufA, gbufB, g0buf, semA, semB, semWA, semWB):
        c_id = lax.axis_index("c")
        s_id = lax.axis_index("s")
        wid = s_id * 2 + c_id
        base = wid * ROWS_W
        pltpu.sync_copy(h1_hbm.at[wid], idx1_v)
        pltpu.sync_copy(bn_hbm.at[pl.ds(wid * G0_W, G0_W)], idx0_v)

        pltpu.async_copy(x_hbm.at[idx1_v.at[0]], gbufA, semA)
        for c in range(NCH1):
            buf, sem, semW = ((gbufA, semA, semWA) if c % 2 == 0
                              else (gbufB, semB, semWB))
            nbuf, nsem, nsemW = ((gbufB, semB, semWB) if c % 2 == 0
                                 else (gbufA, semA, semWA))
            pltpu.make_async_copy(x_hbm.at[idx1_v.at[0]], buf, sem).wait()
            if c + 1 < NCH1:
                if c >= 1:
                    pltpu.make_async_copy(
                        nbuf, g1_hbm.at[pl.ds(base, GCH)], nsemW).wait()
                pltpu.async_copy(x_hbm.at[idx1_v.at[c + 1]], nbuf, nsem)
            pltpu.async_copy(buf, g1_hbm.at[pl.ds(base + c * GCH, GCH)], semW)
        pltpu.make_async_copy(gbufB, g1_hbm.at[pl.ds(base, GCH)], semWB).wait()
        pltpu.make_async_copy(gbufA, g1_hbm.at[pl.ds(base, GCH)], semWA).wait()

        pltpu.async_copy(x_hbm.at[idx0_v], g0buf, semA).wait()
        pltpu.sync_copy(g0buf, g0_hbm.at[pl.ds(wid * G0_W, G0_W)])

    return k(x, hop1c, bn)


def _sc_gather_s2(x, hop2c):
    mesh = plsc.VectorSubcoreMesh(core_axis_name="c", subcore_axis_name="s")

    @functools.partial(
        pl.kernel,
        mesh=mesh,
        out_type=jax.ShapeDtypeStruct((B * F1, D), jnp.float32),
        scratch_types=[
            pltpu.VMEM((NCH, GCH), jnp.int32),
            pltpu.VMEM((GCH, D), jnp.float32),
            pltpu.VMEM((GCH, D), jnp.float32),
            pltpu.VMEM((CH, D), jnp.float32),
            pltpu.VMEM((CH, D), jnp.float32),
            pltpu.SemaphoreType.DMA,
            pltpu.SemaphoreType.DMA,
            pltpu.SemaphoreType.DMA,
            pltpu.SemaphoreType.DMA,
        ],
    )
    def k(x_hbm, h2_hbm, s2_hbm, idx2_v, gbufA, gbufB, obufA, obufB,
          semA, semB, semOA, semOB):
        c_id = lax.axis_index("c")
        s_id = lax.axis_index("s")
        wid = s_id * 2 + c_id
        base = wid * ROWS_W
        pltpu.sync_copy(h2_hbm.at[wid], idx2_v)

        def start2(c, buf, sem):
            pltpu.async_copy(x_hbm.at[idx2_v.at[c]], buf, sem)

        def wait_g(buf, sem):
            pltpu.make_async_copy(x_hbm.at[idx2_v.at[0]], buf, sem).wait()

        def process(gbuf, obuf, semO, c):
            @pl.when(c >= 2)
            def _():
                pltpu.make_async_copy(obuf, s2_hbm.at[pl.ds(base, CH)],
                                      semO).wait()

            def lg_body(l, carry):
                sl = pl.ds(l * 16, 16)
                accs = [gbuf[o * F2, sl] for o in range(CH)]
                for j in range(1, F2):
                    for o in range(CH):
                        accs[o] = accs[o] + gbuf[o * F2 + j, sl]
                for o in range(CH):
                    obuf[o, sl] = accs[o] * (1.0 / F2)
                return carry

            lax.fori_loop(0, LG, lg_body, 0)
            pltpu.async_copy(obuf, s2_hbm.at[pl.ds(base + c * CH, CH)], semO)

        start2(0, gbufA, semA)

        def pair(p, carry):
            c0 = 2 * p
            wait_g(gbufA, semA)
            start2(c0 + 1, gbufB, semB)
            process(gbufA, obufA, semOA, c0)
            wait_g(gbufB, semB)

            @pl.when(c0 + 2 < NCH)
            def _():
                start2(c0 + 2, gbufA, semA)

            process(gbufB, obufB, semOB, c0 + 1)
            return carry

        lax.fori_loop(0, NCH // 2, pair, 0)
        pltpu.make_async_copy(obufA, s2_hbm.at[pl.ds(base, CH)], semOA).wait()
        pltpu.make_async_copy(obufB, s2_hbm.at[pl.ds(base, CH)], semOB).wait()

    return k(x, hop2c)


BLK = (B * F1) // 32
NB = B // 32


def _sel():
    grp = lax.broadcasted_iota(jnp.int32, (NB, BLK), 1) // F1
    row = lax.broadcasted_iota(jnp.int32, (NB, BLK), 0)
    return (grp == row).astype(jnp.float32)


def _tc_a_body(g1_ref, w1a_ref, b1_ref, a1_ref, g1s_ref):
    i = pl.program_id(0)
    g1b = g1_ref[...]
    a = jnp.dot(g1b.astype(jnp.bfloat16), w1a_ref[...],
                preferred_element_type=jnp.float32)
    a1_ref[...] = (a + b1_ref[...]).astype(jnp.bfloat16)
    g1s_ref[pl.ds(i * NB, NB), :] = jnp.dot(
        _sel(), g1b, preferred_element_type=jnp.float32)


def _tc_a(g1, w1aT, b1r):
    return pl.pallas_call(
        _tc_a_body,
        grid=(32,),
        in_specs=[
            pl.BlockSpec((BLK, D), lambda i: (i, 0)),
            pl.BlockSpec((D, H1), lambda i: (0, 0)),
            pl.BlockSpec((1, H1), lambda i: (0, 0)),
        ],
        out_specs=[
            pl.BlockSpec((BLK, H1), lambda i: (i, 0)),
            pl.BlockSpec((B, D), lambda i: (0, 0)),
        ],
        out_shape=[
            jax.ShapeDtypeStruct((B * F1, H1), jnp.bfloat16),
            jax.ShapeDtypeStruct((B, D), jnp.float32),
        ],
    )(g1, w1aT, b1r)


def _tc_b_body(a1_ref, s2_ref, g1s_ref, g0_ref, w1a_ref, w1b_ref, b1_ref,
               w2a_ref, w2b_ref, b2_ref, out_ref, h1s_ref):
    i = pl.program_id(0)
    a = a1_ref[...].astype(jnp.float32) + jnp.dot(
        s2_ref[...].astype(jnp.bfloat16), w1b_ref[...],
        preferred_element_type=jnp.float32)
    h = jnp.maximum(a, 0.0)
    n2 = jnp.sum(h * h, axis=1, keepdims=True)
    h = h * jax.lax.rsqrt(jnp.maximum(n2, 1e-24))
    h1s_ref[pl.ds(i * NB, NB), :] = jnp.dot(
        _sel(), h, preferred_element_type=jnp.float32)

    @pl.when(i == 31)
    def _():
        m1 = g1s_ref[...] * (1.0 / F1)
        h0 = jnp.dot(g0_ref[...].astype(jnp.bfloat16), w1a_ref[...],
                     preferred_element_type=jnp.float32)
        h0 = h0 + jnp.dot(m1.astype(jnp.bfloat16), w1b_ref[...],
                          preferred_element_type=jnp.float32)
        h0 = jnp.maximum(h0 + b1_ref[...], 0.0)
        n0 = jnp.sum(h0 * h0, axis=1, keepdims=True)
        h0 = h0 * jax.lax.rsqrt(jnp.maximum(n0, 1e-24))
        h1m = h1s_ref[...] * (1.0 / F1)
        o = jnp.dot(h0, w2a_ref[...], preferred_element_type=jnp.float32)
        o = o + jnp.dot(h1m, w2b_ref[...], preferred_element_type=jnp.float32)
        o = jnp.maximum(o + b2_ref[...], 0.0)
        no = jnp.sum(o * o, axis=1, keepdims=True)
        out_ref[...] = o * jax.lax.rsqrt(jnp.maximum(no, 1e-24))


def _tc_b(a1, s2, g1s, g0, w1aT, w1bT, b1r, w2aT, w2bT, b2r):
    return pl.pallas_call(
        _tc_b_body,
        grid=(32,),
        in_specs=[
            pl.BlockSpec((BLK, H1), lambda i: (i, 0)),
            pl.BlockSpec((BLK, D), lambda i: (i, 0)),
            pl.BlockSpec((B, D), lambda i: (0, 0)),
            pl.BlockSpec((B, D), lambda i: (0, 0)),
            pl.BlockSpec((D, H1), lambda i: (0, 0)),
            pl.BlockSpec((D, H1), lambda i: (0, 0)),
            pl.BlockSpec((1, H1), lambda i: (0, 0)),
            pl.BlockSpec((H1, OUT), lambda i: (0, 0)),
            pl.BlockSpec((H1, OUT), lambda i: (0, 0)),
            pl.BlockSpec((1, OUT), lambda i: (0, 0)),
        ],
        out_specs=pl.BlockSpec((B, OUT), lambda i: (0, 0)),
        out_shape=jax.ShapeDtypeStruct((B, OUT), jnp.float32),
        scratch_shapes=[
            pltpu.VMEM((B, H1), jnp.float32),
        ],
    )(a1, s2, g1s, g0, w1aT, w1bT, b1r, w2aT, w2bT, b2r)


def kernel(x, batch_nodes, hop1, hop2, W1, b1, W2, b2):
    hop2c = hop2.astype(jnp.int32).reshape(NW, NCH, GCH)
    hop1c = hop1.astype(jnp.int32).reshape(NW, NCH1, GCH)
    bn = batch_nodes.astype(jnp.int32)
    w1aT = W1[:, :D].T.astype(jnp.bfloat16)
    w1bT = W1[:, D:].T.astype(jnp.bfloat16)
    w2aT = W2[:, :H1].T
    w2bT = W2[:, H1:].T
    b1r = b1.reshape(1, H1)
    b2r = b2.reshape(1, OUT)
    g1, g0 = _sc_gather_g1(x, hop1c, bn)
    s2 = _sc_gather_s2(x, hop2c)
    a1, g1s = _tc_a(g1, w1aT, b1r)
    return _tc_b(a1, s2, g1s, g0, w1aT, w1bT, b1r, w2aT, w2bT, b2r)

# --- scband reference (transcript-rebuilt; emitter-appended) ---
"""Pipeline reference for scband-graph-sageembedder-63522566307947 (READ-ONLY COPY).

The authoritative reference and input builder live on the scoring server;
editing this copy changes nothing except your own understanding.
"""

import jax, jax.numpy as jnp
import numpy as np

N_NODES = 50000
D_FEAT = 512
B = 512
F1 = 25
F2 = 10
H1 = 512
OUT = 256


def _l2_normalize(h, eps=1e-12):
    # torch F.normalize(p=2, dim=1): x / max(||x||_2, eps)
    norm = jnp.sqrt(jnp.sum(h * h, axis=1, keepdims=True))
    return h / jnp.maximum(norm, eps)


def _sage_mean_layer(self_feats, neighbor_feats, W, b):
    # MeanAggregator with concat=True, followed by relu and L2 normalize.
    # dropout p=0.0 (eval) -> identity.
    neighbor_mean = jnp.mean(neighbor_feats, axis=1)
    combined = jnp.concatenate([self_feats, neighbor_mean], axis=1)
    h = jax.nn.relu(combined @ W.T + b)
    return _l2_normalize(h)


def setup_inputs(seed: int = 0) -> dict:
    key = jax.random.key(seed)
    k_x, k_b, k_h1, k_h2, k_w1, k_b1, k_w2, k_b2 = jax.random.split(key, 8)
    x = jax.random.normal(k_x, (N_NODES, D_FEAT), dtype=jnp.float32)
    batch_nodes = jax.random.randint(k_b, (B,), 0, N_NODES, dtype=jnp.int64 if jax.config.jax_enable_x64 else jnp.int32)
    hop1 = jax.random.randint(k_h1, (B, F1), 0, N_NODES, dtype=batch_nodes.dtype)
    hop2 = jax.random.randint(k_h2, (B * F1, F2), 0, N_NODES, dtype=batch_nodes.dtype)
    # Layer 1: Linear(2*D_FEAT -> H1) ; Layer 2: Linear(2*H1 -> OUT)
    s1 = 1.0 / np.sqrt(2 * D_FEAT)
    s2 = 1.0 / np.sqrt(2 * H1)
    W1 = jax.random.uniform(k_w1, (H1, 2 * D_FEAT), dtype=jnp.float32, minval=-s1, maxval=s1)
    b1 = jax.random.uniform(k_b1, (H1,), dtype=jnp.float32, minval=-s1, maxval=s1)
    W2 = jax.random.uniform(k_w2, (OUT, 2 * H1), dtype=jnp.float32, minval=-s2, maxval=s2)
    b2 = jax.random.uniform(k_b2, (OUT,), dtype=jnp.float32, minval=-s2, maxval=s2)
    return {"x": x, "batch_nodes": batch_nodes, "hop1": hop1, "hop2": hop2,
            "W1": W1, "b1": b1, "W2": W2, "b2": b2}


def reference(x, batch_nodes, hop1, hop2, W1, b1, W2, b2):
    # 2-layer minibatch GraphSAGE (mean aggregator, concat=True), eval mode.
    # Layer 1 applied to hop-1 frontier nodes (neighbors come from hop-2 samples)
    h1_self = jnp.take(x, hop1.reshape(-1), axis=0)           # (B*F1, D)
    h1_nbr = jnp.take(x, hop2, axis=0)                         # (B*F1, F2, D)
    h1 = _sage_mean_layer(h1_self, h1_nbr, W1, b1)             # (B*F1, H1)
    # Layer 1 applied to batch target nodes (neighbors are hop-1 samples)
    h0_self = jnp.take(x, batch_nodes, axis=0)                 # (B, D)
    h0_nbr = jnp.take(x, hop1, axis=0)                         # (B, F1, D)
    h0 = _sage_mean_layer(h0_self, h0_nbr, W1, b1)             # (B, H1)
    # Layer 2 combines layer-1 outputs
    h1_grouped = h1.reshape(B, F1, H1)
    out = _sage_mean_layer(h0, h1_grouped, W2, b2)             # (B, OUT)
    return out

if __name__ == "__main__":
    import jax
    _d = setup_inputs()
    print(jax.jit(kernel)(*tuple(_d.values())))

</pallas_src>

<mosaic_0001>
#map = affine_map<(d0, d1) -> (0, 0)>
#map1 = affine_map<(d0, d1) -> (0, 0, 0)>
#map2 = affine_map<(d0, d1) -> (0)>
module attributes {stable_mosaic.version = 14 : i64} {
  func.func @k(%arg0: i32, %arg1: i32, %arg2: memref<50000x512xf32, #tpu.memory_space<hbm>>, %arg3: memref<32x5x80xi32, #tpu.memory_space<hbm>>, %arg4: memref<512xi32, #tpu.memory_space<hbm>>, %arg5: memref<12800x512xf32, #tpu.memory_space<hbm>>, %arg6: memref<512x512xf32, #tpu.memory_space<hbm>>, %arg7: memref<5x80xi32, #tpu.memory_space<vmem>>, %arg8: memref<16xi32, #tpu.memory_space<vmem>>, %arg9: memref<80x512xf32, #tpu.memory_space<vmem>>, %arg10: memref<80x512xf32, #tpu.memory_space<vmem>>, %arg11: memref<16x512xf32, #tpu.memory_space<vmem>>, %arg12: memref<!tpu.dma_semaphore, #tpu.memory_space<semaphore_mem>>, %arg13: memref<!tpu.dma_semaphore, #tpu.memory_space<semaphore_mem>>, %arg14: memref<!tpu.dma_semaphore, #tpu.memory_space<semaphore_mem>>, %arg15: memref<!tpu.dma_semaphore, #tpu.memory_space<semaphore_mem>>) attributes {dimension_semantics = [#tpu.dimension_semantics<core_parallel>, #tpu.dimension_semantics<subcore_parallel>], iteration_bounds = array<i64: 2, 16>, scalar_prefetch = 0 : i64, scratch_operands = 9 : i64, tpu.core_type = #tpu.core_type<sc_vector_subcore>, window_params = [{transform_indices = #map}, {transform_indices = #map1}, {transform_indices = #map2}, {transform_indices = #map}, {transform_indices = #map}]} {
    %mul3A = arith.constant 2 : i32
    %mul3A_0 = arith.muli %arg1, %mul3A : i32
    %add3A = arith.addi %mul3A_0, %arg0 : i32
    %mul3A_1 = arith.constant 400 : i32
    %mul3A_2 = arith.muli %add3A, %mul3A_1 : i32
    "tpu.region"() ({
      %run_scoped3A = tpu.sem_alloc : memref<!tpu.dma_semaphore, #tpu.memory_space<semaphore_mem>>
      %dma_start3A_131 = arith.constant 0 : i32
      %dma_start3A_132 = arith.constant 0 : i32
      %dma_start3A_133 = tpu.memref_slice %arg3[%add3A, %dma_start3A_131, %dma_start3A_132] : memref<32x5x80xi32, #tpu.memory_space<hbm>> -> memref<1x5x80xi32, #tpu.memory_space<hbm>>
      %dma_start3A_134 = tpu.memref_squeeze %dma_start3A_133 : memref<1x5x80xi32, #tpu.memory_space<hbm>> -> memref<5x80xi32, #tpu.memory_space<hbm>>
      %dma_start3A_135 = arith.constant 0 : i32
      %dma_start3A_136 = arith.constant 0 : i32
      %dma_start3A_137 = tpu.memref_slice %arg3[%add3A, %dma_start3A_135, %dma_start3A_136] : memref<32x5x80xi32, #tpu.memory_space<hbm>> -> memref<1x5x80xi32, #tpu.memory_space<hbm>>
      %dma_start3A_138 = tpu.memref_squeeze %dma_start3A_137 : memref<1x5x80xi32, #tpu.memory_space<hbm>> -> memref<5x80xi32, #tpu.memory_space<hbm>>
      tpu.enqueue_dma source(%dma_start3A_138 : memref<5x80xi32, #tpu.memory_space<hbm>>) target(%arg7 : memref<5x80xi32, #tpu.memory_space<vmem>>) target_semaphore(%run_scoped3A : memref<!tpu.dma_semaphore, #tpu.memory_space<semaphore_mem>>)
      %dma_wait3A_139 = arith.constant 0 : i32
      %dma_wait3A_140 = arith.constant 0 : i32
      %dma_wait3A_141 = tpu.memref_slice %arg3[%add3A, %dma_wait3A_139, %dma_wait3A_140] : memref<32x5x80xi32, #tpu.memory_space<hbm>> -> memref<1x5x80xi32, #tpu.memory_space<hbm>>
      %dma_wait3A_142 = tpu.memref_squeeze %dma_wait3A_141 : memref<1x5x80xi32, #tpu.memory_space<hbm>> -> memref<5x80xi32, #tpu.memory_space<hbm>>
      %dma_wait3A_143 = arith.constant 0 : i32
      %dma_wait3A_144 = arith.constant 0 : i32
      %dma_wait3A_145 = tpu.memref_slice %arg3[%add3A, %dma_wait3A_143, %dma_wait3A_144] : memref<32x5x80xi32, #tpu.memory_space<hbm>> -> memref<1x5x80xi32, #tpu.memory_space<hbm>>
      %dma_wait3A_146 = tpu.memref_squeeze %dma_wait3A_145 : memref<1x5x80xi32, #tpu.memory_space<hbm>> -> memref<5x80xi32, #tpu.memory_space<hbm>>
      tpu.wait_dma2 semaphore(%run_scoped3A : memref<!tpu.dma_semaphore, #tpu.memory_space<semaphore_mem>>) src(%dma_wait3A_146 : memref<5x80xi32, #tpu.memory_space<hbm>>) dst(%arg7 : memref<5x80xi32, #tpu.memory_space<vmem>>)
      tpu.yield
    }) : () -> ()
    %mul3A_3 = arith.constant 16 : i32
    %mul3A_4 = arith.muli %add3A, %mul3A_3 : i32
    "tpu.region"() ({
      %run_scoped3A = tpu.sem_alloc : memref<!tpu.dma_semaphore, #tpu.memory_space<semaphore_mem>>
      %dma_start3A_131 = tpu.memref_slice %arg4[%mul3A_4] : memref<512xi32, #tpu.memory_space<hbm>> -> memref<16xi32, #tpu.memory_space<hbm>>
      %dma_start3A_132 = tpu.memref_slice %arg4[%mul3A_4] : memref<512xi32, #tpu.memory_space<hbm>> -> memref<16xi32, #tpu.memory_space<hbm>>
      tpu.enqueue_dma source(%dma_start3A_132 : memref<16xi32, #tpu.memory_space<hbm>>) target(%arg8 : memref<16xi32, #tpu.memory_space<vmem>>) target_semaphore(%run_scoped3A : memref<!tpu.dma_semaphore, #tpu.memory_space<semaphore_mem>>)
      %dma_wait3A_133 = tpu.memref_slice %arg4[%mul3A_4] : memref<512xi32, #tpu.memory_space<hbm>> -> memref<16xi32, #tpu.memory_space<hbm>>
      %dma_wait3A_134 = tpu.memref_slice %arg4[%mul3A_4] : memref<512xi32, #tpu.memory_space<hbm>> -> memref<16xi32, #tpu.memory_space<hbm>>
      tpu.wait_dma2 semaphore(%run_scoped3A : memref<!tpu.dma_semaphore, #tpu.memory_space<semaphore_mem>>) src(%dma_wait3A_134 : memref<16xi32, #tpu.memory_space<hbm>>) dst(%arg8 : memref<16xi32, #tpu.memory_space<vmem>>)
      tpu.yield
    }) : () -> ()
    %dma_start3A = arith.constant 0 : i32
    %dma_start3A_5 = arith.constant 0 : i32
    %dma_start3A_6 = tpu.memref_slice %arg7[%dma_start3A, %dma_start3A_5] : memref<5x80xi32, #tpu.memory_space<vmem>> -> memref<1x80xi32, #tpu.memory_space<vmem>>
    %dma_start3A_7 = tpu.memref_squeeze %dma_start3A_6 : memref<1x80xi32, #tpu.memory_space<vmem>> -> memref<80xi32, #tpu.memory_space<vmem>>
    %dma_start3A_8 = arith.constant 0 : i32
    %dma_start3A_9 = arith.constant 0 : i32
    %dma_start3A_10 = tpu.memref_slice %arg2[%dma_start3A_8, %dma_start3A_9] : memref<50000x512xf32, #tpu.memory_space<hbm>> -> memref<50000x512xf32, #tpu.memory_space<hbm>>
    tpu.enqueue_indirect_dma source(%dma_start3A_10 : memref<50000x512xf32, #tpu.memory_space<hbm>>) target(%arg9 : memref<80x512xf32, #tpu.memory_space<vmem>>) offsets(%dma_start3A_7 : memref<80xi32, #tpu.memory_space<vmem>>) semaphore(%arg12 : memref<!tpu.dma_semaphore, #tpu.memory_space<semaphore_mem>>)
    %dma_wait3A = arith.constant 0 : i32
    %dma_wait3A_11 = arith.constant 0 : i32
    %dma_wait3A_12 = tpu.memref_slice %arg7[%dma_wait3A, %dma_wait3A_11] : memref<5x80xi32, #tpu.memory_space<vmem>> -> memref<1x80xi32, #tpu.memory_space<vmem>>
    %dma_wait3A_13 = tpu.memref_squeeze %dma_wait3A_12 : memref<1x80xi32, #tpu.memory_space<vmem>> -> memref<80xi32, #tpu.memory_space<vmem>>
    %dma_wait3A_14 = arith.constant 0 : i32
    %dma_wait3A_15 = arith.constant 0 : i32
    %dma_wait3A_16 = tpu.memref_slice %arg2[%dma_wait3A_14, %dma_wait3A_15] : memref<50000x512xf32, #tpu.memory_space<hbm>> -> memref<50000x512xf32, #tpu.memory_space<hbm>>
    tpu.wait_indirect_dma semaphore(%arg12 : memref<!tpu.dma_semaphore, #tpu.memory_space<semaphore_mem>>) src(%dma_wait3A_16 : memref<50000x512xf32, #tpu.memory_space<hbm>>) dst(%arg9 : memref<80x512xf32, #tpu.memory_space<vmem>>)
    %dma_start3A_17 = arith.constant 1 : i32
    %dma_start3A_18 = arith.constant 0 : i32
    %dma_start3A_19 = tpu.memref_slice %arg7[%dma_start3A_17, %dma_start3A_18] : memref<5x80xi32, #tpu.memory_space<vmem>> -> memref<1x80xi32, #tpu.memory_space<vmem>>
    %dma_start3A_20 = tpu.memref_squeeze %dma_start3A_19 : memref<1x80xi32, #tpu.memory_space<vmem>> -> memref<80xi32, #tpu.memory_space<vmem>>
    %dma_start3A_21 = arith.constant 0 : i32
    %dma_start3A_22 = arith.constant 0 : i32
    %dma_start3A_23 = tpu.memref_slice %arg2[%dma_start3A_21, %dma_start3A_22] : memref<50000x512xf32, #tpu.memory_space<hbm>> -> memref<50000x512xf32, #tpu.memory_space<hbm>>
    tpu.enqueue_indirect_dma source(%dma_start3A_23 : memref<50000x512xf32, #tpu.memory_space<hbm>>) target(%arg10 : memref<80x512xf32, #tpu.memory_space<vmem>>) offsets(%dma_start3A_20 : memref<80xi32, #tpu.memory_space<vmem>>) semaphore(%arg13 : memref<!tpu.dma_semaphore, #tpu.memory_space<semaphore_mem>>)
    %add3A_24 = arith.constant 0 : i32
    %add3A_25 = arith.addi %mul3A_2, %add3A_24 : i32
    %dma_start3A_26 = arith.constant 0 : i32
    %dma_start3A_27 = tpu.memref_slice %arg5[%add3A_25, %dma_start3A_26] : memref<12800x512xf32, #tpu.memory_space<hbm>> -> memref<80x512xf32, #tpu.memory_space<hbm>>
    %dma_start3A_28 = arith.constant 0 : i32
    %dma_start3A_29 = tpu.memref_slice %arg5[%add3A_25, %dma_start3A_28] : memref<12800x512xf32, #tpu.memory_space<hbm>> -> memref<80x512xf32, #tpu.memory_space<hbm>>
    tpu.enqueue_dma source(%arg9 : memref<80x512xf32, #tpu.memory_space<vmem>>) target(%dma_start3A_29 : memref<80x512xf32, #tpu.memory_space<hbm>>) target_semaphore(%arg14 : memref<!tpu.dma_semaphore, #tpu.memory_space<semaphore_mem>>)
    %dma_wait3A_30 = arith.constant 0 : i32
    %dma_wait3A_31 = arith.constant 0 : i32
    %dma_wait3A_32 = tpu.memref_slice %arg7[%dma_wait3A_30, %dma_wait3A_31] : memref<5x80xi32, #tpu.memory_space<vmem>> -> memref<1x80xi32, #tpu.memory_space<vmem>>
    %dma_wait3A_33 = tpu.memref_squeeze %dma_wait3A_32 : memref<1x80xi32, #tpu.memory_space<vmem>> -> memref<80xi32, #tpu.memory_space<vmem>>
    %dma_wait3A_34 = arith.constant 0 : i32
    %dma_wait3A_35 = arith.constant 0 : i32
    %dma_wait3A_36 = tpu.memref_slice %arg2[%dma_wait3A_34, %dma_wait3A_35] : memref<50000x512xf32, #tpu.memory_space<hbm>> -> memref<50000x512xf32, #tpu.memory_space<hbm>>
    tpu.wait_indirect_dma semaphore(%arg13 : memref<!tpu.dma_semaphore, #tpu.memory_space<semaphore_mem>>) src(%dma_wait3A_36 : memref<50000x512xf32, #tpu.memory_space<hbm>>) dst(%arg10 : memref<80x512xf32, #tpu.memory_space<vmem>>)
    %dma_wait3A_37 = arith.constant 0 : i32
    %dma_wait3A_38 = tpu.memref_slice %arg5[%mul3A_2, %dma_wait3A_37] : memref<12800x512xf32, #tpu.memory_space<hbm>> -> memref<80x512xf32, #tpu.memory_space<hbm>>
    %dma_wait3A_39 = arith.constant 0 : i32
    %dma_wait3A_40 = tpu.memref_slice %arg5[%mul3A_2, %dma_wait3A_39] : memref<12800x512xf32, #tpu.memory_space<hbm>> -> memref<80x512xf32, #tpu.memory_space<hbm>>
    tpu.wait_dma2 semaphore(%arg14 : memref<!tpu.dma_semaphore, #tpu.memory_space<semaphore_mem>>) src(%arg9 : memref<80x512xf32, #tpu.memory_space<vmem>>) dst(%dma_wait3A_40 : memref<80x512xf32, #tpu.memory_space<hbm>>)
    %dma_start3A_41 = arith.constant 2 : i32
    %dma_start3A_42 = arith.constant 0 : i32
    %dma_start3A_43 = tpu.memref_slice %arg7[%dma_start3A_41, %dma_start3A_42] : memref<5x80xi32, #tpu.memory_space<vmem>> -> memref<1x80xi32, #tpu.memory_space<vmem>>
    %dma_start3A_44 = tpu.memref_squeeze %dma_start3A_43 : memref<1x80xi32, #tpu.memory_space<vmem>> -> memref<80xi32, #tpu.memory_space<vmem>>
    %dma_start3A_45 = arith.constant 0 : i32
    %dma_start3A_46 = arith.constant 0 : i32
    %dma_start3A_47 = tpu.memref_slice %arg2[%dma_start3A_45, %dma_start3A_46] : memref<50000x512xf32, #tpu.memory_space<hbm>> -> memref<50000x512xf32, #tpu.memory_space<hbm>>
    tpu.enqueue_indirect_dma source(%dma_start3A_47 : memref<50000x512xf32, #tpu.memory_space<hbm>>) target(%arg9 : memref<80x512xf32, #tpu.memory_space<vmem>>) offsets(%dma_start3A_44 : memref<80xi32, #tpu.memory_space<vmem>>) semaphore(%arg12 : memref<!tpu.dma_semaphore, #tpu.memory_space<semaphore_mem>>)
    %add3A_48 = arith.constant 80 : i32
    %add3A_49 = arith.addi %mul3A_2, %add3A_48 : i32
    %dma_start3A_50 = arith.constant 0 : i32
    %dma_start3A_51 = tpu.memref_slice %arg5[%add3A_49, %dma_start3A_50] : memref<12800x512xf32, #tpu.memory_space<hbm>> -> memref<80x512xf32, #tpu.memory_space<hbm>>
    %dma_start3A_52 = arith.constant 0 : i32
    %dma_start3A_53 = tpu.memref_slice %arg5[%add3A_49, %dma_start3A_52] : memref<12800x512xf32, #tpu.memory_space<hbm>> -> memref<80x512xf32, #tpu.memory_space<hbm>>
    tpu.enqueue_dma source(%arg10 : memref<80x512xf32, #tpu.memory_space<vmem>>) target(%dma_start3A_53 : memref<80x512xf32, #tpu.memory_space<hbm>>) target_semaphore(%arg15 : memref<!tpu.dma_semaphore, #tpu.memory_space<semaphore_mem>>)
    %dma_wait3A_54 = arith.constant 0 : i32
    %dma_wait3A_55 = arith.constant 0 : i32
    %dma_wait3A_56 = tpu.memref_slice %arg7[%dma_wait3A_54, %dma_wait3A_55] : memref<5x80xi32, #tpu.memory_space<vmem>> -> memref<1x80xi32, #tpu.memory_space<vmem>>
    %dma_wait3A_57 = tpu.memref_squeeze %dma_wait3A_56 : memref<1x80xi32, #tpu.memory_space<vmem>> -> memref<80xi32, #tpu.memory_space<vmem>>
    %dma_wait3A_58 = arith.constant 0 : i32
    %dma_wait3A_59 = arith.constant 0 : i32
    %dma_wait3A_60 = tpu.memref_slice %arg2[%dma_wait3A_58, %dma_wait3A_59] : memref<50000x512xf32, #tpu.memory_space<hbm>> -> memref<50000x512xf32, #tpu.memory_space<hbm>>
    tpu.wait_indirect_dma semaphore(%arg12 : memref<!tpu.dma_semaphore, #tpu.memory_space<semaphore_mem>>) src(%dma_wait3A_60 : memref<50000x512xf32, #tpu.memory_space<hbm>>) dst(%arg9 : memref<80x512xf32, #tpu.memory_space<vmem>>)
    %dma_wait3A_61 = arith.constant 0 : i32
    %dma_wait3A_62 = tpu.memref_slice %arg5[%mul3A_2, %dma_wait3A_61] : memref<12800x512xf32, #tpu.memory_space<hbm>> -> memref<80x512xf32, #tpu.memory_space<hbm>>
    %dma_wait3A_63 = arith.constant 0 : i32
    %dma_wait3A_64 = tpu.memref_slice %arg5[%mul3A_2, %dma_wait3A_63] : memref<12800x512xf32, #tpu.memory_space<hbm>> -> memref<80x512xf32, #tpu.memory_space<hbm>>
    tpu.wait_dma2 semaphore(%arg15 : memref<!tpu.dma_semaphore, #tpu.memory_space<semaphore_mem>>) src(%arg10 : memref<80x512xf32, #tpu.memory_space<vmem>>) dst(%dma_wait3A_64 : memref<80x512xf32, #tpu.memory_space<hbm>>)
    %dma_start3A_65 = arith.constant 3 : i32
    %dma_start3A_66 = arith.constant 0 : i32
    %dma_start3A_67 = tpu.memref_slice %arg7[%dma_start3A_65, %dma_start3A_66] : memref<5x80xi32, #tpu.memory_space<vmem>> -> memref<1x80xi32, #tpu.memory_space<vmem>>
    %dma_start3A_68 = tpu.memref_squeeze %dma_start3A_67 : memref<1x80xi32, #tpu.memory_space<vmem>> -> memref<80xi32, #tpu.memory_space<vmem>>
    %dma_start3A_69 = arith.constant 0 : i32
    %dma_start3A_70 = arith.constant 0 : i32
    %dma_start3A_71 = tpu.memref_slice %arg2[%dma_start3A_69, %dma_start3A_70] : memref<50000x512xf32, #tpu.memory_space<hbm>> -> memref<50000x512xf32, #tpu.memory_space<hbm>>
    tpu.enqueue_indirect_dma source(%dma_start3A_71 : memref<50000x512xf32, #tpu.memory_space<hbm>>) target(%arg10 : memref<80x512xf32, #tpu.memory_space<vmem>>) offsets(%dma_start3A_68 : memref<80xi32, #tpu.memory_space<vmem>>) semaphore(%arg13 : memref<!tpu.dma_semaphore, #tpu.memory_space<semaphore_mem>>)
    %add3A_72 = arith.constant 160 : i32
    %add3A_73 = arith.addi %mul3A_2, %add3A_72 : i32
    %dma_start3A_74 = arith.constant 0 : i32
    %dma_start3A_75 = tpu.memref_slice %arg5[%add3A_73, %dma_start3A_74] : memref<12800x512xf32, #tpu.memory_space<hbm>> -> memref<80x512xf32, #tpu.memory_space<hbm>>
    %dma_start3A_76 = arith.constant 0 : i32
    %dma_start3A_77 = tpu.memref_slice %arg5[%add3A_73, %dma_start3A_76] : memref<12800x512xf32, #tpu.memory_space<hbm>> -> memref<80x512xf32, #tpu.memory_space<hbm>>
    tpu.enqueue_dma source(%arg9 : memref<80x512xf32, #tpu.memory_space<vmem>>) target(%dma_start3A_77 : memref<80x512xf32, #tpu.memory_space<hbm>>) target_semaphore(%arg14 : memref<!tpu.dma_semaphore, #tpu.memory_space<semaphore_mem>>)
    %dma_wait3A_78 = arith.constant 0 : i32
    %dma_wait3A_79 = arith.constant 0 : i32
    %dma_wait3A_80 = tpu.memref_slice %arg7[%dma_wait3A_78, %dma_wait3A_79] : memref<5x80xi32, #tpu.memory_space<vmem>> -> memref<1x80xi32, #tpu.memory_space<vmem>>
    %dma_wait3A_81 = tpu.memref_squeeze %dma_wait3A_80 : memref<1x80xi32, #tpu.memory_space<vmem>> -> memref<80xi32, #tpu.memory_space<vmem>>
    %dma_wait3A_82 = arith.constant 0 : i32
    %dma_wait3A_83 = arith.constant 0 : i32
    %dma_wait3A_84 = tpu.memref_slice %arg2[%dma_wait3A_82, %dma_wait3A_83] : memref<50000x512xf32, #tpu.memory_space<hbm>> -> memref<50000x512xf32, #tpu.memory_space<hbm>>
    tpu.wait_indirect_dma semaphore(%arg13 : memref<!tpu.dma_semaphore, #tpu.memory_space<semaphore_mem>>) src(%dma_wait3A_84 : memref<50000x512xf32, #tpu.memory_space<hbm>>) dst(%arg10 : memref<80x512xf32, #tpu.memory_space<vmem>>)
    %dma_wait3A_85 = arith.constant 0 : i32
    %dma_wait3A_86 = tpu.memref_slice %arg5[%mul3A_2, %dma_wait3A_85] : memref<12800x512xf32, #tpu.memory_space<hbm>> -> memref<80x512xf32, #tpu.memory_space<hbm>>
    %dma_wait3A_87 = arith.constant 0 : i32
    %dma_wait3A_88 = tpu.memref_slice %arg5[%mul3A_2, %dma_wait3A_87] : memref<12800x512xf32, #tpu.memory_space<hbm>> -> memref<80x512xf32, #tpu.memory_space<hbm>>
    tpu.wait_dma2 semaphore(%arg14 : memref<!tpu.dma_semaphore, #tpu.memory_space<semaphore_mem>>) src(%arg9 : memref<80x512xf32, #tpu.memory_space<vmem>>) dst(%dma_wait3A_88 : memref<80x512xf32, #tpu.memory_space<hbm>>)
    %dma_start3A_89 = arith.constant 4 : i32
    %dma_start3A_90 = arith.constant 0 : i32
    %dma_start3A_91 = tpu.memref_slice %arg7[%dma_start3A_89, %dma_start3A_90] : memref<5x80xi32, #tpu.memory_space<vmem>> -> memref<1x80xi32, #tpu.memory_space<vmem>>
    %dma_start3A_92 = tpu.memref_squeeze %dma_start3A_91 : memref<1x80xi32, #tpu.memory_space<vmem>> -> memref<80xi32, #tpu.memory_space<vmem>>
    %dma_start3A_93 = arith.constant 0 : i32
    %dma_start3A_94 = arith.constant 0 : i32
    %dma_start3A_95 = tpu.memref_slice %arg2[%dma_start3A_93, %dma_start3A_94] : memref<50000x512xf32, #tpu.memory_space<hbm>> -> memref<50000x512xf32, #tpu.memory_space<hbm>>
    tpu.enqueue_indirect_dma source(%dma_start3A_95 : memref<50000x512xf32, #tpu.memory_space<hbm>>) target(%arg9 : memref<80x512xf32, #tpu.memory_space<vmem>>) offsets(%dma_start3A_92 : memref<80xi32, #tpu.memory_space<vmem>>) semaphore(%arg12 : memref<!tpu.dma_semaphore, #tpu.memory_space<semaphore_mem>>)
    %add3A_96 = arith.constant 240 : i32
    %add3A_97 = arith.addi %mul3A_2, %add3A_96 : i32
    %dma_start3A_98 = arith.constant 0 : i32
    %dma_start3A_99 = tpu.memref_slice %arg5[%add3A_97, %dma_start3A_98] : memref<12800x512xf32, #tpu.memory_space<hbm>> -> memref<80x512xf32, #tpu.memory_space<hbm>>
    %dma_start3A_100 = arith.constant 0 : i32
    %dma_start3A_101 = tpu.memref_slice %arg5[%add3A_97, %dma_start3A_100] : memref<12800x512xf32, #tpu.memory_space<hbm>> -> memref<80x512xf32, #tpu.memory_space<hbm>>
    tpu.enqueue_dma source(%arg10 : memref<80x512xf32, #tpu.memory_space<vmem>>) target(%dma_start3A_101 : memref<80x512xf32, #tpu.memory_space<hbm>>) target_semaphore(%arg15 : memref<!tpu.dma_semaphore, #tpu.memory_space<semaphore_mem>>)
    %dma_wait3A_102 = arith.constant 0 : i32
    %dma_wait3A_103 = arith.constant 0 : i32
    %dma_wait3A_104 = tpu.memref_slice %arg7[%dma_wait3A_102, %dma_wait3A_103] : memref<5x80xi32, #tpu.memory_space<vmem>> -> memref<1x80xi32, #tpu.memory_space<vmem>>
    %dma_wait3A_105 = tpu.memref_squeeze %dma_wait3A_104 : memref<1x80xi32, #tpu.memory_space<vmem>> -> memref<80xi32, #tpu.memory_space<vmem>>
    %dma_wait3A_106 = arith.constant 0 : i32
    %dma_wait3A_107 = arith.constant 0 : i32
    %dma_wait3A_108 = tpu.memref_slice %arg2[%dma_wait3A_106, %dma_wait3A_107] : memref<50000x512xf32, #tpu.memory_space<hbm>> -> memref<50000x512xf32, #tpu.memory_space<hbm>>
    tpu.wait_indirect_dma semaphore(%arg12 : memref<!tpu.dma_semaphore, #tpu.memory_space<semaphore_mem>>) src(%dma_wait3A_108 : memref<50000x512xf32, #tpu.memory_space<hbm>>) dst(%arg9 : memref<80x512xf32, #tpu.memory_space<vmem>>)
    %add3A_109 = arith.constant 320 : i32
    %add3A_110 = arith.addi %mul3A_2, %add3A_109 : i32
    %dma_start3A_111 = arith.constant 0 : i32
    %dma_start3A_112 = tpu.memref_slice %arg5[%add3A_110, %dma_start3A_111] : memref<12800x512xf32, #tpu.memory_space<hbm>> -> memref<80x512xf32, #tpu.memory_space<hbm>>
    %dma_start3A_113 = arith.constant 0 : i32
    %dma_start3A_114 = tpu.memref_slice %arg5[%add3A_110, %dma_start3A_113] : memref<12800x512xf32, #tpu.memory_space<hbm>> -> memref<80x512xf32, #tpu.memory_space<hbm>>
    tpu.enqueue_dma source(%arg9 : memref<80x512xf32, #tpu.memory_space<vmem>>) target(%dma_start3A_114 : memref<80x512xf32, #tpu.memory_space<hbm>>) target_semaphore(%arg14 : memref<!tpu.dma_semaphore, #tpu.memory_space<semaphore_mem>>)
    %dma_wait3A_115 = arith.constant 0 : i32
    %dma_wait3A_116 = tpu.memref_slice %arg5[%mul3A_2, %dma_wait3A_115] : memref<12800x512xf32, #tpu.memory_space<hbm>> -> memref<80x512xf32, #tpu.memory_space<hbm>>
    %dma_wait3A_117 = arith.constant 0 : i32
    %dma_wait3A_118 = tpu.memref_slice %arg5[%mul3A_2, %dma_wait3A_117] : memref<12800x512xf32, #tpu.memory_space<hbm>> -> memref<80x512xf32, #tpu.memory_space<hbm>>
    tpu.wait_dma2 semaphore(%arg15 : memref<!tpu.dma_semaphore, #tpu.memory_space<semaphore_mem>>) src(%arg10 : memref<80x512xf32, #tpu.memory_space<vmem>>) dst(%dma_wait3A_118 : memref<80x512xf32, #tpu.memory_space<hbm>>)
    %dma_wait3A_119 = arith.constant 0 : i32
    %dma_wait3A_120 = tpu.memref_slice %arg5[%mul3A_2, %dma_wait3A_119] : memref<12800x512xf32, #tpu.memory_space<hbm>> -> memref<80x512xf32, #tpu.memory_space<hbm>>
    %dma_wait3A_121 = arith.constant 0 : i32
    %dma_wait3A_122 = tpu.memref_slice %arg5[%mul3A_2, %dma_wait3A_121] : memref<12800x512xf32, #tpu.memory_space<hbm>> -> memref<80x512xf32, #tpu.memory_space<hbm>>
    tpu.wait_dma2 semaphore(%arg14 : memref<!tpu.dma_semaphore, #tpu.memory_space<semaphore_mem>>) src(%arg9 : memref<80x512xf32, #tpu.memory_space<vmem>>) dst(%dma_wait3A_122 : memref<80x512xf32, #tpu.memory_space<hbm>>)
    %dma_start3A_123 = arith.constant 0 : i32
    %dma_start3A_124 = arith.constant 0 : i32
    %dma_start3A_125 = tpu.memref_slice %arg2[%dma_start3A_123, %dma_start3A_124] : memref<50000x512xf32, #tpu.memory_space<hbm>> -> memref<50000x512xf32, #tpu.memory_space<hbm>>
    tpu.enqueue_indirect_dma source(%dma_start3A_125 : memref<50000x512xf32, #tpu.memory_space<hbm>>) target(%arg11 : memref<16x512xf32, #tpu.memory_space<vmem>>) offsets(%arg8 : memref<16xi32, #tpu.memory_space<vmem>>) semaphore(%arg12 : memref<!tpu.dma_semaphore, #tpu.memory_space<semaphore_mem>>)
    %dma_wait3A_126 = arith.constant 0 : i32
    %dma_wait3A_127 = arith.constant 0 : i32
    %dma_wait3A_128 = tpu.memref_slice %arg2[%dma_wait3A_126, %dma_wait3A_127] : memref<50000x512xf32, #tpu.memory_space<hbm>> -> memref<50000x512xf32, #tpu.memory_space<hbm>>
    tpu.wait_indirect_dma semaphore(%arg12 : memref<!tpu.dma_semaphore, #tpu.memory_space<semaphore_mem>>) src(%dma_wait3A_128 : memref<50000x512xf32, #tpu.memory_space<hbm>>) dst(%arg11 : memref<16x512xf32, #tpu.memory_space<vmem>>)
    %mul3A_129 = arith.constant 16 : i32
    %mul3A_130 = arith.muli %add3A, %mul3A_129 : i32
    "tpu.region"() ({
      %run_scoped3A = tpu.sem_alloc : memref<!tpu.dma_semaphore, #tpu.memory_space<semaphore_mem>>
      %dma_start3A_131 = arith.constant 0 : i32
      %dma_start3A_132 = tpu.memref_slice %arg6[%mul3A_130, %dma_start3A_131] : memref<512x512xf32, #tpu.memory_space<hbm>> -> memref<16x512xf32, #tpu.memory_space<hbm>>
      %dma_start3A_133 = arith.constant 0 : i32
      %dma_start3A_134 = tpu.memref_slice %arg6[%mul3A_130, %dma_start3A_133] : memref<512x512xf32, #tpu.memory_space<hbm>> -> memref<16x512xf32, #tpu.memory_space<hbm>>
      tpu.enqueue_dma source(%arg11 : memref<16x512xf32, #tpu.memory_space<vmem>>) target(%dma_start3A_134 : memref<16x512xf32, #tpu.memory_space<hbm>>) target_semaphore(%run_scoped3A : memref<!tpu.dma_semaphore, #tpu.memory_space<semaphore_mem>>)
      %dma_wait3A_135 = arith.constant 0 : i32
      %dma_wait3A_136 = tpu.memref_slice %arg6[%mul3A_130, %dma_wait3A_135] : memref<512x512xf32, #tpu.memory_space<hbm>> -> memref<16x512xf32, #tpu.memory_space<hbm>>
      %dma_wait3A_137 = arith.constant 0 : i32
      %dma_wait3A_138 = tpu.memref_slice %arg6[%mul3A_130, %dma_wait3A_137] : memref<512x512xf32, #tpu.memory_space<hbm>> -> memref<16x512xf32, #tpu.memory_space<hbm>>
      tpu.wait_dma2 semaphore(%run_scoped3A : memref<!tpu.dma_semaphore, #tpu.memory_space<semaphore_mem>>) src(%arg11 : memref<16x512xf32, #tpu.memory_space<vmem>>) dst(%dma_wait3A_138 : memref<16x512xf32, #tpu.memory_space<hbm>>)
      tpu.yield
    }) : () -> ()
    return
  }
}

#map = affine_map<(d0, d1) -> (0, 0)>
#map1 = affine_map<(d0, d1) -> (0, 0, 0)>
module attributes {stable_mosaic.version = 14 : i64} {
  func.func @k(%arg0: i32, %arg1: i32, %arg2: memref<50000x512xf32, #tpu.memory_space<hbm>>, %arg3: memref<32x50x80xi32, #tpu.memory_space<hbm>>, %arg4: memref<12800x512xf32, #tpu.memory_space<hbm>>, %arg5: memref<50x80xi32, #tpu.memory_space<vmem>>, %arg6: memref<80x512xf32, #tpu.memory_space<vmem>>, %arg7: memref<80x512xf32, #tpu.memory_space<vmem>>, %arg8: memref<8x512xf32, #tpu.memory_space<vmem>>, %arg9: memref<8x512xf32, #tpu.memory_space<vmem>>, %arg10: memref<!tpu.dma_semaphore, #tpu.memory_space<semaphore_mem>>, %arg11: memref<!tpu.dma_semaphore, #tpu.memory_space<semaphore_mem>>, %arg12: memref<!tpu.dma_semaphore, #tpu.memory_space<semaphore_mem>>, %arg13: memref<!tpu.dma_semaphore, #tpu.memory_space<semaphore_mem>>) attributes {dimension_semantics = [#tpu.dimension_semantics<core_parallel>, #tpu.dimension_semantics<subcore_parallel>], iteration_bounds = array<i64: 2, 16>, scalar_prefetch = 0 : i64, scratch_operands = 9 : i64, tpu.core_type = #tpu.core_type<sc_vector_subcore>, window_params = [{transform_indices = #map}, {transform_indices = #map1}, {transform_indices = #map}]} {
    %mul3A = arith.constant 2 : i32
    %mul3A_0 = arith.muli %arg1, %mul3A : i32
    %add3A = arith.addi %mul3A_0, %arg0 : i32
    %mul3A_1 = arith.constant 400 : i32
    %mul3A_2 = arith.muli %add3A, %mul3A_1 : i32
    "tpu.region"() ({
      %run_scoped3A = tpu.sem_alloc : memref<!tpu.dma_semaphore, #tpu.memory_space<semaphore_mem>>
      %dma_start3A_21 = arith.constant 0 : i32
      %dma_start3A_22 = arith.constant 0 : i32
      %dma_start3A_23 = tpu.memref_slice %arg3[%add3A, %dma_start3A_21, %dma_start3A_22] : memref<32x50x80xi32, #tpu.memory_space<hbm>> -> memref<1x50x80xi32, #tpu.memory_space<hbm>>
      %dma_start3A_24 = tpu.memref_squeeze %dma_start3A_23 : memref<1x50x80xi32, #tpu.memory_space<hbm>> -> memref<50x80xi32, #tpu.memory_space<hbm>>
      %dma_start3A_25 = arith.constant 0 : i32
      %dma_start3A_26 = arith.constant 0 : i32
      %dma_start3A_27 = tpu.memref_slice %arg3[%add3A, %dma_start3A_25, %dma_start3A_26] : memref<32x50x80xi32, #tpu.memory_space<hbm>> -> memref<1x50x80xi32, #tpu.memory_space<hbm>>
      %dma_start3A_28 = tpu.memref_squeeze %dma_start3A_27 : memref<1x50x80xi32, #tpu.memory_space<hbm>> -> memref<50x80xi32, #tpu.memory_space<hbm>>
      tpu.enqueue_dma source(%dma_start3A_28 : memref<50x80xi32, #tpu.memory_space<hbm>>) target(%arg5 : memref<50x80xi32, #tpu.memory_space<vmem>>) target_semaphore(%run_scoped3A : memref<!tpu.dma_semaphore, #tpu.memory_space<semaphore_mem>>)
      %dma_wait3A_29 = arith.constant 0 : i32
      %dma_wait3A_30 = arith.constant 0 : i32
      %dma_wait3A_31 = tpu.memref_slice %arg3[%add3A, %dma_wait3A_29, %dma_wait3A_30] : memref<32x50x80xi32, #tpu.memory_space<hbm>> -> memref<1x50x80xi32, #tpu.memory_space<hbm>>
      %dma_wait3A_32 = tpu.memref_squeeze %dma_wait3A_31 : memref<1x50x80xi32, #tpu.memory_space<hbm>> -> memref<50x80xi32, #tpu.memory_space<hbm>>
      %dma_wait3A_33 = arith.constant 0 : i32
      %dma_wait3A_34 = arith.constant 0 : i32
      %dma_wait3A_35 = tpu.memref_slice %arg3[%add3A, %dma_wait3A_33, %dma_wait3A_34] : memref<32x50x80xi32, #tpu.memory_space<hbm>> -> memref<1x50x80xi32, #tpu.memory_space<hbm>>
      %dma_wait3A_36 = tpu.memref_squeeze %dma_wait3A_35 : memref<1x50x80xi32, #tpu.memory_space<hbm>> -> memref<50x80xi32, #tpu.memory_space<hbm>>
      tpu.wait_dma2 semaphore(%run_scoped3A : memref<!tpu.dma_semaphore, #tpu.memory_space<semaphore_mem>>) src(%dma_wait3A_36 : memref<50x80xi32, #tpu.memory_space<hbm>>) dst(%arg5 : memref<50x80xi32, #tpu.memory_space<vmem>>)
      tpu.yield
    }) : () -> ()
    %dma_start3A = arith.constant 0 : i32
    %dma_start3A_3 = arith.constant 0 : i32
    %dma_start3A_4 = tpu.memref_slice %arg5[%dma_start3A, %dma_start3A_3] : memref<50x80xi32, #tpu.memory_space<vmem>> -> memref<1x80xi32, #tpu.memory_space<vmem>>
    %dma_start3A_5 = tpu.memref_squeeze %dma_start3A_4 : memref<1x80xi32, #tpu.memory_space<vmem>> -> memref<80xi32, #tpu.memory_space<vmem>>
    %dma_start3A_6 = arith.constant 0 : i32
    %dma_start3A_7 = arith.constant 0 : i32
    %dma_start3A_8 = tpu.memref_slice %arg2[%dma_start3A_6, %dma_start3A_7] : memref<50000x512xf32, #tpu.memory_space<hbm>> -> memref<50000x512xf32, #tpu.memory_space<hbm>>
    tpu.enqueue_indirect_dma source(%dma_start3A_8 : memref<50000x512xf32, #tpu.memory_space<hbm>>) target(%arg6 : memref<80x512xf32, #tpu.memory_space<vmem>>) offsets(%dma_start3A_5 : memref<80xi32, #tpu.memory_space<vmem>>) semaphore(%arg10 : memref<!tpu.dma_semaphore, #tpu.memory_space<semaphore_mem>>)
    %scan3A = arith.constant 0 : i32
    %scan3A_9 = arith.constant 0 : i32
    %scan3A_10 = arith.constant 25 : i32
    %scan3A_11 = arith.addi %scan3A_9, %scan3A_10 : i32
    %scan3A_12 = arith.constant 1 : i32
    scf.for %scan3A_21 = %scan3A_9 to %scan3A_11 step %scan3A_12  : i32 {
      %mul3A_22 = arith.constant 2 : i32
      %mul3A_23 = arith.muli %mul3A_22, %scan3A_21 : i32
      %dma_wait3A_24 = arith.constant 0 : i32
      %dma_wait3A_25 = arith.constant 0 : i32
      %dma_wait3A_26 = tpu.memref_slice %arg5[%dma_wait3A_24, %dma_wait3A_25] : memref<50x80xi32, #tpu.memory_space<vmem>> -> memref<1x80xi32, #tpu.memory_space<vmem>>
      %dma_wait3A_27 = tpu.memref_squeeze %dma_wait3A_26 : memref<1x80xi32, #tpu.memory_space<vmem>> -> memref<80xi32, #tpu.memory_space<vmem>>
      %dma_wait3A_28 = arith.constant 0 : i32
      %dma_wait3A_29 = arith.constant 0 : i32
      %dma_wait3A_30 = tpu.memref_slice %arg2[%dma_wait3A_28, %dma_wait3A_29] : memref<50000x512xf32, #tpu.memory_space<hbm>> -> memref<50000x512xf32, #tpu.memory_space<hbm>>
      tpu.wait_indirect_dma semaphore(%arg10 : memref<!tpu.dma_semaphore, #tpu.memory_space<semaphore_mem>>) src(%dma_wait3A_30 : memref<50000x512xf32, #tpu.memory_space<hbm>>) dst(%arg6 : memref<80x512xf32, #tpu.memory_space<vmem>>)
      %add3A_31 = arith.constant 1 : i32
      %add3A_32 = arith.addi %mul3A_23, %add3A_31 : i32
      %dma_start3A_33 = arith.constant 0 : i32
      %dma_start3A_34 = tpu.memref_slice %arg5[%add3A_32, %dma_start3A_33] : memref<50x80xi32, #tpu.memory_space<vmem>> -> memref<1x80xi32, #tpu.memory_space<vmem>>
      %dma_start3A_35 = tpu.memref_squeeze %dma_start3A_34 : memref<1x80xi32, #tpu.memory_space<vmem>> -> memref<80xi32, #tpu.memory_space<vmem>>
      %dma_start3A_36 = arith.constant 0 : i32
      %dma_start3A_37 = arith.constant 0 : i32
      %dma_start3A_38 = tpu.memref_slice %arg2[%dma_start3A_36, %dma_start3A_37] : memref<50000x512xf32, #tpu.memory_space<hbm>> -> memref<50000x512xf32, #tpu.memory_space<hbm>>
      tpu.enqueue_indirect_dma source(%dma_start3A_38 : memref<50000x512xf32, #tpu.memory_space<hbm>>) target(%arg7 : memref<80x512xf32, #tpu.memory_space<vmem>>) offsets(%dma_start3A_35 : memref<80xi32, #tpu.memory_space<vmem>>) semaphore(%arg11 : memref<!tpu.dma_semaphore, #tpu.memory_space<semaphore_mem>>)
      %ge3A = arith.constant 2 : i32
      %ge3A_39 = arith.cmpi sge, %mul3A_23, %ge3A : i32
      %convert_element_type3A = arith.extui %ge3A_39 : i1 to i32
      %cond3A = arith.constant 0 : i32
      %cond3A_40 = arith.cmpi ne, %convert_element_type3A, %cond3A : i32
      scf.if %cond3A_40 {
        %dma_wait3A_87 = arith.constant 0 : i32
        %dma_wait3A_88 = tpu.memref_slice %arg4[%mul3A_2, %dma_wait3A_87] : memref<12800x512xf32, #tpu.memory_space<hbm>> -> memref<8x512xf32, #tpu.memory_space<hbm>>
        %dma_wait3A_89 = arith.constant 0 : i32
        %dma_wait3A_90 = tpu.memref_slice %arg4[%mul3A_2, %dma_wait3A_89] : memref<12800x512xf32, #tpu.memory_space<hbm>> -> memref<8x512xf32, #tpu.memory_space<hbm>>
        tpu.wait_dma2 semaphore(%arg12 : memref<!tpu.dma_semaphore, #tpu.memory_space<semaphore_mem>>) src(%arg8 : memref<8x512xf32, #tpu.memory_space<vmem>>) dst(%dma_wait3A_90 : memref<8x512xf32, #tpu.memory_space<hbm>>)
      } else {
      }
      %scan3A_41 = arith.constant 0 : i32
      %scan3A_42 = arith.constant 0 : i32
      %scan3A_43 = arith.constant 32 : i32
      %scan3A_44 = arith.addi %scan3A_42, %scan3A_43 : i32
      %scan3A_45 = arith.constant 1 : i32
      scf.for %scan3A_87 = %scan3A_42 to %scan3A_44 step %scan3A_45  : i32 {
        %mul3A_88 = arith.constant 16 : i32
        %mul3A_89 = arith.muli %scan3A_87, %mul3A_88 : i32
        %get3A = arith.constant 0 : i32
        %get3A_90 = arith.index_cast %get3A : i32 to index
        %get3A_91 = arith.index_cast %mul3A_89 : i32 to index
        %get3A_92 = tpu.vector_load %arg6[%get3A_90, %get3A_91] {strides = array<i32>} : memref<80x512xf32, #tpu.memory_space<vmem>>, vector<1x16xf32>,
        %get3A_93 = vector.shape_cast %get3A_92 : vector<1x16xf32> to vector<16xf32>
        %get3A_94 = arith.constant 10 : i32
        %get3A_95 = arith.index_cast %get3A_94 : i32 to index
        %get3A_96 = arith.index_cast %mul3A_89 : i32 to index
        %get3A_97 = tpu.vector_load %arg6[%get3A_95, %get3A_96] {strides = array<i32>} : memref<80x512xf32, #tpu.memory_space<vmem>>, vector<1x16xf32>,
        %get3A_98 = vector.shape_cast %get3A_97 : vector<1x16xf32> to vector<16xf32>
        %get3A_99 = arith.constant 20 : i32
        %get3A_100 = arith.index_cast %get3A_99 : i32 to index
        %get3A_101 = arith.index_cast %mul3A_89 : i32 to index
        %get3A_102 = tpu.vector_load %arg6[%get3A_100, %get3A_101] {strides = array<i32>} : memref<80x512xf32, #tpu.memory_space<vmem>>, vector<1x16xf32>,
        %get3A_103 = vector.shape_cast %get3A_102 : vector<1x16xf32> to vector<16xf32>
        %get3A_104 = arith.constant 30 : i32
        %get3A_105 = arith.index_cast %get3A_104 : i32 to index
        %get3A_106 = arith.index_cast %mul3A_89 : i32 to index
        %get3A_107 = tpu.vector_load %arg6[%get3A_105, %get3A_106] {strides = array<i32>} : memref<80x512xf32, #tpu.memory_space<vmem>>, vector<1x16xf32>,
        %get3A_108 = vector.shape_cast %get3A_107 : vector<1x16xf32> to vector<16xf32>
        %get3A_109 = arith.constant 40 : i32
        %get3A_110 = arith.index_cast %get3A_109 : i32 to index
        %get3A_111 = arith.index_cast %mul3A_89 : i32 to index
        %get3A_112 = tpu.vector_load %arg6[%get3A_110, %get3A_111] {strides = array<i32>} : memref<80x512xf32, #tpu.memory_space<vmem>>, vector<1x16xf32>,
        %get3A_113 = vector.shape_cast %get3A_112 : vector<1x16xf32> to vector<16xf32>
        %get3A_114 = arith.constant 50 : i32
        %get3A_115 = arith.index_cast %get3A_114 : i32 to index
        %get3A_116 = arith.index_cast %mul3A_89 : i32 to index
        %get3A_117 = tpu.vector_load %arg6[%get3A_115, %get3A_116] {strides = array<i32>} : memref<80x512xf32, #tpu.memory_space<vmem>>, vector<1x16xf32>,
        %get3A_118 = vector.shape_cast %get3A_117 : vector<1x16xf32> to vector<16xf32>
        %get3A_119 = arith.constant 60 : i32
        %get3A_120 = arith.index_cast %get3A_119 : i32 to index
        %get3A_121 = arith.index_cast %mul3A_89 : i32 to index
        %get3A_122 = tpu.vector_load %arg6[%get3A_120, %get3A_121] {strides = array<i32>} : memref<80x512xf32, #tpu.memory_space<vmem>>, vector<1x16xf32>,
        %get3A_123 = vector.shape_cast %get3A_122 : vector<1x16xf32> to vector<16xf32>
        %get3A_124 = arith.constant 70 : i32
        %get3A_125 = arith.index_cast %get3A_124 : i32 to index
        %get3A_126 = arith.index_cast %mul3A_89 : i32 to index
        %get3A_127 = tpu.vector_load %arg6[%get3A_125, %get3A_126] {strides = array<i32>} : memref<80x512xf32, #tpu.memory_space<vmem>>, vector<1x16xf32>,
        %get3A_128 = vector.shape_cast %get3A_127 : vector<1x16xf32> to vector<16xf32>
        %get3A_129 = arith.constant 1 : i32
        %get3A_130 = arith.index_cast %get3A_129 : i32 to index
        %get3A_131 = arith.index_cast %mul3A_89 : i32 to index
        %get3A_132 = tpu.vector_load %arg6[%get3A_130, %get3A_131] {strides = array<i32>} : memref<80x512xf32, #tpu.memory_space<vmem>>, vector<1x16xf32>,
        %get3A_133 = vector.shape_cast %get3A_132 : vector<1x16xf32> to vector<16xf32>
        %add3A_134 = arith.addf %get3A_93, %get3A_133 : vector<16xf32>
        %get3A_135 = arith.constant 11 : i32
        %get3A_136 = arith.index_cast %get3A_135 : i32 to index
        %get3A_137 = arith.index_cast %mul3A_89 : i32 to index
        %get3A_138 = tpu.vector_load %arg6[%get3A_136, %get3A_137] {strides = array<i32>} : memref<80x512xf32, #tpu.memory_space<vmem>>, vector<1x16xf32>,
        %get3A_139 = vector.shape_cast %get3A_138 : vector<1x16xf32> to vector<16xf32>
        %add3A_140 = arith.addf %get3A_98, %get3A_139 : vector<16xf32>
        %get3A_141 = arith.constant 21 : i32
        %get3A_142 = arith.index_cast %get3A_141 : i32 to index
        %get3A_143 = arith.index_cast %mul3A_89 : i32 to index
        %get3A_144 = tpu.vector_load %arg6[%get3A_142, %get3A_143] {strides = array<i32>} : memref<80x512xf32, #tpu.memory_space<vmem>>, vector<1x16xf32>,
        %get3A_145 = vector.shape_cast %get3A_144 : vector<1x16xf32> to vector<16xf32>
        %add3A_146 = arith.addf %get3A_103, %get3A_145 : vector<16xf32>
        %get3A_147 = arith.constant 31 : i32
        %get3A_148 = arith.index_cast %get3A_147 : i32 to index
        %get3A_149 = arith.index_cast %mul3A_89 : i32 to index
        %get3A_150 = tpu.vector_load %arg6[%get3A_148, %get3A_149] {strides = array<i32>} : memref<80x512xf32, #tpu.memory_space<vmem>>, vector<1x16xf32>,
        %get3A_151 = vector.shape_cast %get3A_150 : vector<1x16xf32> to vector<16xf32>
        %add3A_152 = arith.addf %get3A_108, %get3A_151 : vector<16xf32>
        %get3A_153 = arith.constant 41 : i32
        %get3A_154 = arith.index_cast %get3A_153 : i32 to index
        %get3A_155 = arith.index_cast %mul3A_89 : i32 to index
        %get3A_156 = tpu.vector_load %arg6[%get3A_154, %get3A_155] {strides = array<i32>} : memref<80x512xf32, #tpu.memory_space<vmem>>, vector<1x16xf32>,
        %get3A_157 = vector.shape_cast %get3A_156 : vector<1x16xf32> to vector<16xf32>
        %add3A_158 = arith.addf %get3A_113, %get3A_157 : vector<16xf32>
        %get3A_159 = arith.constant 51 : i32
        %get3A_160 = arith.index_cast %get3A_159 : i32 to index
        %get3A_161 = arith.index_cast %mul3A_89 : i32 to index
        %get3A_162 = tpu.vector_load %arg6[%get3A_160, %get3A_161] {strides = array<i32>} : memref<80x512xf32, #tpu.memory_space<vmem>>, vector<1x16xf32>,
        %get3A_163 = vector.shape_cast %get3A_162 : vector<1x16xf32> to vector<16xf32>
        %add3A_164 = arith.addf %get3A_118, %get3A_163 : vector<16xf32>
        %get3A_165 = arith.constant 61 : i32
        %get3A_166 = arith.index_cast %get3A_165 : i32 to index
        %get3A_167 = arith.index_cast %mul3A_89 : i32 to index
        %get3A_168 = tpu.vector_load %arg6[%get3A_166, %get3A_167] {strides = array<i32>} : memref<80x512xf32, #tpu.memory_space<vmem>>, vector<1x16xf32>,
        %get3A_169 = vector.shape_cast %get3A_168 : vector<1x16xf32> to vector<16xf32>
        %add3A_170 = arith.addf %get3A_123, %get3A_169 : vector<16xf32>
        %get3A_171 = arith.constant 71 : i32
        %get3A_172 = arith.index_cast %get3A_171 : i32 to index
        %get3A_173 = arith.index_cast %mul3A_89 : i32 to index
        %get3A_174 = tpu.vector_load %arg6[%get3A_172, %get3A_173] {strides = array<i32>} : memref<80x512xf32, #tpu.memory_space<vmem>>, vector<1x16xf32>,
        %get3A_175 = vector.shape_cast %get3A_174 : vector<1x16xf32> to vector<16xf32>
        %add3A_176 = arith.addf %get3A_128, %get3A_175 : vector<16xf32>
        %get3A_177 = arith.constant 2 : i32
        %get3A_178 = arith.index_cast %get3A_177 : i32 to index
        %get3A_179 = arith.index_cast %mul3A_89 : i32 to index
        %get3A_180 = tpu.vector_load %arg6[%get3A_178, %get3A_179] {strides = array<i32>} : memref<80x512xf32, #tpu.memory_space<vmem>>, vector<1x16xf32>,
        %get3A_181 = vector.shape_cast %get3A_180 : vector<1x16xf32> to vector<16xf32>
        %add3A_182 = arith.addf %add3A_134, %get3A_181 : vector<16xf32>
        %get3A_183 = arith.constant 12 : i32
        %get3A_184 = arith.index_cast %get3A_183 : i32 to index
        %get3A_185 = arith.index_cast %mul3A_89 : i32 to index
        %get3A_186 = tpu.vector_load %arg6[%get3A_184, %get3A_185] {strides = array<i32>} : memref<80x512xf32, #tpu.memory_space<vmem>>, vector<1x16xf32>,
        %get3A_187 = vector.shape_cast %get3A_186 : vector<1x16xf32> to vector<16xf32>
        %add3A_188 = arith.addf %add3A_140, %get3A_187 : vector<16xf32>
        %get3A_189 = arith.constant 22 : i32
        %get3A_190 = arith.index_cast %get3A_189 : i32 to index
        %get3A_191 = arith.index_cast %mul3A_89 : i32 to index
        %get3A_192 = tpu.vector_load %arg6[%get3A_190, %get3A_191] {strides = array<i32>} : memref<80x512xf32, #tpu.memory_space<vmem>>, vector<1x16xf32>,
        %get3A_193 = vector.shape_cast %get3A_192 : vector<1x16xf32> to vector<16xf32>
        %add3A_194 = arith.addf %add3A_146, %get3A_193 : vector<16xf32>
        %get3A_195 = arith.constant 32 : i32
        %get3A_196 = arith.index_cast %get3A_195 : i32 to index
        %get3A_197 = arith.index_cast %mul3A_89 : i32 to index
        %get3A_198 = tpu.vector_load %arg6[%get3A_196, %get3A_197] {strides = array<i32>} : memref<80x512xf32, #tpu.memory_space<vmem>>, vector<1x16xf32>,
        %get3A_199 = vector.shape_cast %get3A_198 : vector<1x16xf32> to vector<16xf32>
        %add3A_200 = arith.addf %add3A_152, %get3A_199 : vector<16xf32>
        %get3A_201 = arith.constant 42 : i32
        %get3A_202 = arith.index_cast %get3A_201 : i32 to index
        %get3A_203 = arith.index_cast %mul3A_89 : i32 to index
        %get3A_204 = tpu.vector_load %arg6[%get3A_202, %get3A_203] {strides = array<i32>} : memref<80x512xf32, #tpu.memory_space<vmem>>, vector<1x16xf32>,
        %get3A_205 = vector.shape_cast %get3A_204 : vector<1x16xf32> to vector<16xf32>
        %add3A_206 = arith.addf %add3A_158, %get3A_205 : vector<16xf32>
        %get3A_207 = arith.constant 52 : i32
        %get3A_208 = arith.index_cast %get3A_207 : i32 to index
        %get3A_209 = arith.index_cast %mul3A_89 : i32 to index
        %get3A_210 = tpu.vector_load %arg6[%get3A_208, %get3A_209] {strides = array<i32>} : memref<80x512xf32, #tpu.memory_space<vmem>>, vector<1x16xf32>,
        %get3A_211 = vector.shape_cast %get3A_210 : vector<1x16xf32> to vector<16xf32>
        %add3A_212 = arith.addf %add3A_164, %get3A_211 : vector<16xf32>
        %get3A_213 = arith.constant 62 : i32
        %get3A_214 = arith.index_cast %get3A_213 : i32 to index
        %get3A_215 = arith.index_cast %mul3A_89 : i32 to index
        %get3A_216 = tpu.vector_load %arg6[%get3A_214, %get3A_215] {strides = array<i32>} : memref<80x512xf32, #tpu.memory_space<vmem>>, vector<1x16xf32>,
        %get3A_217 = vector.shape_cast %get3A_216 : vector<1x16xf32> to vector<16xf32>
        %add3A_218 = arith.addf %add3A_170, %get3A_217 : vector<16xf32>
        %get3A_219 = arith.constant 72 : i32
        %get3A_220 = arith.index_cast %get3A_219 : i32 to index
        %get3A_221 = arith.index_cast %mul3A_89 : i32 to index
        %get3A_222 = tpu.vector_load %arg6[%get3A_220, %get3A_221] {strides = array<i32>} : memref<80x512xf32, #tpu.memory_space<vmem>>, vector<1x16xf32>,
        %get3A_223 = vector.shape_cast %get3A_222 : vector<1x16xf32> to vector<16xf32>
        %add3A_224 = arith.addf %add3A_176, %get3A_223 : vector<16xf32>
        %get3A_225 = arith.constant 3 : i32
        %get3A_226 = arith.index_cast %get3A_225 : i32 to index
        %get3A_227 = arith.index_cast %mul3A_89 : i32 to index
        %get3A_228 = tpu.vector_load %arg6[%get3A_226, %get3A_227] {strides = array<i32>} : memref<80x512xf32, #tpu.memory_space<vmem>>, vector<1x16xf32>,
        %get3A_229 = vector.shape_cast %get3A_228 : vector<1x16xf32> to vector<16xf32>
        %add3A_230 = arith.addf %add3A_182, %get3A_229 : vector<16xf32>
        %get3A_231 = arith.constant 13 : i32
        %get3A_232 = arith.index_cast %get3A_231 : i32 to index
        %get3A_233 = arith.index_cast %mul3A_89 : i32 to index
        %get3A_234 = tpu.vector_load %arg6[%get3A_232, %get3A_233] {strides = array<i32>} : memref<80x512xf32, #tpu.memory_space<vmem>>, vector<1x16xf32>,
        %get3A_235 = vector.shape_cast %get3A_234 : vector<1x16xf32> to vector<16xf32>
        %add3A_236 = arith.addf %add3A_188, %get3A_235 : vector<16xf32>
        %get3A_237 = arith.constant 23 : i32
        %get3A_238 = arith.index_cast %get3A_237 : i32 to index
        %get3A_239 = arith.index_cast %mul3A_89 : i32 to index
        %get3A_240 = tpu.vector_load %arg6[%get3A_238, %get3A_239] {strides = array<i32>} : memref<80x512xf32, #tpu.memory_space<vmem>>, vector<1x16xf32>,
        %get3A_241 = vector.shape_cast %get3A_240 : vector<1x16xf32> to vector<16xf32>
        %add3A_242 = arith.addf %add3A_194, %get3A_241 : vector<16xf32>
        %get3A_243 = arith.constant 33 : i32
        %get3A_244 = arith.index_cast %get3A_243 : i32 to index
        %get3A_245 = arith.index_cast %mul3A_89 : i32 to index
        %get3A_246 = tpu.vector_load %arg6[%get3A_244, %get3A_245] {strides = array<i32>} : memref<80x512xf32, #tpu.memory_space<vmem>>, vector<1x16xf32>,
        %get3A_247 = vector.shape_cast %get3A_246 : vector<1x16xf32> to vector<16xf32>
        %add3A_248 = arith.addf %add3A_200, %get3A_247 : vector<16xf32>
        %get3A_249 = arith.constant 43 : i32
        %get3A_250 = arith.index_cast %get3A_249 : i32 to index
        %get3A_251 = arith.index_cast %mul3A_89 : i32 to index
        %get3A_252 = tpu.vector_load %arg6[%get3A_250, %get3A_251] {strides = array<i32>} : memref<80x512xf32, #tpu.memory_space<vmem>>, vector<1x16xf32>,
        %get3A_253 = vector.shape_cast %get3A_252 : vector<1x16xf32> to vector<16xf32>
        %add3A_254 = arith.addf %add3A_206, %get3A_253 : vector<16xf32>
        %get3A_255 = arith.constant 53 : i32
        %get3A_256 = arith.index_cast %get3A_255 : i32 to index
        %get3A_257 = arith.index_cast %mul3A_89 : i32 to index
        %get3A_258 = tpu.vector_load %arg6[%get3A_256, %get3A_257] {strides = array<i32>} : memref<80x512xf32, #tpu.memory_space<vmem>>, vector<1x16xf32>,
        %get3A_259 = vector.shape_cast %get3A_258 : vector<1x16xf32> to vector<16xf32>
        %add3A_260 = arith.addf %add3A_212, %get3A_259 : vector<16xf32>
        %get3A_261 = arith.constant 63 : i32
        %get3A_262 = arith.index_cast %get3A_261 : i32 to index
        %get3A_263 = arith.index_cast %mul3A_89 : i32 to index
        %get3A_264 = tpu.vector_load %arg6[%get3A_262, %get3A_263] {strides = array<i32>} : memref<80x512xf32, #tpu.memory_space<vmem>>, vector<1x16xf32>,
        %get3A_265 = vector.shape_cast %get3A_264 : vector<1x16xf32> to vector<16xf32>
        %add3A_266 = arith.addf %add3A_218, %get3A_265 : vector<16xf32>
        %get3A_267 = arith.constant 73 : i32
        %get3A_268 = arith.index_cast %get3A_267 : i32 to index
        %get3A_269 = arith.index_cast %mul3A_89 : i32 to index
        %get3A_270 = tpu.vector_load %arg6[%get3A_268, %get3A_269] {strides = array<i32>} : memref<80x512xf32, #tpu.memory_space<vmem>>, vector<1x16xf32>,
        %get3A_271 = vector.shape_cast %get3A_270 : vector<1x16xf32> to vector<16xf32>
        %add3A_272 = arith.addf %add3A_224, %get3A_271 : vector<16xf32>
        %get3A_273 = arith.constant 4 : i32
        %get3A_274 = arith.index_cast %get3A_273 : i32 to index
        %get3A_275 = arith.index_cast %mul3A_89 : i32 to index
        %get3A_276 = tpu.vector_load %arg6[%get3A_274, %get3A_275] {strides = array<i32>} : memref<80x512xf32, #tpu.memory_space<vmem>>, vector<1x16xf32>,
        %get3A_277 = vector.shape_cast %get3A_276 : vector<1x16xf32> to vector<16xf32>
        %add3A_278 = arith.addf %add3A_230, %get3A_277 : vector<16xf32>
        %get3A_279 = arith.constant 14 : i32
        %get3A_280 = arith.index_cast %get3A_279 : i32 to index
        %get3A_281 = arith.index_cast %mul3A_89 : i32 to index
        %get3A_282 = tpu.vector_load %arg6[%get3A_280, %get3A_281] {strides = array<i32>} : memref<80x512xf32, #tpu.memory_space<vmem>>, vector<1x16xf32>,
        %get3A_283 = vector.shape_cast %get3A_282 : vector<1x16xf32> to vector<16xf32>
        %add3A_284 = arith.addf %add3A_236, %get3A_283 : vector<16xf32>
        %get3A_285 = arith.constant 24 : i32
        %get3A_286 = arith.index_cast %get3A_285 : i32 to index
        %get3A_287 = arith.index_cast %mul3A_89 : i32 to index
        %get3A_288 = tpu.vector_load %arg6[%get3A_286, %get3A_287] {strides = array<i32>} : memref<80x512xf32, #tpu.memory_space<vmem>>, vector<1x16xf32>,
        %get3A_289 = vector.shape_cast %get3A_288 : vector<1x16xf32> to vector<16xf32>
        %add3A_290 = arith.addf %add3A_242, %get3A_289 : vector<16xf32>
        %get3A_291 = arith.constant 34 : i32
        %get3A_292 = arith.index_cast %get3A_291 : i32 to index
        %get3A_293 = arith.index_cast %mul3A_89 : i32 to index
        %get3A_294 = tpu.vector_load %arg6[%get3A_292, %get3A_293] {strides = array<i32>} : memref<80x512xf32, #tpu.memory_space<vmem>>, vector<1x16xf32>,
        %get3A_295 = vector.shape_cast %get3A_294 : vector<1x16xf32> to vector<16xf32>
        %add3A_296 = arith.addf %add3A_248, %get3A_295 : vector<16xf32>
        %get3A_297 = arith.constant 44 : i32
        %get3A_298 = arith.index_cast %get3A_297 : i32 to index
        %get3A_299 = arith.index_cast %mul3A_89 : i32 to index
        %get3A_300 = tpu.vector_load %arg6[%get3A_298, %get3A_299] {strides = array<i32>} : memref<80x512xf32, #tpu.memory_space<vmem>>, vector<1x16xf32>,
        %get3A_301 = vector.shape_cast %get3A_300 : vector<1x16xf32> to vector<16xf32>
        %add3A_302 = arith.addf %add3A_254, %get3A_301 : vector<16xf32>
        %get3A_303 = arith.constant 54 : i32
        %get3A_304 = arith.index_cast %get3A_303 : i32 to index
        %get3A_305 = arith.index_cast %mul3A_89 : i32 to index
        %get3A_306 = tpu.vector_load %arg6[%get3A_304, %get3A_305] {strides = array<i32>} : memref<80x512xf32, #tpu.memory_space<vmem>>, vector<1x16xf32>,
        %get3A_307 = vector.shape_cast %get3A_306 : vector<1x16xf32> to vector<16xf32>
        %add3A_308 = arith.addf %add3A_260, %get3A_307 : vector<16xf32>
        %get3A_309 = arith.constant 64 : i32
        %get3A_310 = arith.index_cast %get3A_309 : i32 to index
        %get3A_311 = arith.index_cast %mul3A_89 : i32 to index
        %get3A_312 = tpu.vector_load %arg6[%get3A_310, %get3A_311] {strides = array<i32>} : memref<80x512xf32, #tpu.memory_space<vmem>>, vector<1x16xf32>,
        %get3A_313 = vector.shape_cast %get3A_312 : vector<1x16xf32> to vector<16xf32>
        %add3A_314 = arith.addf %add3A_266, %get3A_313 : vector<16xf32>
        %get3A_315 = arith.constant 74 : i32
        %get3A_316 = arith.index_cast %get3A_315 : i32 to index
        %get3A_317 = arith.index_cast %mul3A_89 : i32 to index
        %get3A_318 = tpu.vector_load %arg6[%get3A_316, %get3A_317] {strides = array<i32>} : memref<80x512xf32, #tpu.memory_space<vmem>>, vector<1x16xf32>,
        %get3A_319 = vector.shape_cast %get3A_318 : vector<1x16xf32> to vector<16xf32>
        %add3A_320 = arith.addf %add3A_272, %get3A_319 : vector<16xf32>
        %get3A_321 = arith.constant 5 : i32
        %get3A_322 = arith.index_cast %get3A_321 : i32 to index
        %get3A_323 = arith.index_cast %mul3A_89 : i32 to index
        %get3A_324 = tpu.vector_load %arg6[%get3A_322, %get3A_323] {strides = array<i32>} : memref<80x512xf32, #tpu.memory_space<vmem>>, vector<1x16xf32>,
        %get3A_325 = vector.shape_cast %get3A_324 : vector<1x16xf32> to vector<16xf32>
        %add3A_326 = arith.addf %add3A_278, %get3A_325 : vector<16xf32>
        %get3A_327 = arith.constant 15 : i32
        %get3A_328 = arith.index_cast %get3A_327 : i32 to index
        %get3A_329 = arith.index_cast %mul3A_89 : i32 to index
        %get3A_330 = tpu.vector_load %arg6[%get3A_328, %get3A_329] {strides = array<i32>} : memref<80x512xf32, #tpu.memory_space<vmem>>, vector<1x16xf32>,
        %get3A_331 = vector.shape_cast %get3A_330 : vector<1x16xf32> to vector<16xf32>
        %add3A_332 = arith.addf %add3A_284, %get3A_331 : vector<16xf32>
        %get3A_333 = arith.constant 25 : i32
        %get3A_334 = arith.index_cast %get3A_333 : i32 to index
        %get3A_335 = arith.index_cast %mul3A_89 : i32 to index
        %get3A_336 = tpu.vector_load %arg6[%get3A_334, %get3A_335] {strides = array<i32>} : memref<80x512xf32, #tpu.memory_space<vmem>>, vector<1x16xf32>,
        %get3A_337 = vector.shape_cast %get3A_336 : vector<1x16xf32> to vector<16xf32>
        %add3A_338 = arith.addf %add3A_290, %get3A_337 : vector<16xf32>
        %get3A_339 = arith.constant 35 : i32
        %get3A_340 = arith.index_cast %get3A_339 : i32 to index
        %get3A_341 = arith.index_cast %mul3A_89 : i32 to index
        %get3A_342 = tpu.vector_load %arg6[%get3A_340, %get3A_341] {strides = array<i32>} : memref<80x512xf32, #tpu.memory_space<vmem>>, vector<1x16xf32>,
        %get3A_343 = vector.shape_cast %get3A_342 : vector<1x16xf32> to vector<16xf32>
        %add3A_344 = arith.addf %add3A_296, %get3A_343 : vector<16xf32>
        %get3A_345 = arith.constant 45 : i32
        %get3A_346 = arith.index_cast %get3A_345 : i32 to index
        %get3A_347 = arith.index_cast %mul3A_89 : i32 to index
        %get3A_348 = tpu.vector_load %arg6[%get3A_346, %get3A_347] {strides = array<i32>} : memref<80x512xf32, #tpu.memory_space<vmem>>, vector<1x16xf32>,
        %get3A_349 = vector.shape_cast %get3A_348 : vector<1x16xf32> to vector<16xf32>
        %add3A_350 = arith.addf %add3A_302, %get3A_349 : vector<16xf32>
        %get3A_351 = arith.constant 55 : i32
        %get3A_352 = arith.index_cast %get3A_351 : i32 to index
        %get3A_353 = arith.index_cast %mul3A_89 : i32 to index
        %get3A_354 = tpu.vector_load %arg6[%get3A_352, %get3A_353] {strides = array<i32>} : memref<80x512xf32, #tpu.memory_space<vmem>>, vector<1x16xf32>,
        %get3A_355 = vector.shape_cast %get3A_354 : vector<1x16xf32> to vector<16xf32>
        %add3A_356 = arith.addf %add3A_308, %get3A_355 : vector<16xf32>
        %get3A_357 = arith.constant 65 : i32
        %get3A_358 = arith.index_cast %get3A_357 : i32 to index
        %get3A_359 = arith.index_cast %mul3A_89 : i32 to index
        %get3A_360 = tpu.vector_load %arg6[%get3A_358, %get3A_359] {strides = array<i32>} : memref<80x512xf32, #tpu.memory_space<vmem>>, vector<1x16xf32>,
        %get3A_361 = vector.shape_cast %get3A_360 : vector<1x16xf32> to vector<16xf32>
        %add3A_362 = arith.addf %add3A_314, %get3A_361 : vector<16xf32>
        %get3A_363 = arith.constant 75 : i32
        %get3A_364 = arith.index_cast %get3A_363 : i32 to index
        %get3A_365 = arith.index_cast %mul3A_89 : i32 to index
        %get3A_366 = tpu.vector_load %arg6[%get3A_364, %get3A_365] {strides = array<i32>} : memref<80x512xf32, #tpu.memory_space<vmem>>, vector<1x16xf32>,
        %get3A_367 = vector.shape_cast %get3A_366 : vector<1x16xf32> to vector<16xf32>
        %add3A_368 = arith.addf %add3A_320, %get3A_367 : vector<16xf32>
        %get3A_369 = arith.constant 6 : i32
        %get3A_370 = arith.index_cast %get3A_369 : i32 to index
        %get3A_371 = arith.index_cast %mul3A_89 : i32 to index
        %get3A_372 = tpu.vector_load %arg6[%get3A_370, %get3A_371] {strides = array<i32>} : memref<80x512xf32, #tpu.memory_space<vmem>>, vector<1x16xf32>,
        %get3A_373 = vector.shape_cast %get3A_372 : vector<1x16xf32> to vector<16xf32>
        %add3A_374 = arith.addf %add3A_326, %get3A_373 : vector<16xf32>
        %get3A_375 = arith.constant 16 : i32
        %get3A_376 = arith.index_cast %get3A_375 : i32 to index
        %get3A_377 = arith.index_cast %mul3A_89 : i32 to index
        %get3A_378 = tpu.vector_load %arg6[%get3A_376, %get3A_377] {strides = array<i32>} : memref<80x512xf32, #tpu.memory_space<vmem>>, vector<1x16xf32>,
        %get3A_379 = vector.shape_cast %get3A_378 : vector<1x16xf32> to vector<16xf32>
        %add3A_380 = arith.addf %add3A_332, %get3A_379 : vector<16xf32>
        %get3A_381 = arith.constant 26 : i32
        %get3A_382 = arith.index_cast %get3A_381 : i32 to index
        %get3A_383 = arith.index_cast %mul3A_89 : i32 to index
        %get3A_384 = tpu.vector_load %arg6[%get3A_382, %get3A_383] {strides = array<i32>} : memref<80x512xf32, #tpu.memory_space<vmem>>, vector<1x16xf32>,
        %get3A_385 = vector.shape_cast %get3A_384 : vector<1x16xf32> to vector<16xf32>
        %add3A_386 = arith.addf %add3A_338, %get3A_385 : vector<16xf32>
        %get3A_387 = arith.constant 36 : i32
        %get3A_388 = arith.index_cast %get3A_387 : i32 to index
        %get3A_389 = arith.index_cast %mul3A_89 : i32 to index
        %get3A_390 = tpu.vector_load %arg6[%get3A_388, %get3A_389] {strides = array<i32>} : memref<80x512xf32, #tpu.memory_space<vmem>>, vector<1x16xf32>,
        %get3A_391 = vector.shape_cast %get3A_390 : vector<1x16xf32> to vector<16xf32>
        %add3A_392 = arith.addf %add3A_344, %get3A_391 : vector<16xf32>
        %get3A_393 = arith.constant 46 : i32
        %get3A_394 = arith.index_cast %get3A_393 : i32 to index
        %get3A_395 = arith.index_cast %mul3A_89 : i32 to index
        %get3A_396 = tpu.vector_load %arg6[%get3A_394, %get3A_395] {strides = array<i32>} : memref<80x512xf32, #tpu.memory_space<vmem>>, vector<1x16xf32>,
        %get3A_397 = vector.shape_cast %get3A_396 : vector<1x16xf32> to vector<16xf32>
        %add3A_398 = arith.addf %add3A_350, %get3A_397 : vector<16xf32>
        %get3A_399 = arith.constant 56 : i32
        %get3A_400 = arith.index_cast %get3A_399 : i32 to index
        %get3A_401 = arith.index_cast %mul3A_89 : i32 to index
        %get3A_402 = tpu.vector_load %arg6[%get3A_400, %get3A_401] {strides = array<i32>} : memref<80x512xf32, #tpu.memory_space<vmem>>, vector<1x16xf32>,
        %get3A_403 = vector.shape_cast %get3A_402 : vector<1x16xf32> to vector<16xf32>
        %add3A_404 = arith.addf %add3A_356, %get3A_403 : vector<16xf32>
        %get3A_405 = arith.constant 66 : i32
        %get3A_406 = arith.index_cast %get3A_405 : i32 to index
        %get3A_407 = arith.index_cast %mul3A_89 : i32 to index
        %get3A_408 = tpu.vector_load %arg6[%get3A_406, %get3A_407] {strides = array<i32>} : memref<80x512xf32, #tpu.memory_space<vmem>>, vector<1x16xf32>,
        %get3A_409 = vector.shape_cast %get3A_408 : vector<1x16xf32> to vector<16xf32>
        %add3A_410 = arith.addf %add3A_362, %get3A_409 : vector<16xf32>
        %get3A_411 = arith.constant 76 : i32
        %get3A_412 = arith.index_cast %get3A_411 : i32 to index
        %get3A_413 = arith.index_cast %mul3A_89 : i32 to index
        %get3A_414 = tpu.vector_load %arg6[%get3A_412, %get3A_413] {strides = array<i32>} : memref<80x512xf32, #tpu.memory_space<vmem>>, vector<1x16xf32>,
        %get3A_415 = vector.shape_cast %get3A_414 : vector<1x16xf32> to vector<16xf32>
        %add3A_416 = arith.addf %add3A_368, %get3A_415 : vector<16xf32>
        %get3A_417 = arith.constant 7 : i32
        %get3A_418 = arith.index_cast %get3A_417 : i32 to index
        %get3A_419 = arith.index_cast %mul3A_89 : i32 to index
        %get3A_420 = tpu.vector_load %arg6[%get3A_418, %get3A_419] {strides = array<i32>} : memref<80x512xf32, #tpu.memory_space<vmem>>, vector<1x16xf32>,
        %get3A_421 = vector.shape_cast %get3A_420 : vector<1x16xf32> to vector<16xf32>
        %add3A_422 = arith.addf %add3A_374, %get3A_421 : vector<16xf32>
        %get3A_423 = arith.constant 17 : i32
        %get3A_424 = arith.index_cast %get3A_423 : i32 to index
        %get3A_425 = arith.index_cast %mul3A_89 : i32 to index
        %get3A_426 = tpu.vector_load %arg6[%get3A_424, %get3A_425] {strides = array<i32>} : memref<80x512xf32, #tpu.memory_space<vmem>>, vector<1x16xf32>,
        %get3A_427 = vector.shape_cast %get3A_426 : vector<1x16xf32> to vector<16xf32>
        %add3A_428 = arith.addf %add3A_380, %get3A_427 : vector<16xf32>
        %get3A_429 = arith.constant 27 : i32
        %get3A_430 = arith.index_cast %get3A_429 : i32 to index
        %get3A_431 = arith.index_cast %mul3A_89 : i32 to index
        %get3A_432 = tpu.vector_load %arg6[%get3A_430, %get3A_431] {strides = array<i32>} : memref<80x512xf32, #tpu.memory_space<vmem>>, vector<1x16xf32>,
        %get3A_433 = vector.shape_cast %get3A_432 : vector<1x16xf32> to vector<16xf32>
        %add3A_434 = arith.addf %add3A_386, %get3A_433 : vector<16xf32>
        %get3A_435 = arith.constant 37 : i32
        %get3A_436 = arith.index_cast %get3A_435 : i32 to index
        %get3A_437 = arith.index_cast %mul3A_89 : i32 to index
        %get3A_438 = tpu.vector_load %arg6[%get3A_436, %get3A_437] {strides = array<i32>} : memref<80x512xf32, #tpu.memory_space<vmem>>, vector<1x16xf32>,
        %get3A_439 = vector.shape_cast %get3A_438 : vector<1x16xf32> to vector<16xf32>
        %add3A_440 = arith.addf %add3A_392, %get3A_439 : vector<16xf32>
        %get3A_441 = arith.constant 47 : i32
        %get3A_442 = arith.index_cast %get3A_441 : i32 to index
        %get3A_443 = arith.index_cast %mul3A_89 : i32 to index
        %get3A_444 = tpu.vector_load %arg6[%get3A_442, %get3A_443] {strides = array<i32>} : memref<80x512xf32, #tpu.memory_space<vmem>>, vector<1x16xf32>,
        %get3A_445 = vector.shape_cast %get3A_444 : vector<1x16xf32> to vector<16xf32>
        %add3A_446 = arith.addf %add3A_398, %get3A_445 : vector<16xf32>
        %get3A_447 = arith.constant 57 : i32
        %get3A_448 = arith.index_cast %get3A_447 : i32 to index
        %get3A_449 = arith.index_cast %mul3A_89 : i32 to index
        %get3A_450 = tpu.vector_load %arg6[%get3A_448, %get3A_449] {strides = array<i32>} : memref<80x512xf32, #tpu.memory_space<vmem>>, vector<1x16xf32>,
        %get3A_451 = vector.shape_cast %get3A_450 : vector<1x16xf32> to vector<16xf32>
        %add3A_452 = arith.addf %add3A_404, %get3A_451 : vector<16xf32>
        %get3A_453 = arith.constant 67 : i32
        %get3A_454 = arith.index_cast %get3A_453 : i32 to index
        %get3A_455 = arith.index_cast %mul3A_89 : i32 to index
        %get3A_456 = tpu.vector_load %arg6[%get3A_454, %get3A_455] {strides = array<i32>} : memref<80x512xf32, #tpu.memory_space<vmem>>, vector<1x16xf32>,
        %get3A_457 = vector.shape_cast %get3A_456 : vector<1x16xf32> to vector<16xf32>
        %add3A_458 = arith.addf %add3A_410, %get3A_457 : vector<16xf32>
        %get3A_459 = arith.constant 77 : i32
        %get3A_460 = arith.index_cast %get3A_459 : i32 to index
        %get3A_461 = arith.index_cast %mul3A_89 : i32 to index
        %get3A_462 = tpu.vector_load %arg6[%get3A_460, %get3A_461] {strides = array<i32>} : memref<80x512xf32, #tpu.memory_space<vmem>>, vector<1x16xf32>,
        %get3A_463 = vector.shape_cast %get3A_462 : vector<1x16xf32> to vector<16xf32>
        %add3A_464 = arith.addf %add3A_416, %get3A_463 : vector<16xf32>
        %get3A_465 = arith.constant 8 : i32
        %get3A_466 = arith.index_cast %get3A_465 : i32 to index
        %get3A_467 = arith.index_cast %mul3A_89 : i32 to index
        %get3A_468 = tpu.vector_load %arg6[%get3A_466, %get3A_467] {strides = array<i32>} : memref<80x512xf32, #tpu.memory_space<vmem>>, vector<1x16xf32>,
        %get3A_469 = vector.shape_cast %get3A_468 : vector<1x16xf32> to vector<16xf32>
        %add3A_470 = arith.addf %add3A_422, %get3A_469 : vector<16xf32>
        %get3A_471 = arith.constant 18 : i32
        %get3A_472 = arith.index_cast %get3A_471 : i32 to index
        %get3A_473 = arith.index_cast %mul3A_89 : i32 to index
        %get3A_474 = tpu.vector_load %arg6[%get3A_472, %get3A_473] {strides = array<i32>} : memref<80x512xf32, #tpu.memory_space<vmem>>, vector<1x16xf32>,
        %get3A_475 = vector.shape_cast %get3A_474 : vector<1x16xf32> to vector<16xf32>
        %add3A_476 = arith.addf %add3A_428, %get3A_475 : vector<16xf32>
        %get3A_477 = arith.constant 28 : i32
        %get3A_478 = arith.index_cast %get3A_477 : i32 to index
        %get3A_479 = arith.index_cast %mul3A_89 : i32 to index
        %get3A_480 = tpu.vector_load %arg6[%get3A_478, %get3A_479] {strides = array<i32>} : memref<80x512xf32, #tpu.memory_space<vmem>>, vector<1x16xf32>,
        %get3A_481 = vector.shape_cast %get3A_480 : vector<1x16xf32> to vector<16xf32>
        %add3A_482 = arith.addf %add3A_434, %get3A_481 : vector<16xf32>
        %get3A_483 = arith.constant 38 : i32
        %get3A_484 = arith.index_cast %get3A_483 : i32 to index
        %get3A_485 = arith.index_cast %mul3A_89 : i32 to index
        %get3A_486 = tpu.vector_load %arg6[%get3A_484, %get3A_485] {strides = array<i32>} : memref<80x512xf32, #tpu.memory_space<vmem>>, vector<1x16xf32>,
        %get3A_487 = vector.shape_cast %get3A_486 : vector<1x16xf32> to vector<16xf32>
        %add3A_488 = arith.addf %add3A_440, %get3A_487 : vector<16xf32>
        %get3A_489 = arith.constant 48 : i32
        %get3A_490 = arith.index_cast %get3A_489 : i32 to index
        %get3A_491 = arith.index_cast %mul3A_89 : i32 to index
        %get3A_492 = tpu.vector_load %arg6[%get3A_490, %get3A_491] {strides = array<i32>} : memref<80x512xf32, #tpu.memory_space<vmem>>, vector<1x16xf32>,
        %get3A_493 = vector.shape_cast %get3A_492 : vector<1x16xf32> to vector<16xf32>
        %add3A_494 = arith.addf %add3A_446, %get3A_493 : vector<16xf32>
        %get3A_495 = arith.constant 58 : i32
        %get3A_496 = arith.index_cast %get3A_495 : i32 to index
        %get3A_497 = arith.index_cast %mul3A_89 : i32 to index
        %get3A_498 = tpu.vector_load %arg6[%get3A_496, %get3A_497] {strides = array<i32>} : memref<80x512xf32, #tpu.memory_space<vmem>>, vector<1x16xf32>,
        %get3A_499 = vector.shape_cast %get3A_498 : vector<1x16xf32> to vector<16xf32>
        %add3A_500 = arith.addf %add3A_452, %get3A_499 : vector<16xf32>
        %get3A_501 = arith.constant 68 : i32
        %get3A_502 = arith.index_cast %get3A_501 : i32 to index
        %get3A_503 = arith.index_cast %mul3A_89 : i32 to index
        %get3A_504 = tpu.vector_load %arg6[%get3A_502, %get3A_503] {strides = array<i32>} : memref<80x512xf32, #tpu.memory_space<vmem>>, vector<1x16xf32>,
        %get3A_505 = vector.shape_cast %get3A_504 : vector<1x16xf32> to vector<16xf32>
        %add3A_506 = arith.addf %add3A_458, %get3A_505 : vector<16xf32>
        %get3A_507 = arith.constant 78 : i32
        %get3A_508 = arith.index_cast %get3A_507 : i32 to index
        %get3A_509 = arith.index_cast %mul3A_89 : i32 to index
        %get3A_510 = tpu.vector_load %arg6[%get3A_508, %get3A_509] {strides = array<i32>} : memref<80x512xf32, #tpu.memory_space<vmem>>, vector<1x16xf32>,
        %get3A_511 = vector.shape_cast %get3A_510 : vector<1x16xf32> to vector<16xf32>
        %add3A_512 = arith.addf %add3A_464, %get3A_511 : vector<16xf32>
        %get3A_513 = arith.constant 9 : i32
        %get3A_514 = arith.index_cast %get3A_513 : i32 to index
        %get3A_515 = arith.index_cast %mul3A_89 : i32 to index
        %get3A_516 = tpu.vector_load %arg6[%get3A_514, %get3A_515] {strides = array<i32>} : memref<80x512xf32, #tpu.memory_space<vmem>>, vector<1x16xf32>,
        %get3A_517 = vector.shape_cast %get3A_516 : vector<1x16xf32> to vector<16xf32>
        %add3A_518 = arith.addf %add3A_470, %get3A_517 : vector<16xf32>
        %get3A_519 = arith.constant 19 : i32
        %get3A_520 = arith.index_cast %get3A_519 : i32 to index
        %get3A_521 = arith.index_cast %mul3A_89 : i32 to index
        %get3A_522 = tpu.vector_load %arg6[%get3A_520, %get3A_521] {strides = array<i32>} : memref<80x512xf32, #tpu.memory_space<vmem>>, vector<1x16xf32>,
        %get3A_523 = vector.shape_cast %get3A_522 : vector<1x16xf32> to vector<16xf32>
        %add3A_524 = arith.addf %add3A_476, %get3A_523 : vector<16xf32>
        %get3A_525 = arith.constant 29 : i32
        %get3A_526 = arith.index_cast %get3A_525 : i32 to index
        %get3A_527 = arith.index_cast %mul3A_89 : i32 to index
        %get3A_528 = tpu.vector_load %arg6[%get3A_526, %get3A_527] {strides = array<i32>} : memref<80x512xf32, #tpu.memory_space<vmem>>, vector<1x16xf32>,
        %get3A_529 = vector.shape_cast %get3A_528 : vector<1x16xf32> to vector<16xf32>
        %add3A_530 = arith.addf %add3A_482, %get3A_529 : vector<16xf32>
        %get3A_531 = arith.constant 39 : i32
        %get3A_532 = arith.index_cast %get3A_531 : i32 to index
        %get3A_533 = arith.index_cast %mul3A_89 : i32 to index
        %get3A_534 = tpu.vector_load %arg6[%get3A_532, %get3A_533] {strides = array<i32>} : memref<80x512xf32, #tpu.memory_space<vmem>>, vector<1x16xf32>,
        %get3A_535 = vector.shape_cast %get3A_534 : vector<1x16xf32> to vector<16xf32>
        %add3A_536 = arith.addf %add3A_488, %get3A_535 : vector<16xf32>
        %get3A_537 = arith.constant 49 : i32
        %get3A_538 = arith.index_cast %get3A_537 : i32 to index
        %get3A_539 = arith.index_cast %mul3A_89 : i32 to index
        %get3A_540 = tpu.vector_load %arg6[%get3A_538, %get3A_539] {strides = array<i32>} : memref<80x512xf32, #tpu.memory_space<vmem>>, vector<1x16xf32>,
        %get3A_541 = vector.shape_cast %get3A_540 : vector<1x16xf32> to vector<16xf32>
        %add3A_542 = arith.addf %add3A_494, %get3A_541 : vector<16xf32>
        %get3A_543 = arith.constant 59 : i32
        %get3A_544 = arith.index_cast %get3A_543 : i32 to index
        %get3A_545 = arith.index_cast %mul3A_89 : i32 to index
        %get3A_546 = tpu.vector_load %arg6[%get3A_544, %get3A_545] {strides = array<i32>} : memref<80x512xf32, #tpu.memory_space<vmem>>, vector<1x16xf32>,
        %get3A_547 = vector.shape_cast %get3A_546 : vector<1x16xf32> to vector<16xf32>
        %add3A_548 = arith.addf %add3A_500, %get3A_547 : vector<16xf32>
        %get3A_549 = arith.constant 69 : i32
        %get3A_550 = arith.index_cast %get3A_549 : i32 to index
        %get3A_551 = arith.index_cast %mul3A_89 : i32 to index
        %get3A_552 = tpu.vector_load %arg6[%get3A_550, %get3A_551] {strides = array<i32>} : memref<80x512xf32, #tpu.memory_space<vmem>>, vector<1x16xf32>,
        %get3A_553 = vector.shape_cast %get3A_552 : vector<1x16xf32> to vector<16xf32>
        %add3A_554 = arith.addf %add3A_506, %get3A_553 : vector<16xf32>
        %get3A_555 = arith.constant 79 : i32
        %get3A_556 = arith.index_cast %get3A_555 : i32 to index
        %get3A_557 = arith.index_cast %mul3A_89 : i32 to index
        %get3A_558 = tpu.vector_load %arg6[%get3A_556, %get3A_557] {strides = array<i32>} : memref<80x512xf32, #tpu.memory_space<vmem>>, vector<1x16xf32>,
        %get3A_559 = vector.shape_cast %get3A_558 : vector<1x16xf32> to vector<16xf32>
        %add3A_560 = arith.addf %add3A_512, %get3A_559 : vector<16xf32>
        %mul3A_561 = arith.constant 1.000000e-01 : f32
        %mul3A_562 = vector.broadcast %mul3A_561 : f32 to vector<16xf32>
        %mul3A_563 = arith.mulf %add3A_518, %mul3A_562 : vector<16xf32>
        %swap3A = arith.constant 0 : i32
        %swap3A_564 = arith.index_cast %swap3A : i32 to index
        %swap3A_565 = arith.index_cast %mul3A_89 : i32 to index
        %swap3A_566 = tpu.vector_load %arg8[%swap3A_564, %swap3A_565] {strides = array<i32>} : memref<8x512xf32, #tpu.memory_space<vmem>>, vector<1x16xf32>,
        %swap3A_567 = vector.shape_cast %swap3A_566 : vector<1x16xf32> to vector<16xf32>
        %swap3A_568 = vector.shape_cast %mul3A_563 : vector<16xf32> to vector<1x16xf32>
        tpu.vector_store %arg8[%swap3A_564, %swap3A_565], %swap3A_568 {strides = array<i32>} : memref<8x512xf32, #tpu.memory_space<vmem>>, vector<1x16xf32>,
        %mul3A_569 = arith.constant 1.000000e-01 : f32
        %mul3A_570 = vector.broadcast %mul3A_569 : f32 to vector<16xf32>
        %mul3A_571 = arith.mulf %add3A_524, %mul3A_570 : vector<16xf32>
        %swap3A_572 = arith.constant 1 : i32
        %swap3A_573 = arith.index_cast %swap3A_572 : i32 to index
        %swap3A_574 = arith.index_cast %mul3A_89 : i32 to index
        %swap3A_575 = tpu.vector_load %arg8[%swap3A_573, %swap3A_574] {strides = array<i32>} : memref<8x512xf32, #tpu.memory_space<vmem>>, vector<1x16xf32>,
        %swap3A_576 = vector.shape_cast %swap3A_575 : vector<1x16xf32> to vector<16xf32>
        %swap3A_577 = vector.shape_cast %mul3A_571 : vector<16xf32> to vector<1x16xf32>
        tpu.vector_store %arg8[%swap3A_573, %swap3A_574], %swap3A_577 {strides = array<i32>} : memref<8x512xf32, #tpu.memory_space<vmem>>, vector<1x16xf32>,
        %mul3A_578 = arith.constant 1.000000e-01 : f32
        %mul3A_579 = vector.broadcast %mul3A_578 : f32 to vector<16xf32>
        %mul3A_580 = arith.mulf %add3A_530, %mul3A_579 : vector<16xf32>
        %swap3A_581 = arith.constant 2 : i32
        %swap3A_582 = arith.index_cast %swap3A_581 : i32 to index
        %swap3A_583 = arith.index_cast %mul3A_89 : i32 to index
        %swap3A_584 = tpu.vector_load %arg8[%swap3A_582, %swap3A_583] {strides = array<i32>} : memref<8x512xf32, #tpu.memory_space<vmem>>, vector<1x16xf32>,
        %swap3A_585 = vector.shape_cast %swap3A_584 : vector<1x16xf32> to vector<16xf32>
        %swap3A_586 = vector.shape_cast %mul3A_580 : vector<16xf32> to vector<1x16xf32>
        tpu.vector_store %arg8[%swap3A_582, %swap3A_583], %swap3A_586 {strides = array<i32>} : memref<8x512xf32, #tpu.memory_space<vmem>>, vector<1x16xf32>,
        %mul3A_587 = arith.constant 1.000000e-01 : f32
        %mul3A_588 = vector.broadcast %mul3A_587 : f32 to vector<16xf32>
        %mul3A_589 = arith.mulf %add3A_536, %mul3A_588 : vector<16xf32>
        %swap3A_590 = arith.constant 3 : i32
        %swap3A_591 = arith.index_cast %swap3A_590 : i32 to index
        %swap3A_592 = arith.index_cast %mul3A_89 : i32 to index
        %swap3A_593 = tpu.vector_load %arg8[%swap3A_591, %swap3A_592] {strides = array<i32>} : memref<8x512xf32, #tpu.memory_space<vmem>>, vector<1x16xf32>,
        %swap3A_594 = vector.shape_cast %swap3A_593 : vector<1x16xf32> to vector<16xf32>
        %swap3A_595 = vector.shape_cast %mul3A_589 : vector<16xf32> to vector<1x16xf32>
        tpu.vector_store %arg8[%swap3A_591, %swap3A_592], %swap3A_595 {strides = array<i32>} : memref<8x512xf32, #tpu.memory_space<vmem>>, vector<1x16xf32>,
        %mul3A_596 = arith.constant 1.000000e-01 : f32
        %mul3A_597 = vector.broadcast %mul3A_596 : f32 to vector<16xf32>
        %mul3A_598 = arith.mulf %add3A_542, %mul3A_597 : vector<16xf32>
        %swap3A_599 = arith.constant 4 : i32
        %swap3A_600 = arith.index_cast %swap3A_599 : i32 to index
        %swap3A_601 = arith.index_cast %mul3A_89 : i32 to index
        %swap3A_602 = tpu.vector_load %arg8[%swap3A_600, %swap3A_601] {strides = array<i32>} : memref<8x512xf32, #tpu.memory_space<vmem>>, vector<1x16xf32>,
        %swap3A_603 = vector.shape_cast %swap3A_602 : vector<1x16xf32> to vector<16xf32>
        %swap3A_604 = vector.shape_cast %mul3A_598 : vector<16xf32> to vector<1x16xf32>
        tpu.vector_store %arg8[%swap3A_600, %swap3A_601], %swap3A_604 {strides = array<i32>} : memref<8x512xf32, #tpu.memory_space<vmem>>, vector<1x16xf32>,
        %mul3A_605 = arith.constant 1.000000e-01 : f32
        %mul3A_606 = vector.broadcast %mul3A_605 : f32 to vector<16xf32>
        %mul3A_607 = arith.mulf %add3A_548, %mul3A_606 : vector<16xf32>
        %swap3A_608 = arith.constant 5 : i32
        %swap3A_609 = arith.index_cast %swap3A_608 : i32 to index
        %swap3A_610 = arith.index_cast %mul3A_89 : i32 to index
        %swap3A_611 = tpu.vector_load %arg8[%swap3A_609, %swap3A_610] {strides = array<i32>} : memref<8x512xf32, #tpu.memory_space<vmem>>, vector<1x16xf32>,
        %swap3A_612 = vector.shape_cast %swap3A_611 : vector<1x16xf32> to vector<16xf32>
        %swap3A_613 = vector.shape_cast %mul3A_607 : vector<16xf32> to vector<1x16xf32>
        tpu.vector_store %arg8[%swap3A_609, %swap3A_610], %swap3A_613 {strides = array<i32>} : memref<8x512xf32, #tpu.memory_space<vmem>>, vector<1x16xf32>,
        %mul3A_614 = arith.constant 1.000000e-01 : f32
        %mul3A_615 = vector.broadcast %mul3A_614 : f32 to vector<16xf32>
        %mul3A_616 = arith.mulf %add3A_554, %mul3A_615 : vector<16xf32>
        %swap3A_617 = arith.constant 6 : i32
        %swap3A_618 = arith.index_cast %swap3A_617 : i32 to index
        %swap3A_619 = arith.index_cast %mul3A_89 : i32 to index
        %swap3A_620 = tpu.vector_load %arg8[%swap3A_618, %swap3A_619] {strides = array<i32>} : memref<8x512xf32, #tpu.memory_space<vmem>>, vector<1x16xf32>,
        %swap3A_621 = vector.shape_cast %swap3A_620 : vector<1x16xf32> to vector<16xf32>
        %swap3A_622 = vector.shape_cast %mul3A_616 : vector<16xf32> to vector<1x16xf32>
        tpu.vector_store %arg8[%swap3A_618, %swap3A_619], %swap3A_622 {strides = array<i32>} : memref<8x512xf32, #tpu.memory_space<vmem>>, vector<1x16xf32>,
        %mul3A_623 = arith.constant 1.000000e-01 : f32
        %mul3A_624 = vector.broadcast %mul3A_623 : f32 to vector<16xf32>
        %mul3A_625 = arith.mulf %add3A_560, %mul3A_624 : vector<16xf32>
        %swap3A_626 = arith.constant 7 : i32
        %swap3A_627 = arith.index_cast %swap3A_626 : i32 to index
        %swap3A_628 = arith.index_cast %mul3A_89 : i32 to index
        %swap3A_629 = tpu.vector_load %arg8[%swap3A_627, %swap3A_628] {strides = array<i32>} : memref<8x512xf32, #tpu.memory_space<vmem>>, vector<1x16xf32>,
        %swap3A_630 = vector.shape_cast %swap3A_629 : vector<1x16xf32> to vector<16xf32>
        %swap3A_631 = vector.shape_cast %mul3A_625 : vector<16xf32> to vector<1x16xf32>
        tpu.vector_store %arg8[%swap3A_627, %swap3A_628], %swap3A_631 {strides = array<i32>} : memref<8x512xf32, #tpu.memory_space<vmem>>, vector<1x16xf32>,
      }
      %scan3A_46 = arith.constant 32 : i32
      %mul3A_47 = arith.constant 8 : i32
      %mul3A_48 = arith.muli %mul3A_23, %mul3A_47 : i32
      %add3A_49 = arith.addi %mul3A_2, %mul3A_48 : i32
      %dma_start3A_50 = arith.constant 0 : i32
      %dma_start3A_51 = tpu.memref_slice %arg4[%add3A_49, %dma_start3A_50] : memref<12800x512xf32, #tpu.memory_space<hbm>> -> memref<8x512xf32, #tpu.memory_space<hbm>>
      %dma_start3A_52 = arith.constant 0 : i32
      %dma_start3A_53 = tpu.memref_slice %arg4[%add3A_49, %dma_start3A_52] : memref<12800x512xf32, #tpu.memory_space<hbm>> -> memref<8x512xf32, #tpu.memory_space<hbm>>
      tpu.enqueue_dma source(%arg8 : memref<8x512xf32, #tpu.memory_space<vmem>>) target(%dma_start3A_53 : memref<8x512xf32, #tpu.memory_space<hbm>>) target_semaphore(%arg12 : memref<!tpu.dma_semaphore, #tpu.memory_space<semaphore_mem>>)
      %dma_wait3A_54 = arith.constant 0 : i32
      %dma_wait3A_55 = arith.constant 0 : i32
      %dma_wait3A_56 = tpu.memref_slice %arg5[%dma_wait3A_54, %dma_wait3A_55] : memref<50x80xi32, #tpu.memory_space<vmem>> -> memref<1x80xi32, #tpu.memory_space<vmem>>
      %dma_wait3A_57 = tpu.memref_squeeze %dma_wait3A_56 : memref<1x80xi32, #tpu.memory_space<vmem>> -> memref<80xi32, #tpu.memory_space<vmem>>
      %dma_wait3A_58 = arith.constant 0 : i32
      %dma_wait3A_59 = arith.constant 0 : i32
      %dma_wait3A_60 = tpu.memref_slice %arg2[%dma_wait3A_58, %dma_wait3A_59] : memref<50000x512xf32, #tpu.memory_space<hbm>> -> memref<50000x512xf32, #tpu.memory_space<hbm>>
      tpu.wait_indirect_dma semaphore(%arg11 : memref<!tpu.dma_semaphore, #tpu.memory_space<semaphore_mem>>) src(%dma_wait3A_60 : memref<50000x512xf32, #tpu.memory_space<hbm>>) dst(%arg7 : memref<80x512xf32, #tpu.memory_space<vmem>>)
      %add3A_61 = arith.constant 2 : i32
      %add3A_62 = arith.addi %mul3A_23, %add3A_61 : i32
      %lt3A = arith.constant 50 : i32
      %lt3A_63 = arith.cmpi slt, %add3A_62, %lt3A : i32
      %convert_element_type3A_64 = arith.extui %lt3A_63 : i1 to i32
      %cond3A_65 = arith.constant 0 : i32
      %cond3A_66 = arith.cmpi ne, %convert_element_type3A_64, %cond3A_65 : i32
      scf.if %cond3A_66 {
        %add3A_87 = arith.constant 2 : i32
        %add3A_88 = arith.addi %mul3A_23, %add3A_87 : i32
        %dma_start3A_89 = arith.constant 0 : i32
        %dma_start3A_90 = tpu.memref_slice %arg5[%add3A_88, %dma_start3A_89] : memref<50x80xi32, #tpu.memory_space<vmem>> -> memref<1x80xi32, #tpu.memory_space<vmem>>
        %dma_start3A_91 = tpu.memref_squeeze %dma_start3A_90 : memref<1x80xi32, #tpu.memory_space<vmem>> -> memref<80xi32, #tpu.memory_space<vmem>>
        %dma_start3A_92 = arith.constant 0 : i32
        %dma_start3A_93 = arith.constant 0 : i32
        %dma_start3A_94 = tpu.memref_slice %arg2[%dma_start3A_92, %dma_start3A_93] : memref<50000x512xf32, #tpu.memory_space<hbm>> -> memref<50000x512xf32, #tpu.memory_space<hbm>>
        tpu.enqueue_indirect_dma source(%dma_start3A_94 : memref<50000x512xf32, #tpu.memory_space<hbm>>) target(%arg6 : memref<80x512xf32, #tpu.memory_space<vmem>>) offsets(%dma_start3A_91 : memref<80xi32, #tpu.memory_space<vmem>>) semaphore(%arg10 : memref<!tpu.dma_semaphore, #tpu.memory_space<semaphore_mem>>)
      } else {
      }
      %add3A_67 = arith.constant 1 : i32
      %add3A_68 = arith.addi %mul3A_23, %add3A_67 : i32
      %ge3A_69 = arith.constant 2 : i32
      %ge3A_70 = arith.cmpi sge, %add3A_68, %ge3A_69 : i32
      %convert_element_type3A_71 = arith.extui %ge3A_70 : i1 to i32
      %cond3A_72 = arith.constant 0 : i32
      %cond3A_73 = arith.cmpi ne, %convert_element_type3A_71, %cond3A_72 : i32
      scf.if %cond3A_73 {
        %dma_wait3A_87 = arith.constant 0 : i32
        %dma_wait3A_88 = tpu.memref_slice %arg4[%mul3A_2, %dma_wait3A_87] : memref<12800x512xf32, #tpu.memory_space<hbm>> -> memref<8x512xf32, #tpu.memory_space<hbm>>
        %dma_wait3A_89 = arith.constant 0 : i32
        %dma_wait3A_90 = tpu.memref_slice %arg4[%mul3A_2, %dma_wait3A_89] : memref<12800x512xf32, #tpu.memory_space<hbm>> -> memref<8x512xf32, #tpu.memory_space<hbm>>
        tpu.wait_dma2 semaphore(%arg13 : memref<!tpu.dma_semaphore, #tpu.memory_space<semaphore_mem>>) src(%arg9 : memref<8x512xf32, #tpu.memory_space<vmem>>) dst(%dma_wait3A_90 : memref<8x512xf32, #tpu.memory_space<hbm>>)
      } else {
      }
      %scan3A_74 = arith.constant 0 : i32
      %scan3A_75 = arith.constant 0 : i32
      %scan3A_76 = arith.constant 32 : i32
      %scan3A_77 = arith.addi %scan3A_75, %scan3A_76 : i32
      %scan3A_78 = arith.constant 1 : i32
      scf.for %scan3A_87 = %scan3A_75 to %scan3A_77 step %scan3A_78  : i32 {
        %mul3A_88 = arith.constant 16 : i32
        %mul3A_89 = arith.muli %scan3A_87, %mul3A_88 : i32
        %get3A = arith.constant 0 : i32
        %get3A_90 = arith.index_cast %get3A : i32 to index
        %get3A_91 = arith.index_cast %mul3A_89 : i32 to index
        %get3A_92 = tpu.vector_load %arg7[%get3A_90, %get3A_91] {strides = array<i32>} : memref<80x512xf32, #tpu.memory_space<vmem>>, vector<1x16xf32>,
        %get3A_93 = vector.shape_cast %get3A_92 : vector<1x16xf32> to vector<16xf32>
        %get3A_94 = arith.constant 10 : i32
        %get3A_95 = arith.index_cast %get3A_94 : i32 to index
        %get3A_96 = arith.index_cast %mul3A_89 : i32 to index
        %get3A_97 = tpu.vector_load %arg7[%get3A_95, %get3A_96] {strides = array<i32>} : memref<80x512xf32, #tpu.memory_space<vmem>>, vector<1x16xf32>,
        %get3A_98 = vector.shape_cast %get3A_97 : vector<1x16xf32> to vector<16xf32>
        %get3A_99 = arith.constant 20 : i32
        %get3A_100 = arith.index_cast %get3A_99 : i32 to index
        %get3A_101 = arith.index_cast %mul3A_89 : i32 to index
        %get3A_102 = tpu.vector_load %arg7[%get3A_100, %get3A_101] {strides = array<i32>} : memref<80x512xf32, #tpu.memory_space<vmem>>, vector<1x16xf32>,
        %get3A_103 = vector.shape_cast %get3A_102 : vector<1x16xf32> to vector<16xf32>
        %get3A_104 = arith.constant 30 : i32
        %get3A_105 = arith.index_cast %get3A_104 : i32 to index
        %get3A_106 = arith.index_cast %mul3A_89 : i32 to index
        %get3A_107 = tpu.vector_load %arg7[%get3A_105, %get3A_106] {strides = array<i32>} : memref<80x512xf32, #tpu.memory_space<vmem>>, vector<1x16xf32>,
        %get3A_108 = vector.shape_cast %get3A_107 : vector<1x16xf32> to vector<16xf32>
        %get3A_109 = arith.constant 40 : i32
        %get3A_110 = arith.index_cast %get3A_109 : i32 to index
        %get3A_111 = arith.index_cast %mul3A_89 : i32 to index
        %get3A_112 = tpu.vector_load %arg7[%get3A_110, %get3A_111] {strides = array<i32>} : memref<80x512xf32, #tpu.memory_space<vmem>>, vector<1x16xf32>,
        %get3A_113 = vector.shape_cast %get3A_112 : vector<1x16xf32> to vector<16xf32>
        %get3A_114 = arith.constant 50 : i32
        %get3A_115 = arith.index_cast %get3A_114 : i32 to index
        %get3A_116 = arith.index_cast %mul3A_89 : i32 to index
        %get3A_117 = tpu.vector_load %arg7[%get3A_115, %get3A_116] {strides = array<i32>} : memref<80x512xf32, #tpu.memory_space<vmem>>, vector<1x16xf32>,
        %get3A_118 = vector.shape_cast %get3A_117 : vector<1x16xf32> to vector<16xf32>
        %get3A_119 = arith.constant 60 : i32
        %get3A_120 = arith.index_cast %get3A_119 : i32 to index
        %get3A_121 = arith.index_cast %mul3A_89 : i32 to index
        %get3A_122 = tpu.vector_load %arg7[%get3A_120, %get3A_121] {strides = array<i32>} : memref<80x512xf32, #tpu.memory_space<vmem>>, vector<1x16xf32>,
        %get3A_123 = vector.shape_cast %get3A_122 : vector<1x16xf32> to vector<16xf32>
        %get3A_124 = arith.constant 70 : i32
        %get3A_125 = arith.index_cast %get3A_124 : i32 to index
        %get3A_126 = arith.index_cast %mul3A_89 : i32 to index
        %get3A_127 = tpu.vector_load %arg7[%get3A_125, %get3A_126] {strides = array<i32>} : memref<80x512xf32, #tpu.memory_space<vmem>>, vector<1x16xf32>,
        %get3A_128 = vector.shape_cast %get3A_127 : vector<1x16xf32> to vector<16xf32>
        %get3A_129 = arith.constant 1 : i32
        %get3A_130 = arith.index_cast %get3A_129 : i32 to index
        %get3A_131 = arith.index_cast %mul3A_89 : i32 to index
        %get3A_132 = tpu.vector_load %arg7[%get3A_130, %get3A_131] {strides = array<i32>} : memref<80x512xf32, #tpu.memory_space<vmem>>, vector<1x16xf32>,
        %get3A_133 = vector.shape_cast %get3A_132 : vector<1x16xf32> to vector<16xf32>
        %add3A_134 = arith.addf %get3A_93, %get3A_133 : vector<16xf32>
        %get3A_135 = arith.constant 11 : i32
        %get3A_136 = arith.index_cast %get3A_135 : i32 to index
        %get3A_137 = arith.index_cast %mul3A_89 : i32 to index
        %get3A_138 = tpu.vector_load %arg7[%get3A_136, %get3A_137] {strides = array<i32>} : memref<80x512xf32, #tpu.memory_space<vmem>>, vector<1x16xf32>,
        %get3A_139 = vector.shape_cast %get3A_138 : vector<1x16xf32> to vector<16xf32>
        %add3A_140 = arith.addf %get3A_98, %get3A_139 : vector<16xf32>
        %get3A_141 = arith.constant 21 : i32
        %get3A_142 = arith.index_cast %get3A_141 : i32 to index
        %get3A_143 = arith.index_cast %mul3A_89 : i32 to index
        %get3A_144 = tpu.vector_load %arg7[%get3A_142, %get3A_143] {strides = array<i32>} : memref<80x512xf32, #tpu.memory_space<vmem>>, vector<1x16xf32>,
        %get3A_145 = vector.shape_cast %get3A_144 : vector<1x16xf32> to vector<16xf32>
        %add3A_146 = arith.addf %get3A_103, %get3A_145 : vector<16xf32>
        %get3A_147 = arith.constant 31 : i32
        %get3A_148 = arith.index_cast %get3A_147 : i32 to index
        %get3A_149 = arith.index_cast %mul3A_89 : i32 to index
        %get3A_150 = tpu.vector_load %arg7[%get3A_148, %get3A_149] {strides = array<i32>} : memref<80x512xf32, #tpu.memory_space<vmem>>, vector<1x16xf32>,
        %get3A_151 = vector.shape_cast %get3A_150 : vector<1x16xf32> to vector<16xf32>
        %add3A_152 = arith.addf %get3A_108, %get3A_151 : vector<16xf32>
        %get3A_153 = arith.constant 41 : i32
        %get3A_154 = arith.index_cast %get3A_153 : i32 to index
        %get3A_155 = arith.index_cast %mul3A_89 : i32 to index
        %get3A_156 = tpu.vector_load %arg7[%get3A_154, %get3A_155] {strides = array<i32>} : memref<80x512xf32, #tpu.memory_space<vmem>>, vector<1x16xf32>,
        %get3A_157 = vector.shape_cast %get3A_156 : vector<1x16xf32> to vector<16xf32>
        %add3A_158 = arith.addf %get3A_113, %get3A_157 : vector<16xf32>
        %get3A_159 = arith.constant 51 : i32
        %get3A_160 = arith.index_cast %get3A_159 : i32 to index
        %get3A_161 = arith.index_cast %mul3A_89 : i32 to index
        %get3A_162 = tpu.vector_load %arg7[%get3A_160, %get3A_161] {strides = array<i32>} : memref<80x512xf32, #tpu.memory_space<vmem>>, vector<1x16xf32>,
        %get3A_163 = vector.shape_cast %get3A_162 : vector<1x16xf32> to vector<16xf32>
        %add3A_164 = arith.addf %get3A_118, %get3A_163 : vector<16xf32>
        %get3A_165 = arith.constant 61 : i32
        %get3A_166 = arith.index_cast %get3A_165 : i32 to index
        %get3A_167 = arith.index_cast %mul3A_89 : i32 to index
        %get3A_168 = tpu.vector_load %arg7[%get3A_166, %get3A_167] {strides = array<i32>} : memref<80x512xf32, #tpu.memory_space<vmem>>, vector<1x16xf32>,
        %get3A_169 = vector.shape_cast %get3A_168 : vector<1x16xf32> to vector<16xf32>
        %add3A_170 = arith.addf %get3A_123, %get3A_169 : vector<16xf32>
        %get3A_171 = arith.constant 71 : i32
        %get3A_172 = arith.index_cast %get3A_171 : i32 to index
        %get3A_173 = arith.index_cast %mul3A_89 : i32 to index
        %get3A_174 = tpu.vector_load %arg7[%get3A_172, %get3A_173] {strides = array<i32>} : memref<80x512xf32, #tpu.memory_space<vmem>>, vector<1x16xf32>,
        %get3A_175 = vector.shape_cast %get3A_174 : vector<1x16xf32> to vector<16xf32>
        %add3A_176 = arith.addf %get3A_128, %get3A_175 : vector<16xf32>
        %get3A_177 = arith.constant 2 : i32
        %get3A_178 = arith.index_cast %get3A_177 : i32 to index
        %get3A_179 = arith.index_cast %mul3A_89 : i32 to index
        %get3A_180 = tpu.vector_load %arg7[%get3A_178, %get3A_179] {strides = array<i32>} : memref<80x512xf32, #tpu.memory_space<vmem>>, vector<1x16xf32>,
        %get3A_181 = vector.shape_cast %get3A_180 : vector<1x16xf32> to vector<16xf32>
        %add3A_182 = arith.addf %add3A_134, %get3A_181 : vector<16xf32>
        %get3A_183 = arith.constant 12 : i32
        %get3A_184 = arith.index_cast %get3A_183 : i32 to index
        %get3A_185 = arith.index_cast %mul3A_89 : i32 to index
        %get3A_186 = tpu.vector_load %arg7[%get3A_184, %get3A_185] {strides = array<i32>} : memref<80x512xf32, #tpu.memory_space<vmem>>, vector<1x16xf32>,
        %get3A_187 = vector.shape_cast %get3A_186 : vector<1x16xf32> to vector<16xf32>
        %add3A_188 = arith.addf %add3A_140, %get3A_187 : vector<16xf32>
        %get3A_189 = arith.constant 22 : i32
        %get3A_190 = arith.index_cast %get3A_189 : i32 to index
        %get3A_191 = arith.index_cast %mul3A_89 : i32 to index
        %get3A_192 = tpu.vector_load %arg7[%get3A_190, %get3A_191] {strides = array<i32>} : memref<80x512xf32, #tpu.memory_space<vmem>>, vector<1x16xf32>,
        %get3A_193 = vector.shape_cast %get3A_192 : vector<1x16xf32> to vector<16xf32>
        %add3A_194 = arith.addf %add3A_146, %get3A_193 : vector<16xf32>
        %get3A_195 = arith.constant 32 : i32
        %get3A_196 = arith.index_cast %get3A_195 : i32 to index
        %get3A_197 = arith.index_cast %mul3A_89 : i32 to index
        %get3A_198 = tpu.vector_load %arg7[%get3A_196, %get3A_197] {strides = array<i32>} : memref<80x512xf32, #tpu.memory_space<vmem>>, vector<1x16xf32>,
        %get3A_199 = vector.shape_cast %get3A_198 : vector<1x16xf32> to vector<16xf32>
        %add3A_200 = arith.addf %add3A_152, %get3A_199 : vector<16xf32>
        %get3A_201 = arith.constant 42 : i32
        %get3A_202 = arith.index_cast %get3A_201 : i32 to index
        %get3A_203 = arith.index_cast %mul3A_89 : i32 to index
        %get3A_204 = tpu.vector_load %arg7[%get3A_202, %get3A_203] {strides = array<i32>} : memref<80x512xf32, #tpu.memory_space<vmem>>, vector<1x16xf32>,
        %get3A_205 = vector.shape_cast %get3A_204 : vector<1x16xf32> to vector<16xf32>
        %add3A_206 = arith.addf %add3A_158, %get3A_205 : vector<16xf32>
        %get3A_207 = arith.constant 52 : i32
        %get3A_208 = arith.index_cast %get3A_207 : i32 to index
        %get3A_209 = arith.index_cast %mul3A_89 : i32 to index
        %get3A_210 = tpu.vector_load %arg7[%get3A_208, %get3A_209] {strides = array<i32>} : memref<80x512xf32, #tpu.memory_space<vmem>>, vector<1x16xf32>,
        %get3A_211 = vector.shape_cast %get3A_210 : vector<1x16xf32> to vector<16xf32>
        %add3A_212 = arith.addf %add3A_164, %get3A_211 : vector<16xf32>
        %get3A_213 = arith.constant 62 : i32
        %get3A_214 = arith.index_cast %get3A_213 : i32 to index
        %get3A_215 = arith.index_cast %mul3A_89 : i32 to index
        %get3A_216 = tpu.vector_load %arg7[%get3A_214, %get3A_215] {strides = array<i32>} : memref<80x512xf32, #tpu.memory_space<vmem>>, vector<1x16xf32>,
        %get3A_217 = vector.shape_cast %get3A_216 : vector<1x16xf32> to vector<16xf32>
        %add3A_218 = arith.addf %add3A_170, %get3A_217 : vector<16xf32>
        %get3A_219 = arith.constant 72 : i32
        %get3A_220 = arith.index_cast %get3A_219 : i32 to index
        %get3A_221 = arith.index_cast %mul3A_89 : i32 to index
        %get3A_222 = tpu.vector_load %arg7[%get3A_220, %get3A_221] {strides = array<i32>} : memref<80x512xf32, #tpu.memory_space<vmem>>, vector<1x16xf32>,
        %get3A_223 = vector.shape_cast %get3A_222 : vector<1x16xf32> to vector<16xf32>
        %add3A_224 = arith.addf %add3A_176, %get3A_223 : vector<16xf32>
        %get3A_225 = arith.constant 3 : i32
        %get3A_226 = arith.index_cast %get3A_225 : i32 to index
        %get3A_227 = arith.index_cast %mul3A_89 : i32 to index
        %get3A_228 = tpu.vector_load %arg7[%get3A_226, %get3A_227] {strides = array<i32>} : memref<80x512xf32, #tpu.memory_space<vmem>>, vector<1x16xf32>,
        %get3A_229 = vector.shape_cast %get3A_228 : vector<1x16xf32> to vector<16xf32>
        %add3A_230 = arith.addf %add3A_182, %get3A_229 : vector<16xf32>
        %get3A_231 = arith.constant 13 : i32
        %get3A_232 = arith.index_cast %get3A_231 : i32 to index
        %get3A_233 = arith.index_cast %mul3A_89 : i32 to index
        %get3A_234 = tpu.vector_load %arg7[%get3A_232, %get3A_233] {strides = array<i32>} : memref<80x512xf32, #tpu.memory_space<vmem>>, vector<1x16xf32>,
        %get3A_235 = vector.shape_cast %get3A_234 : vector<1x16xf32> to vector<16xf32>
        %add3A_236 = arith.addf %add3A_188, %get3A_235 : vector<16xf32>
        %get3A_237 = arith.constant 23 : i32
        %get3A_238 = arith.index_cast %get3A_237 : i32 to index
        %get3A_239 = arith.index_cast %mul3A_89 : i32 to index
        %get3A_240 = tpu.vector_load %arg7[%get3A_238, %get3A_239] {strides = array<i32>} : memref<80x512xf32, #tpu.memory_space<vmem>>, vector<1x16xf32>,
        %get3A_241 = vector.shape_cast %get3A_240 : vector<1x16xf32> to vector<16xf32>
        %add3A_242 = arith.addf %add3A_194, %get3A_241 : vector<16xf32>
        %get3A_243 = arith.constant 33 : i32
        %get3A_244 = arith.index_cast %get3A_243 : i32 to index
        %get3A_245 = arith.index_cast %mul3A_89 : i32 to index
        %get3A_246 = tpu.vector_load %arg7[%get3A_244, %get3A_245] {strides = array<i32>} : memref<80x512xf32, #tpu.memory_space<vmem>>, vector<1x16xf32>,
        %get3A_247 = vector.shape_cast %get3A_246 : vector<1x16xf32> to vector<16xf32>
        %add3A_248 = arith.addf %add3A_200, %get3A_247 : vector<16xf32>
        %get3A_249 = arith.constant 43 : i32
        %get3A_250 = arith.index_cast %get3A_249 : i32 to index
        %get3A_251 = arith.index_cast %mul3A_89 : i32 to index
        %get3A_252 = tpu.vector_load %arg7[%get3A_250, %get3A_251] {strides = array<i32>} : memref<80x512xf32, #tpu.memory_space<vmem>>, vector<1x16xf32>,
        %get3A_253 = vector.shape_cast %get3A_252 : vector<1x16xf32> to vector<16xf32>
        %add3A_254 = arith.addf %add3A_206, %get3A_253 : vector<16xf32>
        %get3A_255 = arith.constant 53 : i32
        %get3A_256 = arith.index_cast %get3A_255 : i32 to index
        %get3A_257 = arith.index_cast %mul3A_89 : i32 to index
        %get3A_258 = tpu.vector_load %arg7[%get3A_256, %get3A_257] {strides = array<i32>} : memref<80x512xf32, #tpu.memory_space<vmem>>, vector<1x16xf32>,
        %get3A_259 = vector.shape_cast %get3A_258 : vector<1x16xf32> to vector<16xf32>
        %add3A_260 = arith.addf %add3A_212, %get3A_259 : vector<16xf32>
        %get3A_261 = arith.constant 63 : i32
        %get3A_262 = arith.index_cast %get3A_261 : i32 to index
        %get3A_263 = arith.index_cast %mul3A_89 : i32 to index
        %get3A_264 = tpu.vector_load %arg7[%get3A_262, %get3A_263] {strides = array<i32>} : memref<80x512xf32, #tpu.memory_space<vmem>>, vector<1x16xf32>,
        %get3A_265 = vector.shape_cast %get3A_264 : vector<1x16xf32> to vector<16xf32>
        %add3A_266 = arith.addf %add3A_218, %get3A_265 : vector<16xf32>
        %get3A_267 = arith.constant 73 : i32
        %get3A_268 = arith.index_cast %get3A_267 : i32 to index
        %get3A_269 = arith.index_cast %mul3A_89 : i32 to index
        %get3A_270 = tpu.vector_load %arg7[%get3A_268, %get3A_269] {strides = array<i32>} : memref<80x512xf32, #tpu.memory_space<vmem>>, vector<1x16xf32>,
        %get3A_271 = vector.shape_cast %get3A_270 : vector<1x16xf32> to vector<16xf32>
        %add3A_272 = arith.addf %add3A_224, %get3A_271 : vector<16xf32>
        %get3A_273 = arith.constant 4 : i32
        %get3A_274 = arith.index_cast %get3A_273 : i32 to index
        %get3A_275 = arith.index_cast %mul3A_89 : i32 to index
        %get3A_276 = tpu.vector_load %arg7[%get3A_274, %get3A_275] {strides = array<i32>} : memref<80x512xf32, #tpu.memory_space<vmem>>, vector<1x16xf32>,
        %get3A_277 = vector.shape_cast %get3A_276 : vector<1x16xf32> to vector<16xf32>
        %add3A_278 = arith.addf %add3A_230, %get3A_277 : vector<16xf32>
        %get3A_279 = arith.constant 14 : i32
        %get3A_280 = arith.index_cast %get3A_279 : i32 to index
        %get3A_281 = arith.index_cast %mul3A_89 : i32 to index
        %get3A_282 = tpu.vector_load %arg7[%get3A_280, %get3A_281] {strides = array<i32>} : memref<80x512xf32, #tpu.memory_space<vmem>>, vector<1x16xf32>,
        %get3A_283 = vector.shape_cast %get3A_282 : vector<1x16xf32> to vector<16xf32>
        %add3A_284 = arith.addf %add3A_236, %get3A_283 : vector<16xf32>
        %get3A_285 = arith.constant 24 : i32
        %get3A_286 = arith.index_cast %get3A_285 : i32 to index
        %get3A_287 = arith.index_cast %mul3A_89 : i32 to index
        %get3A_288 = tpu.vector_load %arg7[%get3A_286, %get3A_287] {strides = array<i32>} : memref<80x512xf32, #tpu.memory_space<vmem>>, vector<1x16xf32>,
        %get3A_289 = vector.shape_cast %get3A_288 : vector<1x16xf32> to vector<16xf32>
        %add3A_290 = arith.addf %add3A_242, %get3A_289 : vector<16xf32>
        %get3A_291 = arith.constant 34 : i32
        %get3A_292 = arith.index_cast %get3A_291 : i32 to index
        %get3A_293 = arith.index_cast %mul3A_89 : i32 to index
        %get3A_294 = tpu.vector_load %arg7[%get3A_292, %get3A_293] {strides = array<i32>} : memref<80x512xf32, #tpu.memory_space<vmem>>, vector<1x16xf32>,
        %get3A_295 = vector.shape_cast %get3A_294 : vector<1x16xf32> to vector<16xf32>
        %add3A_296 = arith.addf %add3A_248, %get3A_295 : vector<16xf32>
        %get3A_297 = arith.constant 44 : i32
        %get3A_298 = arith.index_cast %get3A_297 : i32 to index
        %get3A_299 = arith.index_cast %mul3A_89 : i32 to index
        %get3A_300 = tpu.vector_load %arg7[%get3A_298, %get3A_299] {strides = array<i32>} : memref<80x512xf32, #tpu.memory_space<vmem>>, vector<1x16xf32>,
        %get3A_301 = vector.shape_cast %get3A_300 : vector<1x16xf32> to vector<16xf32>
        %add3A_302 = arith.addf %add3A_254, %get3A_301 : vector<16xf32>
        %get3A_303 = arith.constant 54 : i32
        %get3A_304 = arith.index_cast %get3A_303 : i32 to index
        %get3A_305 = arith.index_cast %mul3A_89 : i32 to index
        %get3A_306 = tpu.vector_load %arg7[%get3A_304, %get3A_305] {strides = array<i32>} : memref<80x512xf32, #tpu.memory_space<vmem>>, vector<1x16xf32>,
        %get3A_307 = vector.shape_cast %get3A_306 : vector<1x16xf32> to vector<16xf32>
        %add3A_308 = arith.addf %add3A_260, %get3A_307 : vector<16xf32>
        %get3A_309 = arith.constant 64 : i32
        %get3A_310 = arith.index_cast %get3A_309 : i32 to index
        %get3A_311 = arith.index_cast %mul3A_89 : i32 to index
        %get3A_312 = tpu.vector_load %arg7[%get3A_310, %get3A_311] {strides = array<i32>} : memref<80x512xf32, #tpu.memory_space<vmem>>, vector<1x16xf32>,
        %get3A_313 = vector.shape_cast %get3A_312 : vector<1x16xf32> to vector<16xf32>
        %add3A_314 = arith.addf %add3A_266, %get3A_313 : vector<16xf32>
        %get3A_315 = arith.constant 74 : i32
        %get3A_316 = arith.index_cast %get3A_315 : i32 to index
        %get3A_317 = arith.index_cast %mul3A_89 : i32 to index
        %get3A_318 = tpu.vector_load %arg7[%get3A_316, %get3A_317] {strides = array<i32>} : memref<80x512xf32, #tpu.memory_space<vmem>>, vector<1x16xf32>,
        %get3A_319 = vector.shape_cast %get3A_318 : vector<1x16xf32> to vector<16xf32>
        %add3A_320 = arith.addf %add3A_272, %get3A_319 : vector<16xf32>
        %get3A_321 = arith.constant 5 : i32
        %get3A_322 = arith.index_cast %get3A_321 : i32 to index
        %get3A_323 = arith.index_cast %mul3A_89 : i32 to index
        %get3A_324 = tpu.vector_load %arg7[%get3A_322, %get3A_323] {strides = array<i32>} : memref<80x512xf32, #tpu.memory_space<vmem>>, vector<1x16xf32>,
        %get3A_325 = vector.shape_cast %get3A_324 : vector<1x16xf32> to vector<16xf32>
        %add3A_326 = arith.addf %add3A_278, %get3A_325 : vector<16xf32>
        %get3A_327 = arith.constant 15 : i32
        %get3A_328 = arith.index_cast %get3A_327 : i32 to index
        %get3A_329 = arith.index_cast %mul3A_89 : i32 to index
        %get3A_330 = tpu.vector_load %arg7[%get3A_328, %get3A_329] {strides = array<i32>} : memref<80x512xf32, #tpu.memory_space<vmem>>, vector<1x16xf32>,
        %get3A_331 = vector.shape_cast %get3A_330 : vector<1x16xf32> to vector<16xf32>
        %add3A_332 = arith.addf %add3A_284, %get3A_331 : vector<16xf32>
        %get3A_333 = arith.constant 25 : i32
        %get3A_334 = arith.index_cast %get3A_333 : i32 to index
        %get3A_335 = arith.index_cast %mul3A_89 : i32 to index
        %get3A_336 = tpu.vector_load %arg7[%get3A_334, %get3A_335] {strides = array<i32>} : memref<80x512xf32, #tpu.memory_space<vmem>>, vector<1x16xf32>,
        %get3A_337 = vector.shape_cast %get3A_336 : vector<1x16xf32> to vector<16xf32>
        %add3A_338 = arith.addf %add3A_290, %get3A_337 : vector<16xf32>
        %get3A_339 = arith.constant 35 : i32
        %get3A_340 = arith.index_cast %get3A_339 : i32 to index
        %get3A_341 = arith.index_cast %mul3A_89 : i32 to index
        %get3A_342 = tpu.vector_load %arg7[%get3A_340, %get3A_341] {strides = array<i32>} : memref<80x512xf32, #tpu.memory_space<vmem>>, vector<1x16xf32>,
        %get3A_343 = vector.shape_cast %get3A_342 : vector<1x16xf32> to vector<16xf32>
        %add3A_344 = arith.addf %add3A_296, %get3A_343 : vector<16xf32>
        %get3A_345 = arith.constant 45 : i32
        %get3A_346 = arith.index_cast %get3A_345 : i32 to index
        %get3A_347 = arith.index_cast %mul3A_89 : i32 to index
        %get3A_348 = tpu.vector_load %arg7[%get3A_346, %get3A_347] {strides = array<i32>} : memref<80x512xf32, #tpu.memory_space<vmem>>, vector<1x16xf32>,
        %get3A_349 = vector.shape_cast %get3A_348 : vector<1x16xf32> to vector<16xf32>
        %add3A_350 = arith.addf %add3A_302, %get3A_349 : vector<16xf32>
        %get3A_351 = arith.constant 55 : i32
        %get3A_352 = arith.index_cast %get3A_351 : i32 to index
        %get3A_353 = arith.index_cast %mul3A_89 : i32 to index
        %get3A_354 = tpu.vector_load %arg7[%get3A_352, %get3A_353] {strides = array<i32>} : memref<80x512xf32, #tpu.memory_space<vmem>>, vector<1x16xf32>,
        %get3A_355 = vector.shape_cast %get3A_354 : vector<1x16xf32> to vector<16xf32>
        %add3A_356 = arith.addf %add3A_308, %get3A_355 : vector<16xf32>
        %get3A_357 = arith.constant 65 : i32
        %get3A_358 = arith.index_cast %get3A_357 : i32 to index
        %get3A_359 = arith.index_cast %mul3A_89 : i32 to index
        %get3A_360 = tpu.vector_load %arg7[%get3A_358, %get3A_359] {strides = array<i32>} : memref<80x512xf32, #tpu.memory_space<vmem>>, vector<1x16xf32>,
        %get3A_361 = vector.shape_cast %get3A_360 : vector<1x16xf32> to vector<16xf32>
        %add3A_362 = arith.addf %add3A_314, %get3A_361 : vector<16xf32>
        %get3A_363 = arith.constant 75 : i32
        %get3A_364 = arith.index_cast %get3A_363 : i32 to index
        %get3A_365 = arith.index_cast %mul3A_89 : i32 to index
        %get3A_366 = tpu.vector_load %arg7[%get3A_364, %get3A_365] {strides = array<i32>} : memref<80x512xf32, #tpu.memory_space<vmem>>, vector<1x16xf32>,
        %get3A_367 = vector.shape_cast %get3A_366 : vector<1x16xf32> to vector<16xf32>
        %add3A_368 = arith.addf %add3A_320, %get3A_367 : vector<16xf32>
        %get3A_369 = arith.constant 6 : i32
        %get3A_370 = arith.index_cast %get3A_369 : i32 to index
        %get3A_371 = arith.index_cast %mul3A_89 : i32 to index
        %get3A_372 = tpu.vector_load %arg7[%get3A_370, %get3A_371] {strides = array<i32>} : memref<80x512xf32, #tpu.memory_space<vmem>>, vector<1x16xf32>,
        %get3A_373 = vector.shape_cast %get3A_372 : vector<1x16xf32> to vector<16xf32>
        %add3A_374 = arith.addf %add3A_326, %get3A_373 : vector<16xf32>
        %get3A_375 = arith.constant 16 : i32
        %get3A_376 = arith.index_cast %get3A_375 : i32 to index
        %get3A_377 = arith.index_cast %mul3A_89 : i32 to index
        %get3A_378 = tpu.vector_load %arg7[%get3A_376, %get3A_377] {strides = array<i32>} : memref<80x512xf32, #tpu.memory_space<vmem>>, vector<1x16xf32>,
        %get3A_379 = vector.shape_cast %get3A_378 : vector<1x16xf32> to vector<16xf32>
        %add3A_380 = arith.addf %add3A_332, %get3A_379 : vector<16xf32>
        %get3A_381 = arith.constant 26 : i32
        %get3A_382 = arith.index_cast %get3A_381 : i32 to index
        %get3A_383 = arith.index_cast %mul3A_89 : i32 to index
        %get3A_384 = tpu.vector_load %arg7[%get3A_382, %get3A_383] {strides = array<i32>} : memref<80x512xf32, #tpu.memory_space<vmem>>, vector<1x16xf32>,
        %get3A_385 = vector.shape_cast %get3A_384 : vector<1x16xf32> to vector<16xf32>
        %add3A_386 = arith.addf %add3A_338, %get3A_385 : vector<16xf32>
        %get3A_387 = arith.constant 36 : i32
        %get3A_388 = arith.index_cast %get3A_387 : i32 to index
        %get3A_389 = arith.index_cast %mul3A_89 : i32 to index
        %get3A_390 = tpu.vector_load %arg7[%get3A_388, %get3A_389] {strides = array<i32>} : memref<80x512xf32, #tpu.memory_space<vmem>>, vector<1x16xf32>,
        %get3A_391 = vector.shape_cast %get3A_390 : vector<1x16xf32> to vector<16xf32>
        %add3A_392 = arith.addf %add3A_344, %get3A_391 : vector<16xf32>
        %get3A_393 = arith.constant 46 : i32
        %get3A_394 = arith.index_cast %get3A_393 : i32 to index
        %get3A_395 = arith.index_cast %mul3A_89 : i32 to index
        %get3A_396 = tpu.vector_load %arg7[%get3A_394, %get3A_395] {strides = array<i32>} : memref<80x512xf32, #tpu.memory_space<vmem>>, vector<1x16xf32>,
        %get3A_397 = vector.shape_cast %get3A_396 : vector<1x16xf32> to vector<16xf32>
        %add3A_398 = arith.addf %add3A_350, %get3A_397 : vector<16xf32>
        %get3A_399 = arith.constant 56 : i32
        %get3A_400 = arith.index_cast %get3A_399 : i32 to index
        %get3A_401 = arith.index_cast %mul3A_89 : i32 to index
        %get3A_402 = tpu.vector_load %arg7[%get3A_400, %get3A_401] {strides = array<i32>} : memref<80x512xf32, #tpu.memory_space<vmem>>, vector<1x16xf32>,
        %get3A_403 = vector.shape_cast %get3A_402 : vector<1x16xf32> to vector<16xf32>
        %add3A_404 = arith.addf %add3A_356, %get3A_403 : vector<16xf32>
        %get3A_405 = arith.constant 66 : i32
        %get3A_406 = arith.index_cast %get3A_405 : i32 to index
        %get3A_407 = arith.index_cast %mul3A_89 : i32 to index
        %get3A_408 = tpu.vector_load %arg7[%get3A_406, %get3A_407] {strides = array<i32>} : memref<80x512xf32, #tpu.memory_space<vmem>>, vector<1x16xf32>,
        %get3A_409 = vector.shape_cast %get3A_408 : vector<1x16xf32> to vector<16xf32>
        %add3A_410 = arith.addf %add3A_362, %get3A_409 : vector<16xf32>
        %get3A_411 = arith.constant 76 : i32
        %get3A_412 = arith.index_cast %get3A_411 : i32 to index
        %get3A_413 = arith.index_cast %mul3A_89 : i32 to index
        %get3A_414 = tpu.vector_load %arg7[%get3A_412, %get3A_413] {strides = array<i32>} : memref<80x512xf32, #tpu.memory_space<vmem>>, vector<1x16xf32>,
        %get3A_415 = vector.shape_cast %get3A_414 : vector<1x16xf32> to vector<16xf32>
        %add3A_416 = arith.addf %add3A_368, %get3A_415 : vector<16xf32>
        %get3A_417 = arith.constant 7 : i32
        %get3A_418 = arith.index_cast %get3A_417 : i32 to index
        %get3A_419 = arith.index_cast %mul3A_89 : i32 to index
        %get3A_420 = tpu.vector_load %arg7[%get3A_418, %get3A_419] {strides = array<i32>} : memref<80x512xf32, #tpu.memory_space<vmem>>, vector<1x16xf32>,
        %get3A_421 = vector.shape_cast %get3A_420 : vector<1x16xf32> to vector<16xf32>
        %add3A_422 = arith.addf %add3A_374, %get3A_421 : vector<16xf32>
        %get3A_423 = arith.constant 17 : i32
        %get3A_424 = arith.index_cast %get3A_423 : i32 to index
        %get3A_425 = arith.index_cast %mul3A_89 : i32 to index
        %get3A_426 = tpu.vector_load %arg7[%get3A_424, %get3A_425] {strides = array<i32>} : memref<80x512xf32, #tpu.memory_space<vmem>>, vector<1x16xf32>,
        %get3A_427 = vector.shape_cast %get3A_426 : vector<1x16xf32> to vector<16xf32>
        %add3A_428 = arith.addf %add3A_380, %get3A_427 : vector<16xf32>
        %get3A_429 = arith.constant 27 : i32
        %get3A_430 = arith.index_cast %get3A_429 : i32 to index
        %get3A_431 = arith.index_cast %mul3A_89 : i32 to index
        %get3A_432 = tpu.vector_load %arg7[%get3A_430, %get3A_431] {strides = array<i32>} : memref<80x512xf32, #tpu.memory_space<vmem>>, vector<1x16xf32>,
        %get3A_433 = vector.shape_cast %get3A_432 : vector<1x16xf32> to vector<16xf32>
        %add3A_434 = arith.addf %add3A_386, %get3A_433 : vector<16xf32>
        %get3A_435 = arith.constant 37 : i32
        %get3A_436 = arith.index_cast %get3A_435 : i32 to index
        %get3A_437 = arith.index_cast %mul3A_89 : i32 to index
        %get3A_438 = tpu.vector_load %arg7[%get3A_436, %get3A_437] {strides = array<i32>} : memref<80x512xf32, #tpu.memory_space<vmem>>, vector<1x16xf32>,
        %get3A_439 = vector.shape_cast %get3A_438 : vector<1x16xf32> to vector<16xf32>
        %add3A_440 = arith.addf %add3A_392, %get3A_439 : vector<16xf32>
        %get3A_441 = arith.constant 47 : i32
        %get3A_442 = arith.index_cast %get3A_441 : i32 to index
        %get3A_443 = arith.index_cast %mul3A_89 : i32 to index
        %get3A_444 = tpu.vector_load %arg7[%get3A_442, %get3A_443] {strides = array<i32>} : memref<80x512xf32, #tpu.memory_space<vmem>>, vector<1x16xf32>,
        %get3A_445 = vector.shape_cast %get3A_444 : vector<1x16xf32> to vector<16xf32>
        %add3A_446 = arith.addf %add3A_398, %get3A_445 : vector<16xf32>
        %get3A_447 = arith.constant 57 : i32
        %get3A_448 = arith.index_cast %get3A_447 : i32 to index
        %get3A_449 = arith.index_cast %mul3A_89 : i32 to index
        %get3A_450 = tpu.vector_load %arg7[%get3A_448, %get3A_449] {strides = array<i32>} : memref<80x512xf32, #tpu.memory_space<vmem>>, vector<1x16xf32>,
        %get3A_451 = vector.shape_cast %get3A_450 : vector<1x16xf32> to vector<16xf32>
        %add3A_452 = arith.addf %add3A_404, %get3A_451 : vector<16xf32>
        %get3A_453 = arith.constant 67 : i32
        %get3A_454 = arith.index_cast %get3A_453 : i32 to index
        %get3A_455 = arith.index_cast %mul3A_89 : i32 to index
        %get3A_456 = tpu.vector_load %arg7[%get3A_454, %get3A_455] {strides = array<i32>} : memref<80x512xf32, #tpu.memory_space<vmem>>, vector<1x16xf32>,
        %get3A_457 = vector.shape_cast %get3A_456 : vector<1x16xf32> to vector<16xf32>
        %add3A_458 = arith.addf %add3A_410, %get3A_457 : vector<16xf32>
        %get3A_459 = arith.constant 77 : i32
        %get3A_460 = arith.index_cast %get3A_459 : i32 to index
        %get3A_461 = arith.index_cast %mul3A_89 : i32 to index
        %get3A_462 = tpu.vector_load %arg7[%get3A_460, %get3A_461] {strides = array<i32>} : memref<80x512xf32, #tpu.memory_space<vmem>>, vector<1x16xf32>,
        %get3A_463 = vector.shape_cast %get3A_462 : vector<1x16xf32> to vector<16xf32>
        %add3A_464 = arith.addf %add3A_416, %get3A_463 : vector<16xf32>
        %get3A_465 = arith.constant 8 : i32
        %get3A_466 = arith.index_cast %get3A_465 : i32 to index
        %get3A_467 = arith.index_cast %mul3A_89 : i32 to index
        %get3A_468 = tpu.vector_load %arg7[%get3A_466, %get3A_467] {strides = array<i32>} : memref<80x512xf32, #tpu.memory_space<vmem>>, vector<1x16xf32>,
        %get3A_469 = vector.shape_cast %get3A_468 : vector<1x16xf32> to vector<16xf32>
        %add3A_470 = arith.addf %add3A_422, %get3A_469 : vector<16xf32>
        %get3A_471 = arith.constant 18 : i32
        %get3A_472 = arith.index_cast %get3A_471 : i32 to index
        %get3A_473 = arith.index_cast %mul3A_89 : i32 to index
        %get3A_474 = tpu.vector_load %arg7[%get3A_472, %get3A_473] {strides = array<i32>} : memref<80x512xf32, #tpu.memory_space<vmem>>, vector<1x16xf32>,
        %get3A_475 = vector.shape_cast %get3A_474 : vector<1x16xf32> to vector<16xf32>
        %add3A_476 = arith.addf %add3A_428, %get3A_475 : vector<16xf32>
        %get3A_477 = arith.constant 28 : i32
        %get3A_478 = arith.index_cast %get3A_477 : i32 to index
        %get3A_479 = arith.index_cast %mul3A_89 : i32 to index
        %get3A_480 = tpu.vector_load %arg7[%get3A_478, %get3A_479] {strides = array<i32>} : memref<80x512xf32, #tpu.memory_space<vmem>>, vector<1x16xf32>,
        %get3A_481 = vector.shape_cast %get3A_480 : vector<1x16xf32> to vector<16xf32>
        %add3A_482 = arith.addf %add3A_434, %get3A_481 : vector<16xf32>
        %get3A_483 = arith.constant 38 : i32
        %get3A_484 = arith.index_cast %get3A_483 : i32 to index
        %get3A_485 = arith.index_cast %mul3A_89 : i32 to index
        %get3A_486 = tpu.vector_load %arg7[%get3A_484, %get3A_485] {strides = array<i32>} : memref<80x512xf32, #tpu.memory_space<vmem>>, vector<1x16xf32>,
        %get3A_487 = vector.shape_cast %get3A_486 : vector<1x16xf32> to vector<16xf32>
        %add3A_488 = arith.addf %add3A_440, %get3A_487 : vector<16xf32>
        %get3A_489 = arith.constant 48 : i32
        %get3A_490 = arith.index_cast %get3A_489 : i32 to index
        %get3A_491 = arith.index_cast %mul3A_89 : i32 to index
        %get3A_492 = tpu.vector_load %arg7[%get3A_490, %get3A_491] {strides = array<i32>} : memref<80x512xf32, #tpu.memory_space<vmem>>, vector<1x16xf32>,
        %get3A_493 = vector.shape_cast %get3A_492 : vector<1x16xf32> to vector<16xf32>
        %add3A_494 = arith.addf %add3A_446, %get3A_493 : vector<16xf32>
        %get3A_495 = arith.constant 58 : i32
        %get3A_496 = arith.index_cast %get3A_495 : i32 to index
        %get3A_497 = arith.index_cast %mul3A_89 : i32 to index
        %get3A_498 = tpu.vector_load %arg7[%get3A_496, %get3A_497] {strides = array<i32>} : memref<80x512xf32, #tpu.memory_space<vmem>>, vector<1x16xf32>,
        %get3A_499 = vector.shape_cast %get3A_498 : vector<1x16xf32> to vector<16xf32>
        %add3A_500 = arith.addf %add3A_452, %get3A_499 : vector<16xf32>
        %get3A_501 = arith.constant 68 : i32
        %get3A_502 = arith.index_cast %get3A_501 : i32 to index
        %get3A_503 = arith.index_cast %mul3A_89 : i32 to index
        %get3A_504 = tpu.vector_load %arg7[%get3A_502, %get3A_503] {strides = array<i32>} : memref<80x512xf32, #tpu.memory_space<vmem>>, vector<1x16xf32>,
        %get3A_505 = vector.shape_cast %get3A_504 : vector<1x16xf32> to vector<16xf32>
        %add3A_506 = arith.addf %add3A_458, %get3A_505 : vector<16xf32>
        %get3A_507 = arith.constant 78 : i32
        %get3A_508 = arith.index_cast %get3A_507 : i32 to index
        %get3A_509 = arith.index_cast %mul3A_89 : i32 to index
        %get3A_510 = tpu.vector_load %arg7[%get3A_508, %get3A_509] {strides = array<i32>} : memref<80x512xf32, #tpu.memory_space<vmem>>, vector<1x16xf32>,
        %get3A_511 = vector.shape_cast %get3A_510 : vector<1x16xf32> to vector<16xf32>
        %add3A_512 = arith.addf %add3A_464, %get3A_511 : vector<16xf32>
        %get3A_513 = arith.constant 9 : i32
        %get3A_514 = arith.index_cast %get3A_513 : i32 to index
        %get3A_515 = arith.index_cast %mul3A_89 : i32 to index
        %get3A_516 = tpu.vector_load %arg7[%get3A_514, %get3A_515] {strides = array<i32>} : memref<80x512xf32, #tpu.memory_space<vmem>>, vector<1x16xf32>,
        %get3A_517 = vector.shape_cast %get3A_516 : vector<1x16xf32> to vector<16xf32>
        %add3A_518 = arith.addf %add3A_470, %get3A_517 : vector<16xf32>
        %get3A_519 = arith.constant 19 : i32
        %get3A_520 = arith.index_cast %get3A_519 : i32 to index
        %get3A_521 = arith.index_cast %mul3A_89 : i32 to index
        %get3A_522 = tpu.vector_load %arg7[%get3A_520, %get3A_521] {strides = array<i32>} : memref<80x512xf32, #tpu.memory_space<vmem>>, vector<1x16xf32>,
        %get3A_523 = vector.shape_cast %get3A_522 : vector<1x16xf32> to vector<16xf32>
        %add3A_524 = arith.addf %add3A_476, %get3A_523 : vector<16xf32>
        %get3A_525 = arith.constant 29 : i32
        %get3A_526 = arith.index_cast %get3A_525 : i32 to index
        %get3A_527 = arith.index_cast %mul3A_89 : i32 to index
        %get3A_528 = tpu.vector_load %arg7[%get3A_526, %get3A_527] {strides = array<i32>} : memref<80x512xf32, #tpu.memory_space<vmem>>, vector<1x16xf32>,
        %get3A_529 = vector.shape_cast %get3A_528 : vector<1x16xf32> to vector<16xf32>
        %add3A_530 = arith.addf %add3A_482, %get3A_529 : vector<16xf32>
        %get3A_531 = arith.constant 39 : i32
        %get3A_532 = arith.index_cast %get3A_531 : i32 to index
        %get3A_533 = arith.index_cast %mul3A_89 : i32 to index
        %get3A_534 = tpu.vector_load %arg7[%get3A_532, %get3A_533] {strides = array<i32>} : memref<80x512xf32, #tpu.memory_space<vmem>>, vector<1x16xf32>,
        %get3A_535 = vector.shape_cast %get3A_534 : vector<1x16xf32> to vector<16xf32>
        %add3A_536 = arith.addf %add3A_488, %get3A_535 : vector<16xf32>
        %get3A_537 = arith.constant 49 : i32
        %get3A_538 = arith.index_cast %get3A_537 : i32 to index
        %get3A_539 = arith.index_cast %mul3A_89 : i32 to index
        %get3A_540 = tpu.vector_load %arg7[%get3A_538, %get3A_539] {strides = array<i32>} : memref<80x512xf32, #tpu.memory_space<vmem>>, vector<1x16xf32>,
        %get3A_541 = vector.shape_cast %get3A_540 : vector<1x16xf32> to vector<16xf32>
        %add3A_542 = arith.addf %add3A_494, %get3A_541 : vector<16xf32>
        %get3A_543 = arith.constant 59 : i32
        %get3A_544 = arith.index_cast %get3A_543 : i32 to index
        %get3A_545 = arith.index_cast %mul3A_89 : i32 to index
        %get3A_546 = tpu.vector_load %arg7[%get3A_544, %get3A_545] {strides = array<i32>} : memref<80x512xf32, #tpu.memory_space<vmem>>, vector<1x16xf32>,
        %get3A_547 = vector.shape_cast %get3A_546 : vector<1x16xf32> to vector<16xf32>
        %add3A_548 = arith.addf %add3A_500, %get3A_547 : vector<16xf32>
        %get3A_549 = arith.constant 69 : i32
        %get3A_550 = arith.index_cast %get3A_549 : i32 to index
        %get3A_551 = arith.index_cast %mul3A_89 : i32 to index
        %get3A_552 = tpu.vector_load %arg7[%get3A_550, %get3A_551] {strides = array<i32>} : memref<80x512xf32, #tpu.memory_space<vmem>>, vector<1x16xf32>,
        %get3A_553 = vector.shape_cast %get3A_552 : vector<1x16xf32> to vector<16xf32>
        %add3A_554 = arith.addf %add3A_506, %get3A_553 : vector<16xf32>
        %get3A_555 = arith.constant 79 : i32
        %get3A_556 = arith.index_cast %get3A_555 : i32 to index
        %get3A_557 = arith.index_cast %mul3A_89 : i32 to index
        %get3A_558 = tpu.vector_load %arg7[%get3A_556, %get3A_557] {strides = array<i32>} : memref<80x512xf32, #tpu.memory_space<vmem>>, vector<1x16xf32>,
        %get3A_559 = vector.shape_cast %get3A_558 : vector<1x16xf32> to vector<16xf32>
        %add3A_560 = arith.addf %add3A_512, %get3A_559 : vector<16xf32>
        %mul3A_561 = arith.constant 1.000000e-01 : f32
        %mul3A_562 = vector.broadcast %mul3A_561 : f32 to vector<16xf32>
        %mul3A_563 = arith.mulf %add3A_518, %mul3A_562 : vector<16xf32>
        %swap3A = arith.constant 0 : i32
        %swap3A_564 = arith.index_cast %swap3A : i32 to index
        %swap3A_565 = arith.index_cast %mul3A_89 : i32 to index
        %swap3A_566 = tpu.vector_load %arg9[%swap3A_564, %swap3A_565] {strides = array<i32>} : memref<8x512xf32, #tpu.memory_space<vmem>>, vector<1x16xf32>,
        %swap3A_567 = vector.shape_cast %swap3A_566 : vector<1x16xf32> to vector<16xf32>
        %swap3A_568 = vector.shape_cast %mul3A_563 : vector<16xf32> to vector<1x16xf32>
        tpu.vector_store %arg9[%swap3A_564, %swap3A_565], %swap3A_568 {strides = array<i32>} : memref<8x512xf32, #tpu.memory_space<vmem>>, vector<1x16xf32>,
        %mul3A_569 = arith.constant 1.000000e-01 : f32
        %mul3A_570 = vector.broadcast %mul3A_569 : f32 to vector<16xf32>
        %mul3A_571 = arith.mulf %add3A_524, %mul3A_570 : vector<16xf32>
        %swap3A_572 = arith.constant 1 : i32
        %swap3A_573 = arith.index_cast %swap3A_572 : i32 to index
        %swap3A_574 = arith.index_cast %mul3A_89 : i32 to index
        %swap3A_575 = tpu.vector_load %arg9[%swap3A_573, %swap3A_574] {strides = array<i32>} : memref<8x512xf32, #tpu.memory_space<vmem>>, vector<1x16xf32>,
        %swap3A_576 = vector.shape_cast %swap3A_575 : vector<1x16xf32> to vector<16xf32>
        %swap3A_577 = vector.shape_cast %mul3A_571 : vector<16xf32> to vector<1x16xf32>
        tpu.vector_store %arg9[%swap3A_573, %swap3A_574], %swap3A_577 {strides = array<i32>} : memref<8x512xf32, #tpu.memory_space<vmem>>, vector<1x16xf32>,
        %mul3A_578 = arith.constant 1.000000e-01 : f32
        %mul3A_579 = vector.broadcast %mul3A_578 : f32 to vector<16xf32>
        %mul3A_580 = arith.mulf %add3A_530, %mul3A_579 : vector<16xf32>
        %swap3A_581 = arith.constant 2 : i32
        %swap3A_582 = arith.index_cast %swap3A_581 : i32 to index
        %swap3A_583 = arith.index_cast %mul3A_89 : i32 to index
        %swap3A_584 = tpu.vector_load %arg9[%swap3A_582, %swap3A_583] {strides = array<i32>} : memref<8x512xf32, #tpu.memory_space<vmem>>, vector<1x16xf32>,
        %swap3A_585 = vector.shape_cast %swap3A_584 : vector<1x16xf32> to vector<16xf32>
        %swap3A_586 = vector.shape_cast %mul3A_580 : vector<16xf32> to vector<1x16xf32>
        tpu.vector_store %arg9[%swap3A_582, %swap3A_583], %swap3A_586 {strides = array<i32>} : memref<8x512xf32, #tpu.memory_space<vmem>>, vector<1x16xf32>,
        %mul3A_587 = arith.constant 1.000000e-01 : f32
        %mul3A_588 = vector.broadcast %mul3A_587 : f32 to vector<16xf32>
        %mul3A_589 = arith.mulf %add3A_536, %mul3A_588 : vector<16xf32>
        %swap3A_590 = arith.constant 3 : i32
        %swap3A_591 = arith.index_cast %swap3A_590 : i32 to index
        %swap3A_592 = arith.index_cast %mul3A_89 : i32 to index
        %swap3A_593 = tpu.vector_load %arg9[%swap3A_591, %swap3A_592] {strides = array<i32>} : memref<8x512xf32, #tpu.memory_space<vmem>>, vector<1x16xf32>,
        %swap3A_594 = vector.shape_cast %swap3A_593 : vector<1x16xf32> to vector<16xf32>
        %swap3A_595 = vector.shape_cast %mul3A_589 : vector<16xf32> to vector<1x16xf32>
        tpu.vector_store %arg9[%swap3A_591, %swap3A_592], %swap3A_595 {strides = array<i32>} : memref<8x512xf32, #tpu.memory_space<vmem>>, vector<1x16xf32>,
        %mul3A_596 = arith.constant 1.000000e-01 : f32
        %mul3A_597 = vector.broadcast %mul3A_596 : f32 to vector<16xf32>
        %mul3A_598 = arith.mulf %add3A_542, %mul3A_597 : vector<16xf32>
        %swap3A_599 = arith.constant 4 : i32
        %swap3A_600 = arith.index_cast %swap3A_599 : i32 to index
        %swap3A_601 = arith.index_cast %mul3A_89 : i32 to index
        %swap3A_602 = tpu.vector_load %arg9[%swap3A_600, %swap3A_601] {strides = array<i32>} : memref<8x512xf32, #tpu.memory_space<vmem>>, vector<1x16xf32>,
        %swap3A_603 = vector.shape_cast %swap3A_602 : vector<1x16xf32> to vector<16xf32>
        %swap3A_604 = vector.shape_cast %mul3A_598 : vector<16xf32> to vector<1x16xf32>
        tpu.vector_store %arg9[%swap3A_600, %swap3A_601], %swap3A_604 {strides = array<i32>} : memref<8x512xf32, #tpu.memory_space<vmem>>, vector<1x16xf32>,
        %mul3A_605 = arith.constant 1.000000e-01 : f32
        %mul3A_606 = vector.broadcast %mul3A_605 : f32 to vector<16xf32>
        %mul3A_607 = arith.mulf %add3A_548, %mul3A_606 : vector<16xf32>
        %swap3A_608 = arith.constant 5 : i32
        %swap3A_609 = arith.index_cast %swap3A_608 : i32 to index
        %swap3A_610 = arith.index_cast %mul3A_89 : i32 to index
        %swap3A_611 = tpu.vector_load %arg9[%swap3A_609, %swap3A_610] {strides = array<i32>} : memref<8x512xf32, #tpu.memory_space<vmem>>, vector<1x16xf32>,
        %swap3A_612 = vector.shape_cast %swap3A_611 : vector<1x16xf32> to vector<16xf32>
        %swap3A_613 = vector.shape_cast %mul3A_607 : vector<16xf32> to vector<1x16xf32>
        tpu.vector_store %arg9[%swap3A_609, %swap3A_610], %swap3A_613 {strides = array<i32>} : memref<8x512xf32, #tpu.memory_space<vmem>>, vector<1x16xf32>,
        %mul3A_614 = arith.constant 1.000000e-01 : f32
        %mul3A_615 = vector.broadcast %mul3A_614 : f32 to vector<16xf32>
        %mul3A_616 = arith.mulf %add3A_554, %mul3A_615 : vector<16xf32>
        %swap3A_617 = arith.constant 6 : i32
        %swap3A_618 = arith.index_cast %swap3A_617 : i32 to index
        %swap3A_619 = arith.index_cast %mul3A_89 : i32 to index
        %swap3A_620 = tpu.vector_load %arg9[%swap3A_618, %swap3A_619] {strides = array<i32>} : memref<8x512xf32, #tpu.memory_space<vmem>>, vector<1x16xf32>,
        %swap3A_621 = vector.shape_cast %swap3A_620 : vector<1x16xf32> to vector<16xf32>
        %swap3A_622 = vector.shape_cast %mul3A_616 : vector<16xf32> to vector<1x16xf32>
        tpu.vector_store %arg9[%swap3A_618, %swap3A_619], %swap3A_622 {strides = array<i32>} : memref<8x512xf32, #tpu.memory_space<vmem>>, vector<1x16xf32>,
        %mul3A_623 = arith.constant 1.000000e-01 : f32
        %mul3A_624 = vector.broadcast %mul3A_623 : f32 to vector<16xf32>
        %mul3A_625 = arith.mulf %add3A_560, %mul3A_624 : vector<16xf32>
        %swap3A_626 = arith.constant 7 : i32
        %swap3A_627 = arith.index_cast %swap3A_626 : i32 to index
        %swap3A_628 = arith.index_cast %mul3A_89 : i32 to index
        %swap3A_629 = tpu.vector_load %arg9[%swap3A_627, %swap3A_628] {strides = array<i32>} : memref<8x512xf32, #tpu.memory_space<vmem>>, vector<1x16xf32>,
        %swap3A_630 = vector.shape_cast %swap3A_629 : vector<1x16xf32> to vector<16xf32>
        %swap3A_631 = vector.shape_cast %mul3A_625 : vector<16xf32> to vector<1x16xf32>
        tpu.vector_store %arg9[%swap3A_627, %swap3A_628], %swap3A_631 {strides = array<i32>} : memref<8x512xf32, #tpu.memory_space<vmem>>, vector<1x16xf32>,
      }
      %scan3A_79 = arith.constant 32 : i32
      %mul3A_80 = arith.constant 8 : i32
      %mul3A_81 = arith.muli %add3A_68, %mul3A_80 : i32
      %add3A_82 = arith.addi %mul3A_2, %mul3A_81 : i32
      %dma_start3A_83 = arith.constant 0 : i32
      %dma_start3A_84 = tpu.memref_slice %arg4[%add3A_82, %dma_start3A_83] : memref<12800x512xf32, #tpu.memory_space<hbm>> -> memref<8x512xf32, #tpu.memory_space<hbm>>
      %dma_start3A_85 = arith.constant 0 : i32
      %dma_start3A_86 = tpu.memref_slice %arg4[%add3A_82, %dma_start3A_85] : memref<12800x512xf32, #tpu.memory_space<hbm>> -> memref<8x512xf32, #tpu.memory_space<hbm>>
      tpu.enqueue_dma source(%arg9 : memref<8x512xf32, #tpu.memory_space<vmem>>) target(%dma_start3A_86 : memref<8x512xf32, #tpu.memory_space<hbm>>) target_semaphore(%arg13 : memref<!tpu.dma_semaphore, #tpu.memory_space<semaphore_mem>>)
    }
    %scan3A_13 = arith.constant 25 : i32
    %dma_wait3A = arith.constant 0 : i32
    %dma_wait3A_14 = tpu.memref_slice %arg4[%mul3A_2, %dma_wait3A] : memref<12800x512xf32, #tpu.memory_space<hbm>> -> memref<8x512xf32, #tpu.memory_space<hbm>>
    %dma_wait3A_15 = arith.constant 0 : i32
    %dma_wait3A_16 = tpu.memref_slice %arg4[%mul3A_2, %dma_wait3A_15] : memref<12800x512xf32, #tpu.memory_space<hbm>> -> memref<8x512xf32, #tpu.memory_space<hbm>>
    tpu.wait_dma2 semaphore(%arg12 : memref<!tpu.dma_semaphore, #tpu.memory_space<semaphore_mem>>) src(%arg8 : memref<8x512xf32, #tpu.memory_space<vmem>>) dst(%dma_wait3A_16 : memref<8x512xf32, #tpu.memory_space<hbm>>)
    %dma_wait3A_17 = arith.constant 0 : i32
    %dma_wait3A_18 = tpu.memref_slice %arg4[%mul3A_2, %dma_wait3A_17] : memref<12800x512xf32, #tpu.memory_space<hbm>> -> memref<8x512xf32, #tpu.memory_space<hbm>>
    %dma_wait3A_19 = arith.constant 0 : i32
    %dma_wait3A_20 = tpu.memref_slice %arg4[%mul3A_2, %dma_wait3A_19] : memref<12800x512xf32, #tpu.memory_space<hbm>> -> memref<8x512xf32, #tpu.memory_space<hbm>>
    tpu.wait_dma2 semaphore(%arg13 : memref<!tpu.dma_semaphore, #tpu.memory_space<semaphore_mem>>) src(%arg9 : memref<8x512xf32, #tpu.memory_space<vmem>>) dst(%dma_wait3A_20 : memref<8x512xf32, #tpu.memory_space<hbm>>)
    return
  }
}

module attributes {stable_mosaic.version = 14 : i64} {
  func.func @_tc_a_body(%arg0: i32, %arg1: memref<400x512xf32, #tpu.memory_space<vmem>>, %arg2: memref<512x512xbf16, #tpu.memory_space<vmem>>, %arg3: memref<1x512xf32, #tpu.memory_space<vmem>>, %arg4: memref<400x512xbf16, #tpu.memory_space<vmem>>, %arg5: memref<512x512xf32, #tpu.memory_space<vmem>>) attributes {dimension_semantics = [#tpu.dimension_semantics<arbitrary>], iteration_bounds = array<i64: 32>, scalar_prefetch = 0 : i64, scratch_operands = 0 : i64, tpu.core_type = #tpu.core_type<tc>, window_params = [{transform_indices = @transform_0, window_bounds = array<i64: 400, 512>}, {pipeline_mode = #tpu.pipeline_mode<synchronous>, transform_indices = @transform_1, window_bounds = array<i64: 512, 512>}, {pipeline_mode = #tpu.pipeline_mode<synchronous>, transform_indices = @transform_2, window_bounds = array<i64: 1, 512>}, {transform_indices = @transform_3, window_bounds = array<i64: 400, 512>}, {pipeline_mode = #tpu.pipeline_mode<synchronous>, transform_indices = @transform_4, window_bounds = array<i64: 512, 512>}]} {
    %get3A = arith.constant 0 : index
    %get3A_0 = arith.constant 0 : index
    %get3A_1 = vector.load %arg1[%get3A, %get3A_0] : memref<400x512xf32, #tpu.memory_space<vmem>>, vector<400x512xf32>
    %convert_element_type3A = arith.truncf %get3A_1 : vector<400x512xf32> to vector<400x512xbf16>
    %get3A_2 = arith.constant 0 : index
    %get3A_3 = arith.constant 0 : index
    %get3A_4 = vector.load %arg2[%get3A_2, %get3A_3] : memref<512x512xbf16, #tpu.memory_space<vmem>>, vector<512x512xbf16>
    %dot_general3A = arith.constant dense<0.000000e+00> : vector<400x512xf32>
    %dot_general3A_5 = tpu.matmul %convert_element_type3A, %get3A_4, %dot_general3A {dimension_numbers = #tpu.dot_dimension_numbers<[1], [0], [0], [1], [0, 0, 1, 1], [], []>, transpose_lhs_hint = false} : vector<400x512xbf16>, vector<512x512xbf16>, vector<400x512xf32> -> vector<400x512xf32>
    %get3A_6 = arith.constant 0 : index
    %get3A_7 = arith.constant 0 : index
    %get3A_8 = vector.load %arg3[%get3A_6, %get3A_7] : memref<1x512xf32, #tpu.memory_space<vmem>>, vector<1x512xf32>
    %add3A = vector.broadcast %get3A_8 : vector<1x512xf32> to vector<400x512xf32>
    %add3A_9 = arith.addf %dot_general3A_5, %add3A : vector<400x512xf32>
    %convert_element_type3A_10 = arith.truncf %add3A_9 : vector<400x512xf32> to vector<400x512xbf16>
    %swap3A = arith.constant 0 : index
    %swap3A_11 = arith.constant 0 : index
    %swap3A_12 = vector.load %arg4[%swap3A, %swap3A_11] : memref<400x512xbf16, #tpu.memory_space<vmem>>, vector<400x512xbf16>
    tpu.vector_store %arg4[%swap3A, %swap3A_11], %convert_element_type3A_10 {strides = array<i32>} : memref<400x512xbf16, #tpu.memory_space<vmem>>, vector<400x512xbf16>,
    %iota3A = tpu.iota {dimensions = array<i32: 1>} : vector<16x400xi32>
    %jit3A = arith.constant 25 : i32
    %div3A = vector.broadcast %jit3A : i32 to vector<16x400xi32>
    %div3A_13 = arith.divsi %iota3A, %div3A : vector<16x400xi32>
    %sign3A = arith.constant 0 : i32
    %sign3A_14 = vector.broadcast %sign3A : i32 to vector<16x400xi32>
    %sign3A_15 = arith.cmpi sgt, %iota3A, %sign3A_14 : vector<16x400xi32>
    %sign3A_16 = arith.extui %sign3A_15 : vector<16x400xi1> to vector<16x400xi32>
    %sign3A_17 = arith.constant 0 : i32
    %sign3A_18 = vector.broadcast %sign3A_17 : i32 to vector<16x400xi32>
    %sign3A_19 = arith.cmpi slt, %iota3A, %sign3A_18 : vector<16x400xi32>
    %sign3A_20 = arith.extui %sign3A_19 : vector<16x400xi1> to vector<16x400xi32>
    %sign3A_21 = arith.subi %sign3A_16, %sign3A_20 : vector<16x400xi32>
    %sign3A_22 = arith.constant 0 : i32
    %sign3A_23 = arith.cmpi sgt, %jit3A, %sign3A_22 : i32
    %sign3A_24 = arith.extui %sign3A_23 : i1 to i32
    %sign3A_25 = arith.constant 0 : i32
    %sign3A_26 = arith.cmpi slt, %jit3A, %sign3A_25 : i32
    %sign3A_27 = arith.extui %sign3A_26 : i1 to i32
    %sign3A_28 = arith.subi %sign3A_24, %sign3A_27 : i32
    %ne3A = vector.broadcast %sign3A_28 : i32 to vector<16x400xi32>
    %ne3A_29 = arith.cmpi ne, %sign3A_21, %ne3A : vector<16x400xi32>
    %rem3A = vector.broadcast %jit3A : i32 to vector<16x400xi32>
    %rem3A_30 = arith.remsi %iota3A, %rem3A : vector<16x400xi32>
    %ne3A_31 = arith.constant 0 : i32
    %ne3A_32 = vector.broadcast %ne3A_31 : i32 to vector<16x400xi32>
    %ne3A_33 = arith.cmpi ne, %rem3A_30, %ne3A_32 : vector<16x400xi32>
    %and3A = arith.andi %ne3A_29, %ne3A_33 : vector<16x400xi1>
    %sub3A = arith.constant 1 : i32
    %sub3A_34 = vector.broadcast %sub3A : i32 to vector<16x400xi32>
    %sub3A_35 = arith.subi %div3A_13, %sub3A_34 : vector<16x400xi32>
    %select_n3A = arith.select %and3A, %sub3A_35, %div3A_13 : vector<16x400xi1>, vector<16x400xi32>
    %iota3A_36 = tpu.iota {dimensions = array<i32: 0>} : vector<16x400xi32>
    %eq3A = arith.cmpi eq, %select_n3A, %iota3A_36 : vector<16x400xi32>
    %convert_element_type3A_37 = arith.extui %eq3A : vector<16x400xi1> to vector<16x400xi32>
    %convert_element_type3A_38 = arith.sitofp %convert_element_type3A_37 : vector<16x400xi32> to vector<16x400xf32>
    %dot_general3A_39 = arith.constant dense<0.000000e+00> : vector<16x512xf32>
    %dot_general3A_40 = tpu.matmul %convert_element_type3A_38, %get3A_1, %dot_general3A_39 {dimension_numbers = #tpu.dot_dimension_numbers<[1], [0], [0], [1], [0, 0, 1, 1], [], []>, transpose_lhs_hint = false} : vector<16x400xf32>, vector<400x512xf32>, vector<16x512xf32> -> vector<16x512xf32>
    %mul3A = arith.constant 16 : i32
    %mul3A_41 = arith.muli %arg0, %mul3A : i32
    %swap3A_42 = arith.index_cast %mul3A_41 : i32 to index
    %swap3A_43 = arith.constant 0 : index
    %swap3A_44 = vector.load %arg5[%swap3A_42, %swap3A_43] : memref<512x512xf32, #tpu.memory_space<vmem>>, vector<16x512xf32>
    tpu.vector_store %arg5[%swap3A_42, %swap3A_43], %dot_general3A_40 {strides = array<i32>} : memref<512x512xf32, #tpu.memory_space<vmem>>, vector<16x512xf32>,
    return
  }
  func.func @transform_0(%arg0: i32) -> (i32, i32) {
    %c0_i32 = arith.constant 0 : i32
    %c0_i32_0 = arith.constant 0 : i32
    return %arg0, %c0_i32 : i32, i32
  }
  func.func @transform_1(%arg0: i32) -> (i32, i32) {
    %c0_i32 = arith.constant 0 : i32
    %c0_i32_0 = arith.constant 0 : i32
    %c0_i32_1 = arith.constant 0 : i32
    return %c0_i32, %c0_i32_0 : i32, i32
  }
  func.func @transform_2(%arg0: i32) -> (i32, i32) {
    %c0_i32 = arith.constant 0 : i32
    %c0_i32_0 = arith.constant 0 : i32
    %c0_i32_1 = arith.constant 0 : i32
    return %c0_i32, %c0_i32_0 : i32, i32
  }
  func.func @transform_3(%arg0: i32) -> (i32, i32) {
    %c0_i32 = arith.constant 0 : i32
    %c0_i32_0 = arith.constant 0 : i32
    return %arg0, %c0_i32 : i32, i32
  }
  func.func @transform_4(%arg0: i32) -> (i32, i32) {
    %c0_i32 = arith.constant 0 : i32
    %c0_i32_0 = arith.constant 0 : i32
    %c0_i32_1 = arith.constant 0 : i32
    return %c0_i32, %c0_i32_0 : i32, i32
  }
}

module attributes {stable_mosaic.version = 14 : i64} {
  func.func @_tc_b_body(%arg0: i32, %arg1: memref<400x512xbf16, #tpu.memory_space<vmem>>, %arg2: memref<400x512xf32, #tpu.memory_space<vmem>>, %arg3: memref<512x512xf32, #tpu.memory_space<vmem>>, %arg4: memref<512x512xf32, #tpu.memory_space<vmem>>, %arg5: memref<512x512xbf16, #tpu.memory_space<vmem>>, %arg6: memref<512x512xbf16, #tpu.memory_space<vmem>>, %arg7: memref<1x512xf32, #tpu.memory_space<vmem>>, %arg8: memref<512x256xf32, #tpu.memory_space<vmem>>, %arg9: memref<512x256xf32, #tpu.memory_space<vmem>>, %arg10: memref<1x256xf32, #tpu.memory_space<vmem>>, %arg11: memref<512x256xf32, #tpu.memory_space<vmem>>, %arg12: memref<512x512xf32, #tpu.memory_space<vmem>>) attributes {dimension_semantics = [#tpu.dimension_semantics<arbitrary>], iteration_bounds = array<i64: 32>, scalar_prefetch = 0 : i64, scratch_operands = 1 : i64, tpu.core_type = #tpu.core_type<tc>, window_params = [{transform_indices = @transform_0, window_bounds = array<i64: 400, 512>}, {transform_indices = @transform_1, window_bounds = array<i64: 400, 512>}, {pipeline_mode = #tpu.pipeline_mode<synchronous>, transform_indices = @transform_2, window_bounds = array<i64: 512, 512>}, {pipeline_mode = #tpu.pipeline_mode<synchronous>, transform_indices = @transform_3, window_bounds = array<i64: 512, 512>}, {pipeline_mode = #tpu.pipeline_mode<synchronous>, transform_indices = @transform_4, window_bounds = array<i64: 512, 512>}, {pipeline_mode = #tpu.pipeline_mode<synchronous>, transform_indices = @transform_5, window_bounds = array<i64: 512, 512>}, {pipeline_mode = #tpu.pipeline_mode<synchronous>, transform_indices = @transform_6, window_bounds = array<i64: 1, 512>}, {pipeline_mode = #tpu.pipeline_mode<synchronous>, transform_indices = @transform_7, window_bounds = array<i64: 512, 256>}, {pipeline_mode = #tpu.pipeline_mode<synchronous>, transform_indices = @transform_8, window_bounds = array<i64: 512, 256>}, {pipeline_mode = #tpu.pipeline_mode<synchronous>, transform_indices = @transform_9, window_bounds = array<i64: 1, 256>}, {pipeline_mode = #tpu.pipeline_mode<synchronous>, transform_indices = @transform_10, window_bounds = array<i64: 512, 256>}]} {
    %get3A = arith.constant 0 : index
    %get3A_0 = arith.constant 0 : index
    %get3A_1 = vector.load %arg1[%get3A, %get3A_0] : memref<400x512xbf16, #tpu.memory_space<vmem>>, vector<400x512xbf16>
    %convert_element_type3A = arith.extf %get3A_1 : vector<400x512xbf16> to vector<400x512xf32>
    %get3A_2 = arith.constant 0 : index
    %get3A_3 = arith.constant 0 : index
    %get3A_4 = vector.load %arg2[%get3A_2, %get3A_3] : memref<400x512xf32, #tpu.memory_space<vmem>>, vector<400x512xf32>
    %convert_element_type3A_5 = arith.truncf %get3A_4 : vector<400x512xf32> to vector<400x512xbf16>
    %get3A_6 = arith.constant 0 : index
    %get3A_7 = arith.constant 0 : index
    %get3A_8 = vector.load %arg6[%get3A_6, %get3A_7] : memref<512x512xbf16, #tpu.memory_space<vmem>>, vector<512x512xbf16>
    %dot_general3A = arith.constant dense<0.000000e+00> : vector<400x512xf32>
    %dot_general3A_9 = tpu.matmul %convert_element_type3A_5, %get3A_8, %dot_general3A {dimension_numbers = #tpu.dot_dimension_numbers<[1], [0], [0], [1], [0, 0, 1, 1], [], []>, transpose_lhs_hint = false} : vector<400x512xbf16>, vector<512x512xbf16>, vector<400x512xf32> -> vector<400x512xf32>
    %add3A = arith.addf %convert_element_type3A, %dot_general3A_9 : vector<400x512xf32>
    %max3A = arith.constant 0.000000e+00 : f32
    %max3A_10 = vector.broadcast %max3A : f32 to vector<400x512xf32>
    %max3A_11 = arith.maximumf %add3A, %max3A_10 : vector<400x512xf32>
    %mul3A = arith.mulf %max3A_11, %max3A_11 : vector<400x512xf32>
    %reduce_sum3A = arith.constant dense<0.000000e+00> : vector<400xf32>
    %reduce_sum3A_12 = vector.multi_reduction <add>, %mul3A, %reduce_sum3A [1] : vector<400x512xf32> to vector<400xf32>
    %broadcast_in_dim3A = vector.shape_cast %reduce_sum3A_12 : vector<400xf32> to vector<400x1xf32>
    %max3A_13 = arith.constant 1.000000e-24 : f32
    %max3A_14 = vector.broadcast %max3A_13 : f32 to vector<400x1xf32>
    %max3A_15 = arith.maximumf %broadcast_in_dim3A, %max3A_14 : vector<400x1xf32>
    %rsqrt3A = math.rsqrt %max3A_15 : vector<400x1xf32>
    %mul3A_16 = vector.broadcast %rsqrt3A : vector<400x1xf32> to vector<400x512xf32>
    %mul3A_17 = arith.mulf %max3A_11, %mul3A_16 : vector<400x512xf32>
    %iota3A = tpu.iota {dimensions = array<i32: 1>} : vector<16x400xi32>
    %jit3A = arith.constant 25 : i32
    %div3A = vector.broadcast %jit3A : i32 to vector<16x400xi32>
    %div3A_18 = arith.divsi %iota3A, %div3A : vector<16x400xi32>
    %sign3A = arith.constant 0 : i32
    %sign3A_19 = vector.broadcast %sign3A : i32 to vector<16x400xi32>
    %sign3A_20 = arith.cmpi sgt, %iota3A, %sign3A_19 : vector<16x400xi32>
    %sign3A_21 = arith.extui %sign3A_20 : vector<16x400xi1> to vector<16x400xi32>
    %sign3A_22 = arith.constant 0 : i32
    %sign3A_23 = vector.broadcast %sign3A_22 : i32 to vector<16x400xi32>
    %sign3A_24 = arith.cmpi slt, %iota3A, %sign3A_23 : vector<16x400xi32>
    %sign3A_25 = arith.extui %sign3A_24 : vector<16x400xi1> to vector<16x400xi32>
    %sign3A_26 = arith.subi %sign3A_21, %sign3A_25 : vector<16x400xi32>
    %sign3A_27 = arith.constant 0 : i32
    %sign3A_28 = arith.cmpi sgt, %jit3A, %sign3A_27 : i32
    %sign3A_29 = arith.extui %sign3A_28 : i1 to i32
    %sign3A_30 = arith.constant 0 : i32
    %sign3A_31 = arith.cmpi slt, %jit3A, %sign3A_30 : i32
    %sign3A_32 = arith.extui %sign3A_31 : i1 to i32
    %sign3A_33 = arith.subi %sign3A_29, %sign3A_32 : i32
    %ne3A = vector.broadcast %sign3A_33 : i32 to vector<16x400xi32>
    %ne3A_34 = arith.cmpi ne, %sign3A_26, %ne3A : vector<16x400xi32>
    %rem3A = vector.broadcast %jit3A : i32 to vector<16x400xi32>
    %rem3A_35 = arith.remsi %iota3A, %rem3A : vector<16x400xi32>
    %ne3A_36 = arith.constant 0 : i32
    %ne3A_37 = vector.broadcast %ne3A_36 : i32 to vector<16x400xi32>
    %ne3A_38 = arith.cmpi ne, %rem3A_35, %ne3A_37 : vector<16x400xi32>
    %and3A = arith.andi %ne3A_34, %ne3A_38 : vector<16x400xi1>
    %sub3A = arith.constant 1 : i32
    %sub3A_39 = vector.broadcast %sub3A : i32 to vector<16x400xi32>
    %sub3A_40 = arith.subi %div3A_18, %sub3A_39 : vector<16x400xi32>
    %select_n3A = arith.select %and3A, %sub3A_40, %div3A_18 : vector<16x400xi1>, vector<16x400xi32>
    %iota3A_41 = tpu.iota {dimensions = array<i32: 0>} : vector<16x400xi32>
    %eq3A = arith.cmpi eq, %select_n3A, %iota3A_41 : vector<16x400xi32>
    %convert_element_type3A_42 = arith.extui %eq3A : vector<16x400xi1> to vector<16x400xi32>
    %convert_element_type3A_43 = arith.sitofp %convert_element_type3A_42 : vector<16x400xi32> to vector<16x400xf32>
    %dot_general3A_44 = arith.constant dense<0.000000e+00> : vector<16x512xf32>
    %dot_general3A_45 = tpu.matmul %convert_element_type3A_43, %mul3A_17, %dot_general3A_44 {dimension_numbers = #tpu.dot_dimension_numbers<[1], [0], [0], [1], [0, 0, 1, 1], [], []>, transpose_lhs_hint = false} : vector<16x400xf32>, vector<400x512xf32>, vector<16x512xf32> -> vector<16x512xf32>
    %mul3A_46 = arith.constant 16 : i32
    %mul3A_47 = arith.muli %arg0, %mul3A_46 : i32
    %swap3A = arith.index_cast %mul3A_47 : i32 to index
    %swap3A_48 = arith.constant 0 : index
    %swap3A_49 = vector.load %arg12[%swap3A, %swap3A_48] : memref<512x512xf32, #tpu.memory_space<vmem>>, vector<16x512xf32>
    tpu.vector_store %arg12[%swap3A, %swap3A_48], %dot_general3A_45 {strides = array<i32>} : memref<512x512xf32, #tpu.memory_space<vmem>>, vector<16x512xf32>,
    %eq3A_50 = arith.constant 31 : i32
    %eq3A_51 = arith.cmpi eq, %arg0, %eq3A_50 : i32
    %convert_element_type3A_52 = arith.extui %eq3A_51 : i1 to i32
    %cond3A = arith.constant 0 : i32
    %cond3A_53 = arith.cmpi ne, %convert_element_type3A_52, %cond3A : i32
    scf.if %cond3A_53 {
      %get3A_54 = arith.constant 0 : index
      %get3A_55 = arith.constant 0 : index
      %get3A_56 = vector.load %arg3[%get3A_54, %get3A_55] : memref<512x512xf32, #tpu.memory_space<vmem>>, vector<512x512xf32>
      %mul3A_57 = arith.constant 4.000000e-02 : f32
      %mul3A_58 = vector.broadcast %mul3A_57 : f32 to vector<512x512xf32>
      %mul3A_59 = arith.mulf %get3A_56, %mul3A_58 : vector<512x512xf32>
      %get3A_60 = arith.constant 0 : index
      %get3A_61 = arith.constant 0 : index
      %get3A_62 = vector.load %arg4[%get3A_60, %get3A_61] : memref<512x512xf32, #tpu.memory_space<vmem>>, vector<512x512xf32>
      %convert_element_type3A_63 = arith.truncf %get3A_62 : vector<512x512xf32> to vector<512x512xbf16>
      %get3A_64 = arith.constant 0 : index
      %get3A_65 = arith.constant 0 : index
      %get3A_66 = vector.load %arg5[%get3A_64, %get3A_65] : memref<512x512xbf16, #tpu.memory_space<vmem>>, vector<512x512xbf16>
      %dot_general3A_67 = arith.constant dense<0.000000e+00> : vector<512x512xf32>
      %dot_general3A_68 = tpu.matmul %convert_element_type3A_63, %get3A_66, %dot_general3A_67 {dimension_numbers = #tpu.dot_dimension_numbers<[1], [0], [0], [1], [0, 0, 1, 1], [], []>, transpose_lhs_hint = false} : vector<512x512xbf16>, vector<512x512xbf16>, vector<512x512xf32> -> vector<512x512xf32>
      %convert_element_type3A_69 = arith.truncf %mul3A_59 : vector<512x512xf32> to vector<512x512xbf16>
      %get3A_70 = arith.constant 0 : index
      %get3A_71 = arith.constant 0 : index
      %get3A_72 = vector.load %arg6[%get3A_70, %get3A_71] : memref<512x512xbf16, #tpu.memory_space<vmem>>, vector<512x512xbf16>
      %dot_general3A_73 = arith.constant dense<0.000000e+00> : vector<512x512xf32>
      %dot_general3A_74 = tpu.matmul %convert_element_type3A_69, %get3A_72, %dot_general3A_73 {dimension_numbers = #tpu.dot_dimension_numbers<[1], [0], [0], [1], [0, 0, 1, 1], [], []>, transpose_lhs_hint = false} : vector<512x512xbf16>, vector<512x512xbf16>, vector<512x512xf32> -> vector<512x512xf32>
      %add3A_75 = arith.addf %dot_general3A_68, %dot_general3A_74 : vector<512x512xf32>
      %get3A_76 = arith.constant 0 : index
      %get3A_77 = arith.constant 0 : index
      %get3A_78 = vector.load %arg7[%get3A_76, %get3A_77] : memref<1x512xf32, #tpu.memory_space<vmem>>, vector<1x512xf32>
      %add3A_79 = vector.broadcast %get3A_78 : vector<1x512xf32> to vector<512x512xf32>
      %add3A_80 = arith.addf %add3A_75, %add3A_79 : vector<512x512xf32>
      %max3A_81 = arith.constant 0.000000e+00 : f32
      %max3A_82 = vector.broadcast %max3A_81 : f32 to vector<512x512xf32>
      %max3A_83 = arith.maximumf %add3A_80, %max3A_82 : vector<512x512xf32>
      %mul3A_84 = arith.mulf %max3A_83, %max3A_83 : vector<512x512xf32>
      %reduce_sum3A_85 = arith.constant dense<0.000000e+00> : vector<512xf32>
      %reduce_sum3A_86 = vector.multi_reduction <add>, %mul3A_84, %reduce_sum3A_85 [1] : vector<512x512xf32> to vector<512xf32>
      %broadcast_in_dim3A_87 = vector.shape_cast %reduce_sum3A_86 : vector<512xf32> to vector<512x1xf32>
      %max3A_88 = arith.constant 1.000000e-24 : f32
      %max3A_89 = vector.broadcast %max3A_88 : f32 to vector<512x1xf32>
      %max3A_90 = arith.maximumf %broadcast_in_dim3A_87, %max3A_89 : vector<512x1xf32>
      %rsqrt3A_91 = math.rsqrt %max3A_90 : vector<512x1xf32>
      %mul3A_92 = vector.broadcast %rsqrt3A_91 : vector<512x1xf32> to vector<512x512xf32>
      %mul3A_93 = arith.mulf %max3A_83, %mul3A_92 : vector<512x512xf32>
      %get3A_94 = arith.constant 0 : index
      %get3A_95 = arith.constant 0 : index
      %get3A_96 = vector.load %arg12[%get3A_94, %get3A_95] : memref<512x512xf32, #tpu.memory_space<vmem>>, vector<512x512xf32>
      %mul3A_97 = arith.constant 4.000000e-02 : f32
      %mul3A_98 = vector.broadcast %mul3A_97 : f32 to vector<512x512xf32>
      %mul3A_99 = arith.mulf %get3A_96, %mul3A_98 : vector<512x512xf32>
      %get3A_100 = arith.constant 0 : index
      %get3A_101 = arith.constant 0 : index
      %get3A_102 = vector.load %arg8[%get3A_100, %get3A_101] : memref<512x256xf32, #tpu.memory_space<vmem>>, vector<512x256xf32>
      %dot_general3A_103 = arith.constant dense<0.000000e+00> : vector<512x256xf32>
      %dot_general3A_104 = tpu.matmul %mul3A_93, %get3A_102, %dot_general3A_103 {dimension_numbers = #tpu.dot_dimension_numbers<[1], [0], [0], [1], [0, 0, 1, 1], [], []>, transpose_lhs_hint = false} : vector<512x512xf32>, vector<512x256xf32>, vector<512x256xf32> -> vector<512x256xf32>
      %get3A_105 = arith.constant 0 : index
      %get3A_106 = arith.constant 0 : index
      %get3A_107 = vector.load %arg9[%get3A_105, %get3A_106] : memref<512x256xf32, #tpu.memory_space<vmem>>, vector<512x256xf32>
      %dot_general3A_108 = arith.constant dense<0.000000e+00> : vector<512x256xf32>
      %dot_general3A_109 = tpu.matmul %mul3A_99, %get3A_107, %dot_general3A_108 {dimension_numbers = #tpu.dot_dimension_numbers<[1], [0], [0], [1], [0, 0, 1, 1], [], []>, transpose_lhs_hint = false} : vector<512x512xf32>, vector<512x256xf32>, vector<512x256xf32> -> vector<512x256xf32>
      %add3A_110 = arith.addf %dot_general3A_104, %dot_general3A_109 : vector<512x256xf32>
      %get3A_111 = arith.constant 0 : index
      %get3A_112 = arith.constant 0 : index
      %get3A_113 = vector.load %arg10[%get3A_111, %get3A_112] : memref<1x256xf32, #tpu.memory_space<vmem>>, vector<1x256xf32>
      %add3A_114 = vector.broadcast %get3A_113 : vector<1x256xf32> to vector<512x256xf32>
      %add3A_115 = arith.addf %add3A_110, %add3A_114 : vector<512x256xf32>
      %max3A_116 = arith.constant 0.000000e+00 : f32
      %max3A_117 = vector.broadcast %max3A_116 : f32 to vector<512x256xf32>
      %max3A_118 = arith.maximumf %add3A_115, %max3A_117 : vector<512x256xf32>
      %mul3A_119 = arith.mulf %max3A_118, %max3A_118 : vector<512x256xf32>
      %reduce_sum3A_120 = arith.constant dense<0.000000e+00> : vector<512xf32>
      %reduce_sum3A_121 = vector.multi_reduction <add>, %mul3A_119, %reduce_sum3A_120 [1] : vector<512x256xf32> to vector<512xf32>
      %broadcast_in_dim3A_122 = vector.shape_cast %reduce_sum3A_121 : vector<512xf32> to vector<512x1xf32>
      %max3A_123 = arith.constant 1.000000e-24 : f32
      %max3A_124 = vector.broadcast %max3A_123 : f32 to vector<512x1xf32>
      %max3A_125 = arith.maximumf %broadcast_in_dim3A_122, %max3A_124 : vector<512x1xf32>
      %rsqrt3A_126 = math.rsqrt %max3A_125 : vector<512x1xf32>
      %mul3A_127 = vector.broadcast %rsqrt3A_126 : vector<512x1xf32> to vector<512x256xf32>
      %mul3A_128 = arith.mulf %max3A_118, %mul3A_127 : vector<512x256xf32>
      %swap3A_129 = arith.constant 0 : index
      %swap3A_130 = arith.constant 0 : index
      %swap3A_131 = vector.load %arg11[%swap3A_129, %swap3A_130] : memref<512x256xf32, #tpu.memory_space<vmem>>, vector<512x256xf32>
      tpu.vector_store %arg11[%swap3A_129, %swap3A_130], %mul3A_128 {strides = array<i32>} : memref<512x256xf32, #tpu.memory_space<vmem>>, vector<512x256xf32>,
    } else {
    }
    return
  }
  func.func @transform_0(%arg0: i32) -> (i32, i32) {
    %c0_i32 = arith.constant 0 : i32
    %c0_i32_0 = arith.constant 0 : i32
    return %arg0, %c0_i32 : i32, i32
  }
  func.func @transform_1(%arg0: i32) -> (i32, i32) {
    %c0_i32 = arith.constant 0 : i32
    %c0_i32_0 = arith.constant 0 : i32
    return %arg0, %c0_i32 : i32, i32
  }
  func.func @transform_2(%arg0: i32) -> (i32, i32) {
    %c0_i32 = arith.constant 0 : i32
    %c0_i32_0 = arith.constant 0 : i32
    %c0_i32_1 = arith.constant 0 : i32
    return %c0_i32, %c0_i32_0 : i32, i32
  }
  func.func @transform_3(%arg0: i32) -> (i32, i32) {
    %c0_i32 = arith.constant 0 : i32
    %c0_i32_0 = arith.constant 0 : i32
    %c0_i32_1 = arith.constant 0 : i32
    return %c0_i32, %c0_i32_0 : i32, i32
  }
  func.func @transform_4(%arg0: i32) -> (i32, i32) {
    %c0_i32 = arith.constant 0 : i32
    %c0_i32_0 = arith.constant 0 : i32
    %c0_i32_1 = arith.constant 0 : i32
    return %c0_i32, %c0_i32_0 : i32, i32
  }
  func.func @transform_5(%arg0: i32) -> (i32, i32) {
    %c0_i32 = arith.constant 0 : i32
    %c0_i32_0 = arith.constant 0 : i32
    %c0_i32_1 = arith.constant 0 : i32
    return %c0_i32, %c0_i32_0 : i32, i32
  }
  func.func @transform_6(%arg0: i32) -> (i32, i32) {
    %c0_i32 = arith.constant 0 : i32
    %c0_i32_0 = arith.constant 0 : i32
    %c0_i32_1 = arith.constant 0 : i32
    return %c0_i32, %c0_i32_0 : i32, i32
  }
  func.func @transform_7(%arg0: i32) -> (i32, i32) {
    %c0_i32 = arith.constant 0 : i32
    %c0_i32_0 = arith.constant 0 : i32
    %c0_i32_1 = arith.constant 0 : i32
    return %c0_i32, %c0_i32_0 : i32, i32
  }
  func.func @transform_8(%arg0: i32) -> (i32, i32) {
    %c0_i32 = arith.constant 0 : i32
    %c0_i32_0 = arith.constant 0 : i32
    %c0_i32_1 = arith.constant 0 : i32
    return %c0_i32, %c0_i32_0 : i32, i32
  }
  func.func @transform_9(%arg0: i32) -> (i32, i32) {
    %c0_i32 = arith.constant 0 : i32
    %c0_i32_0 = arith.constant 0 : i32
    %c0_i32_1 = arith.constant 0 : i32
    return %c0_i32, %c0_i32_0 : i32, i32
  }
  func.func @transform_10(%arg0: i32) -> (i32, i32) {
    %c0_i32 = arith.constant 0 : i32
    %c0_i32_0 = arith.constant 0 : i32
    %c0_i32_1 = arith.constant 0 : i32
    return %c0_i32, %c0_i32_0 : i32, i32
  }
}

</mosaic_0001>

<sc_bundles>
// kernel: kernel.6.cloned.1.call-start
scs
__scs_entry_jumppad:
0x0: {  	(pc) =	sbr.rel $0x88, $3  }
0x1: {  	(tag) =	ssettag $0x0;
	lr =	simm.s32 $0x1  }
0x2: {  	[smem:$0x3F99] =	sst lr;
	_ =	strace $0xD0000000  }
0x3: {  	_ = 	snop  }
0x4: {  	_ = 	snop  }
0x5: {  	_ = 	snop  }
0x6: {  	_ = 	snop  }
0x7: {  	_ = 	snop  }
__scs_overlays_trampoline_lowered:
0x8: {  	[smem:$0x3FA8] =	sst s0  }
0x9: {  	[smem:$0x3FA9] =	sst s1  }
0xa: {  	[smem:$0x3FAA] =	sst s2  }
0xb: {  	[smem:$0x3FAB] =	sst s3  }
0xc: {  	[smem:$0x3FAC] =	sst s4  }
0xd: {  	[smem:$0x3FAD] =	sst s5  }
0xe: {  	[smem:$0x3FAE] =	sst s6  }
0xf: {  	[smem:$0x3FAF] =	sst s7  }
0x10: {  	[smem:$0x3FB0] =	sst s8  }
0x11: {  	[smem:$0x3FB1] =	sst s9;
	s0 =	simm.s32 @!p0 $0x0  }
0x12: {  	s1 =	sld [smem:$0x3F97];
	s0 =	simm.s32 @p0 $0x1  }
0x13: {  	[smem:$0x3FB2] =	sst s0;
	s0 =	simm.s32 @!p1 $0x0  }
0x14: {  	s2 =	sld [smem:$0x3F96];
	s0 =	simm.s32 @p1 $0x1  }
0x15: {  	[smem:$0x3FB3] =	sst s0;
	s0 =	simm.s32 @!p2 $0x0  }
0x16: {  	s3 =	sld [smem:$0x3FDB];
	s0 =	simm.s32 @p2 $0x1  }
0x17: {  	s4 =	simm.s32 $0x1BF5;
	[smem:$0x3FB5] =	sst s0  }
0x18: {  	s0 =	sld [smem:$0x3F98];
	_ =	swait.ge [sflag:s4], $0x0  }
0x19: {  	s7 =	sld [smem:$0x3F99]  }
0x1a: {  	s8 =	sadd.s32 $0xFFFFE003, lr  }
0x1b: {  	s9 =	sadd.s32 $0xFFFFFEF7, lr;
	s5 =	simm.s32 $0xFFFFFFFF;
	p2 =	slt.u32 s8, $0xFFFFF086  }
0x1c: {  	p1 =	slt.u32 s9, $0xF7A;
	s5 =	simm.s32 @!p2 $0x0  }
0x1d: {  	s5 =	simm.s32 @p1 $0x1;
	p0 =	seq.s32 s7, s2  }
0x1e: {  	s7 =	smul.u32 @!p0 $0xF7A, s2;
	p2 =	seq.s32 @!p0 s5, $0x0  }
0x1f: {  	s9 =	smul.u32 $0xF7A, s1;
	s8 =	simm.s32 @!p0 $0x1BF5;
	p2 =	por !p2, p0  }
0x20: {  	[sflag:s8] =	ssyncset.s32 @!p0 $0xFFFFF086;
	s6 =	sadd.s32 @!p0 s3, s7;
	s7 =	simm.s32 @!p0 $0x108  }
0x21: {  	s3 =	sadd.s32 s3, s9;
	s6 =	sadd.s32 @!p0 $0x88, s6;
	s7 =	simm.s32 @p2 $0x1082  }
0x22: {  	[simem:s7], [sflag:s8] =	dma.local @!p0 [hbm:s6], $0xF7A  }
0x23: {  	s9 =	sor.u32 $0xD0000000, s2;
	s6 =	simm.s32 $0x108;
	_ =	swait.ge @!p0 [sflag:s8], $0x0  }
0x24: {  	s3 =	sadd.s32 $0x88, s3;
	s6 =	simm.s32 @!p1 $0x1082;
	[sflag:s4] =	ssyncset.s32 $0xFFFFF086  }
0x25: {  	[simem:s6], [sflag:s4] =	dma.local [hbm:s3], $0xF7A  }
0x26: {  	[smem:$0x3F99] =	sst s1;
	(tag) =	ssettag s2;
	_ =	strace s9  }
0x27: {  	s1 =	sld [smem:$0x3FA9]  }
0x28: {  	s2 =	sld [smem:$0x3FAA]  }
0x29: {  	s4 =	sld [smem:$0x3FAC]  }
0x2a: {  	p0 =	seq.s32 s5, $0x0;
	s5 =	sld [smem:$0x3FAD]  }
0x2b: {  	s6 =	sld [smem:$0x3FAE]  }
0x2c: {  	s7 =	sld [smem:$0x3FAF]  }
0x2d: {  	s3 =	simm.s32 $0x108;
	s8 =	sld [smem:$0x3FB0]  }
0x2e: {  	s3 =	simm.s32 @!p0 $0x1082;
	s9 =	sld [smem:$0x3FB1]  }
0x2f: {  	lr =	sadd.s32 s0, s3;
	s0 =	sld [smem:$0x3FA8]  }
0x30: {  	s3 =	sld [smem:$0x3FAB]  }
0x31: {  	[smem:$0x3FB4] =	sst s10  }
0x32: {  	s10 =	sld [smem:$0x3FB2];
	_ =	sdelay $0x3  }
0x33: {  	p0 =	seq.s32 s10, $0x1;
	s10 =	sld [smem:$0x3FB4];
	_ =	sdelay $0x3  }
0x34: {  	[smem:$0x3FB4] =	sst s10  }
0x35: {  	s10 =	sld [smem:$0x3FB3];
	_ =	sdelay $0x3  }
0x36: {  	p1 =	seq.s32 s10, $0x1;
	s10 =	sld [smem:$0x3FB4];
	_ =	sdelay $0x3  }
0x37: {  	[smem:$0x3FB4] =	sst s10  }
0x38: {  	s10 =	sld [smem:$0x3FB5]  }
0x39: {  	_ = 	snop;
	(pc) =	sbr.ind lr, $3  }
0x3a: {  	_ = 	snop  }
0x3b: {  	_ = 	snop  }
0x3c: {  	p2 =	seq.s32 s10, $0x1;
	s10 =	sld [smem:$0x3FB4]  }
0x3d: {  	_ =	shalt  }
0x3e: {  	_ =	shalt  }
0x3f: {  	_ =	shalt  }
0x40: {  	_ =	shalt  }
0x41: {  	_ =	shalt  }
0x42: {  	_ =	shalt  }
0x43: {  	_ =	shalt  }
0x44: {  	_ =	shalt  }
0x45: {  	_ =	shalt  }
0x46: {  	_ =	shalt  }
0x47: {  	_ =	shalt  }
0x48: {  	_ =	shalt  }
0x49: {  	_ =	shalt  }
0x4a: {  	_ =	shalt  }
0x4b: {  	_ =	shalt  }
0x4c: {  	_ =	shalt  }
0x4d: {  	_ =	shalt  }
0x4e: {  	_ =	shalt  }
0x4f: {  	_ =	shalt  }
0x50: {  	_ =	shalt  }
0x51: {  	_ =	shalt  }
0x52: {  	_ =	shalt  }
0x53: {  	_ =	shalt  }
0x54: {  	_ =	shalt  }
0x55: {  	_ =	shalt  }
0x56: {  	_ =	shalt  }
0x57: {  	_ =	shalt  }
0x58: {  	_ =	shalt  }
0x59: {  	_ =	shalt  }
0x5a: {  	_ =	shalt  }
0x5b: {  	_ =	shalt  }
0x5c: {  	_ =	shalt  }
0x5d: {  	_ =	shalt  }
0x5e: {  	_ =	shalt  }
0x5f: {  	_ =	shalt  }
0x60: {  	_ =	shalt  }
0x61: {  	_ =	shalt  }
0x62: {  	_ =	shalt  }
0x63: {  	_ =	shalt  }
0x64: {  	_ =	shalt  }
0x65: {  	_ =	shalt  }
0x66: {  	_ =	shalt  }
0x67: {  	_ =	shalt  }
0x68: {  	_ =	shalt  }
0x69: {  	_ =	shalt  }
0x6a: {  	_ =	shalt  }
0x6b: {  	_ =	shalt  }
0x6c: {  	_ =	shalt  }
0x6d: {  	_ =	shalt  }
0x6e: {  	_ =	shalt  }
0x6f: {  	_ =	shalt  }
0x70: {  	_ =	shalt  }
0x71: {  	_ =	shalt  }
0x72: {  	_ =	shalt  }
0x73: {  	_ =	shalt  }
0x74: {  	_ =	shalt  }
0x75: {  	_ =	shalt  }
0x76: {  	_ =	shalt  }
0x77: {  	_ =	shalt  }
0x78: {  	_ =	shalt  }
0x79: {  	_ =	shalt  }
0x7a: {  	_ =	shalt  }
0x7b: {  	_ =	shalt  }
0x7c: {  	_ =	shalt  }
0x7d: {  	_ =	shalt  }
0x7e: {  	_ =	shalt  }
0x7f: {  	_ =	shalt  }
0x80: {  	_ =	shalt  }
0x81: {  	_ =	shalt  }
0x82: {  	_ =	shalt  }
0x83: {  	_ =	shalt  }
0x84: {  	_ =	shalt  }
0x85: {  	_ =	shalt  }
0x86: {  	_ =	shalt  }
0x87: {  	_ =	shalt  }
.Lfunc_end0:
.L_simem_size_0:
called_computation_lowered:
.L_overlay_start_0:
0x88: {  	s2 =	sld [smem:$0x3FD9]  }
0x89: {  	s3 =	sld [smem:$0x3FFE];
	_ =	sdelay $0x1  }
0x8a: {  	s1 =	srdreg.scid  }
0x8b: {  	s0 =	sand.u32 $0x1, s1  }
0x8c: {  	s17 =	sshll.u32 s0, $0xA;
	s2 =	sadd.s32 s3, s2  }
0x8d: {  	s2 =	sadd.s32 s2, s17  }
0x8e: {  	[smem:$0x3FC0] =	sst s2  }
0x8f: {  	_ = 	snop  }
0x90: {  	s2 =	sld [smem:$0x3FC9]  }
0x91: {  	s18 =	sld [smem:$0x3FC8]  }
0x92: {  	s4 =	sld [smem:$0x3FD0];
	(tm) =	ssettm $0x1  }
0x93: {  	s5 =	sld [smem:$0x3FFB];
	_ =	sdelay $0x3  }
0x94: {  	_ =	strace s5  }
0x95: {  	s5 =	sld [smem:$0x3FFC];
	_ =	sdelay $0x3  }
0x96: {  	_ =	strace s5  }
0x97: {  	s5 =	sld [smem:$0x3FFD];
	_ =	sdelay $0x3  }
0x98: {  	_ =	strace s5  }
0x99: {  	_ =	strace $0x8FFFFFFF  }
0x9a: {  	s19 =	sld [smem:$0x3FDB];
	_ =	sdelay $0x1  }
0x9b: {  	s6 =	simm.s32 $_scs_section_size  }
0x9c: {  	s7 =	simm.s32 $_size__tile_overlayer_lowered;
	s8 =	simm.s32 $_tile_overlayer_lowered  }
0x9d: {  	s22 =	simm.s32 $0x1BFF;
	s21 =	sshll.u32 s8, $0x1;
	s5 =	sadd.s32 s6, s19  }
0x9e: {  	s9 =	simm.s32 $0x0;
	s20 =	sshll.u32 s7, $0x1;
	s7 =	sadd.s32 s21, s5  }
0x9f: {  	[timem:s9], [sflag:s22] =	dma.local [hbm:s7], s20  }
0xa0: {  	_ =	swait.ge [sflag:s22], s20  }
0xa1: {  	s6 =	ssub.s32 $0x0, s20;
	[sflag:s22] =	ssyncset.done $0x0  }
0xa2: {  	[sflag:s22] =	ssyncadd.s32 s6;
	_ =	sdelay $0x1  }
0xa3: {  	s23 =	simm.s32 $0x1B8B  }
0xa4: {  	_ =	swait.ge [sflag:s23], $0x1  }
0xa5: {  	[sflag:s23] =	ssyncset.done $0x0  }
0xa6: {  	s25 =	simm.s32 $0x1B8E;
	s24 =	sld [smem:$0x3FFE];
	[sflag:s23] =	ssyncadd.s32 $0xFFFFFFFF  }
0xa7: {  	s26 =	simm.s32 $execute0_lowered;
	[smem:$0x3FD2] =	sst s25  }
0xa8: {  	s7 =	sshll.u32 s26, $0x1;
	_ =	strace $0x80000046;
	[dreg:$0x1] =	wrdreg $0xFFFFFFFF  }
0xa9: {  	s28 =	simm.s32 $_size_execute0_lowered;
	s5 =	sadd.s32 s5, s7;
	[dreg:$0x0] =	wrdreg $0x0  }
0xaa: {  	s7 =	sshll.u32 s28, $0x1;
	[dreg:$0x2] =	wrdreg s5  }
0xab: {  	[dreg:$0x3] =	wrdreg s7  }
0xac: {  	[dreg:$0x4] =	wrdreg $0xC0  }
0xad: {  	_ =	task [dreg:s9], $0x5FFFF  }
0xae: {  	[dreg:$0x1] =	wrdreg $0xFFFFFFFF  }
0xaf: {  	[dreg:$0x0] =	wrdreg $0x60  }
0xb0: {  	[dreg:$0x2] =	wrdreg s2  }
0xb1: {  	[dreg:$0x3] =	wrdreg s4  }
0xb2: {  	[dreg:$0x4] =	wrdreg s18  }
0xb3: {  	[dreg:$0x5] =	wrdreg s24  }
0xb4: {  	[dreg:$0x6] =	wrdreg $0x9  }
0xb5: {  	_ =	task.clear_ibuf [dreg:s9], $0x7FFFF;
	_ =	strace $0x90000046  }
0xb6: {  	s29 =	simm.s32 $0x9;
	_ =	strace $0x80000048  }
0xb7: {  	_ =	swait.ge [sflag:s29], $0x1  }
0xb8: {  	[sflag:s29] =	ssyncadd.s32 $0xFFFFFFFF  }
0xb9: {  	_ =	strace $0x90000048  }
0xba: {  	_ =	sfence  }
0xbb: {  	s30 =	sld [smem:$0x0];
	_ =	sdelay $0x2  }
0xbc: {  	s31 =	sshll.u32 s1, $0xD;
	s1 =	sshrl.u32 s1, $0x2  }
0xbd: {  	s3 =	sand.u32 $0x4000, s31;
	s1 =	sadd.s32 s1, s30  }
0xbe: {  	s0 =	sor.u32 s3, s0;
	s1 =	sshll.u32 s1, $0x11  }
0xbf: {  	s0 =	sor.u32 s1, s0  }
0xc0: {  	s0 =	sadd.s32 $0x8F2B, s0  }
0xc1: {  	[sflag:s0] =	ssyncadd.remote.s32 $0x1  }
0xc2: {  	_ =	sfence.sel $0xFFFF  }
0xc3: {  	[dreg:$0x0] =	wrdreg $0xFFFFFFFF;
	(pc) =	sbr.abs _section_cstart, $3  }
0xc4: {  	[dreg:$0x1] =	wrdreg $0xFFFFFFFF  }
0xc5: {  	_ =	task.clear_ibuf [dreg:s9], $0x2FFFF;
	_ =	strace $0x9FFFFFFF  }
0xc6: {  	(tm) =	ssettm $0x7FFFFFFF  }
0xc7: {  	_ =	shalt  }
tec
execute0_lowered:
.L_overlay_start_1:
0x0: {  	(tag) =	ssettag $0x1  }
0x1: {  	s1 =	rddreg [dreg:$0x0]  }
0x2: {  	s0 =	rddreg [dreg:$0x1]  }
0x3: {  	s2 =	rddreg [dreg:$0x2]  }
0x4: {  	s4 =	rddreg [dreg:$0x3];
	s3 =	simm.s32 $0x0;
	s5 =	srdreg.scid  }
0x5: {  	s6 =	stileid.u32;
	s23 =	simm.s32 $0x400;
	s24 =	simm.s32 $0x14C80  }
0x6: {  	s25 =	simm.s32 $0x15480;
	s26 =	simm.s32 $0x15C80;
	s28 =	simm.s32 $0x1  }
0x7: {  	s30 =	simm.s32 $0x3;
	s29 =	simm.s32 $0xB480;
	[smem:$0x7FF] =	sst s3  }
0x8: {  	s11 =	simm.s32 $0xC480;
	_ =	strace $0x80000047;
	[dreg:$0xd] =	wrdreg s23  }
0x9: {  	s31 =	simm.s32 $0x2;
	s5 =	sand.u32 $0x1, s5;
	[dreg:$0xe] =	wrdreg s24  }
0xa: {  	s6 =	sshll.u32 s6, $0x1;
	s7 =	sadd.s32 $0x1E00, s4;
	[dreg:$0xf] =	wrdreg s25  }
0xb: {  	s6 =	sor.u32 s5, s6;
	s5 =	ssub.s32 $0x2, s5;
	[dreg:$0x10] =	wrdreg s26  }
0xc: {  	s23 =	simm.s32 $0x12480;
	s24 =	simm.s32 $0x12C80;
	s25 =	simm.s32 $0x13480  }
0xd: {  	s26 =	simm.s32 $0x13C80;
	s8 =	sshll.u32 s6, $0x7;
	s9 =	smul.u32 $0x32000, s6  }
0xe: {  	s12 =	sshll.u32 s6, $0x1;
	s10 =	smul.u32 $0x6400, s6;
	s6 =	sshll.u32 s6, $0xA  }
0xf: {  	s19 =	sshrl.u32 s5, $0x1;
	s0 =	sadd.s32 s0, s8;
	s13 =	sadd.s32 s2, s12  }
0x10: {  	s4 =	sadd.s32 s6, s4;
	s21 =	ssub.s32 s5, s19;
	s12 =	simm.s32 $0xCC80  }
0x11: {  	s19 =	simm.s32 $0x10480;
	[dreg:$0x5] =	wrdreg s0;
	s14 =	sshrl.u32 s9, $0x3  }
0x12: {  	[dreg:$0x6] =	wrdreg s13;
	s15 =	sadd.s32 s7, s10;
	s22 =	sadd.s32 $0xC9E00, s4  }
0x13: {  	s4 =	sadd.s32 $0x100, s1;
	s5 =	smax.u32 s21, $0x1;
	s10 =	simm.s32 $0xBC80  }
0x14: {  	s13 =	simm.s32 $0xD480;
	s2 =	sadd.s32 s7, s14;
	[dreg:$0x7] =	wrdreg s15  }
0x15: {  	s21 =	simm.s32 $0x11480;
	[dreg:$0xc] =	wrdreg s22;
	s16 =	sadd.s32 $0x1400, s2  }
0x16: {  	s7 =	simm.s32 $0x5;
	s17 =	sadd.s32 $0x2800, s2;
	[dreg:$0x8] =	wrdreg s16  }
0x17: {  	s14 =	simm.s32 $0xDC80;
	s18 =	sadd.s32 $0x3C00, s2;
	[dreg:$0x9] =	wrdreg s17  }
0x18: {  	v2 =	vlaneseq.u32;
	s15 =	simm.s32 $0xE480;
	s20 =	sadd.s32 $0x5000, s2;
	[dreg:$0xa] =	wrdreg s18  }
0x19: {  	vm0 =	vmmov $0xffff;
	v1 =	vshrl.u32 v2, $0x3;
	s22 =	simm.s32 $0x11C80;
	[dreg:$0xb] =	wrdreg s20;
	s16 =	simm.s32 $0xEC80  }
0x1a: {  	v0 =	vand.u32 $0x7, v2;
	v2 =	vor.u32 $0x8, v2;
	v1 =	vmul.u32 $0x8, v1;
	s17 =	simm.s32 $0xF480;
	s18 =	simm.s32 $0xFC80;
	s20 =	simm.s32 $0x10C80  }
.LBB2_1:
0x1b: {  	s0 =	rddreg [dreg:$0x5]  }
0x1c: {  	[tilespmem:s3], [sflag:$0x5] =	stream.linear.gather [hbm4b:s0+s3], $0x280, $0x38;
	[tilespmem:$0x16480] =	vst v63  }
0x1d: {  	_ =	swait.ge [sflag:s7], $0x280  }
0x1e: {  	s6 =	rddreg [dreg:$0x6];
	[sflag:s7] =	ssyncset.done $0x0  }
0x1f: {  	s8 =	rddreg [dreg:$0xd];
	[sflag:s7] =	ssyncadd.s32 $0xFFFFFD80  }
0x20: {  	[tilespmem:s8], [sflag:$0x5] =	stream.linear.gather [hbm4b:s6+s3], $0x10, $0x38;
	[tilespmem:$0x16480] =	vst v63  }
0x21: {  	_ =	swait.ge [sflag:s7], $0x10  }
0x22: {  	[sflag:s7] =	ssyncset.done $0x0  }
0x23: {  	[sflag:s7] =	ssyncadd.s32 $0xFFFFFFF0  }
0x24: {  	v3 =	vld [tilespmem:$0x0];
	_ =	sdelay $0x4  }
0x25: {  	v4 =	vshll.u32 v3, $0x2  }
0x26: {  	v3 =	vand.u32 $0x7, v3;
	v4 =	vand.u32 $0xFFFFFFE0, v4  }
0x27: {  	v3 =	vor.u32 v3, v4  }
0x28: {  	v4 =	vperm.xlane v3, v0;
	_ =	sdelay $0x1  }
0x29: {  	v4 =	vadd.s32 v1, v4;
	_ =	sdelay $0x1  }
0x2a: {  	v3 =	vperm.xlane v3, v2;
	_ =	sdelay $0x1  }
0x2b: {  	s2 =	simm.s32 $0x480;
	v3 =	vadd.s32 v1, v3  }
0x2c: {  	[tilespmem:s2], [sflag:$0x1] =	stream.indirect_vreg.gather [hbm4b:s1+s3], $0x80, v4, vm0, $0xb8;
	[tilespmem:$0x16480] =	vst v63  }
0x2d: {  	s8 =	simm.s32 $0xC80  }
0x2e: {  	[tilespmem:s8], [sflag:$0x1] =	stream.indirect_vreg.gather [hbm4b:s4+s3], $0x80, v4, vm0, $0xb8;
	[tilespmem:$0x16480] =	vst v63  }
0x2f: {  	s9 =	simm.s32 $0x1480  }
0x30: {  	[tilespmem:s9], [sflag:$0x1] =	stream.indirect_vreg.gather [hbm4b:s1+s3], $0x80, v3, vm0, $0xb8;
	[tilespmem:$0x16480] =	vst v63  }
0x31: {  	s6 =	simm.s32 $0x1C80  }
0x32: {  	[tilespmem:s6], [sflag:$0x1] =	stream.indirect_vreg.gather [hbm4b:s4+s3], $0x80, v3, vm0, $0xb8;
	[tilespmem:$0x16480] =	vst v63  }
0x33: {  	v3 =	vld [tilespmem:$0x10];
	_ =	sdelay $0x4  }
0x34: {  	v39 =	vshll.u32 v3, $0x2  }
0x35: {  	v3 =	vand.u32 $0x7, v3;
	v4 =	vand.u32 $0xFFFFFFE0, v39  }
0x36: {  	v3 =	vor.u32 v3, v4  }
0x37: {  	v4 =	vperm.xlane v3, v0;
	_ =	sdelay $0x1  }
0x38: {  	v4 =	vadd.s32 v1, v4;
	_ =	sdelay $0x1  }
0x39: {  	v3 =	vperm.xlane v3, v2;
	_ =	sdelay $0x1  }
0x3a: {  	s8 =	simm.s32 $0x2480;
	v3 =	vadd.s32 v1, v3  }
0x3b: {  	[tilespmem:s8], [sflag:$0x1] =	stream.indirect_vreg.gather [hbm4b:s1+s3], $0x80, v4, vm0, $0xb8;
	[tilespmem:$0x16480] =	vst v63  }
0x3c: {  	s9 =	simm.s32 $0x2C80  }
0x3d: {  	[tilespmem:s9], [sflag:$0x1] =	stream.indirect_vreg.gather [hbm4b:s4+s3], $0x80, v4, vm0, $0xb8;
	[tilespmem:$0x16480] =	vst v63  }
0x3e: {  	s8 =	simm.s32 $0x3480  }
0x3f: {  	[tilespmem:s8], [sflag:$0x1] =	stream.indirect_vreg.gather [hbm4b:s1+s3], $0x80, v3, vm0, $0xb8;
	[tilespmem:$0x16480] =	vst v63  }
0x40: {  	s9 =	simm.s32 $0x3C80  }
0x41: {  	[tilespmem:s9], [sflag:$0x1] =	stream.indirect_vreg.gather [hbm4b:s4+s3], $0x80, v3, vm0, $0xb8;
	[tilespmem:$0x16480] =	vst v63  }
0x42: {  	v3 =	vld [tilespmem:$0x20];
	_ =	sdelay $0x4  }
0x43: {  	v40 =	vshll.u32 v3, $0x2  }
0x44: {  	v3 =	vand.u32 $0x7, v3;
	v4 =	vand.u32 $0xFFFFFFE0, v40  }
0x45: {  	v3 =	vor.u32 v3, v4  }
0x46: {  	v4 =	vperm.xlane v3, v0;
	_ =	sdelay $0x1  }
0x47: {  	v4 =	vadd.s32 v1, v4;
	_ =	sdelay $0x1  }
0x48: {  	v3 =	vperm.xlane v3, v2;
	_ =	sdelay $0x1  }
0x49: {  	s8 =	simm.s32 $0x4480;
	v3 =	vadd.s32 v1, v3  }
0x4a: {  	[tilespmem:s8], [sflag:$0x1] =	stream.indirect_vreg.gather [hbm4b:s1+s3], $0x80, v4, vm0, $0xb8;
	[tilespmem:$0x16480] =	vst v63  }
0x4b: {  	s9 =	simm.s32 $0x4C80  }
0x4c: {  	[tilespmem:s9], [sflag:$0x1] =	stream.indirect_vreg.gather [hbm4b:s4+s3], $0x80, v4, vm0, $0xb8;
	[tilespmem:$0x16480] =	vst v63  }
0x4d: {  	s8 =	simm.s32 $0x5480  }
0x4e: {  	[tilespmem:s8], [sflag:$0x1] =	stream.indirect_vreg.gather [hbm4b:s1+s3], $0x80, v3, vm0, $0xb8;
	[tilespmem:$0x16480] =	vst v63  }
0x4f: {  	s9 =	simm.s32 $0x5C80  }
0x50: {  	[tilespmem:s9], [sflag:$0x1] =	stream.indirect_vreg.gather [hbm4b:s4+s3], $0x80, v3, vm0, $0xb8;
	[tilespmem:$0x16480] =	vst v63  }
0x51: {  	v3 =	vld [tilespmem:$0x30];
	_ =	sdelay $0x4  }
0x52: {  	v41 =	vshll.u32 v3, $0x2  }
0x53: {  	v3 =	vand.u32 $0x7, v3;
	v4 =	vand.u32 $0xFFFFFFE0, v41  }
0x54: {  	v3 =	vor.u32 v3, v4  }
0x55: {  	v4 =	vperm.xlane v3, v0;
	_ =	sdelay $0x1  }
0x56: {  	v4 =	vadd.s32 v1, v4;
	_ =	sdelay $0x1  }
0x57: {  	v3 =	vperm.xlane v3, v2;
	_ =	sdelay $0x1  }
0x58: {  	s8 =	simm.s32 $0x6480;
	v3 =	vadd.s32 v1, v3  }
0x59: {  	[tilespmem:s8], [sflag:$0x1] =	stream.indirect_vreg.gather [hbm4b:s1+s3], $0x80, v4, vm0, $0xb8;
	[tilespmem:$0x16480] =	vst v63  }
0x5a: {  	s9 =	simm.s32 $0x6C80  }
0x5b: {  	[tilespmem:s9], [sflag:$0x1] =	stream.indirect_vreg.gather [hbm4b:s4+s3], $0x80, v4, vm0, $0xb8;
	[tilespmem:$0x16480] =	vst v63  }
0x5c: {  	s8 =	simm.s32 $0x7480  }
0x5d: {  	[tilespmem:s8], [sflag:$0x1] =	stream.indirect_vreg.gather [hbm4b:s1+s3], $0x80, v3, vm0, $0xb8;
	[tilespmem:$0x16480] =	vst v63  }
0x5e: {  	s9 =	simm.s32 $0x7C80  }
0x5f: {  	[tilespmem:s9], [sflag:$0x1] =	stream.indirect_vreg.gather [hbm4b:s4+s3], $0x80, v3, vm0, $0xb8;
	[tilespmem:$0x16480] =	vst v63  }
0x60: {  	v3 =	vld [tilespmem:$0x40];
	_ =	sdelay $0x4  }
0x61: {  	v42 =	vshll.u32 v3, $0x2  }
0x62: {  	v3 =	vand.u32 $0x7, v3;
	v4 =	vand.u32 $0xFFFFFFE0, v42  }
0x63: {  	v3 =	vor.u32 v3, v4  }
0x64: {  	v4 =	vperm.xlane v3, v0;
	_ =	sdelay $0x1  }
0x65: {  	v4 =	vadd.s32 v1, v4;
	_ =	sdelay $0x1  }
0x66: {  	v3 =	vperm.xlane v3, v2;
	_ =	sdelay $0x1  }
0x67: {  	s8 =	simm.s32 $0x8480;
	v3 =	vadd.s32 v1, v3  }
0x68: {  	[tilespmem:s8], [sflag:$0x1] =	stream.indirect_vreg.gather [hbm4b:s1+s3], $0x80, v4, vm0, $0xb8;
	[tilespmem:$0x16480] =	vst v63  }
0x69: {  	s9 =	simm.s32 $0x8C80  }
0x6a: {  	[tilespmem:s9], [sflag:$0x1] =	stream.indirect_vreg.gather [hbm4b:s4+s3], $0x80, v4, vm0, $0xb8;
	[tilespmem:$0x16480] =	vst v63  }
0x6b: {  	s8 =	simm.s32 $0x9480  }
0x6c: {  	[tilespmem:s8], [sflag:$0x1] =	stream.indirect_vreg.gather [hbm4b:s1+s3], $0x80, v3, vm0, $0xb8;
	[tilespmem:$0x16480] =	vst v63  }
0x6d: {  	s9 =	simm.s32 $0x9C80  }
0x6e: {  	[tilespmem:s9], [sflag:$0x1] =	stream.indirect_vreg.gather [hbm4b:s4+s3], $0x80, v3, vm0, $0xb8;
	[tilespmem:$0x16480] =	vst v63  }
0x6f: {  	_ =	swait.ge [sflag:s28], $0xA000  }
0x70: {  	[sflag:s28] =	ssyncset.done $0x0  }
0x71: {  	[sflag:s28] =	ssyncadd.s32 $0xFFFF6000  }
0x72: {  	v3 =	vld [tilespmem:$0x80];
	_ =	sdelay $0x4  }
0x73: {  	v43 =	vshll.u32 v3, $0x2  }
0x74: {  	v3 =	vand.u32 $0x7, v3;
	v4 =	vand.u32 $0xFFFFFFE0, v43  }
0x75: {  	v3 =	vor.u32 v3, v4  }
0x76: {  	v4 =	vperm.xlane v3, v0;
	_ =	sdelay $0x1  }
0x77: {  	v4 =	vadd.s32 v1, v4;
	_ =	sdelay $0x1  }
0x78: {  	v3 =	vperm.xlane v3, v2;
	_ =	sdelay $0x1  }
0x79: {  	s8 =	simm.s32 $0xA480;
	v3 =	vadd.s32 v1, v3  }
0x7a: {  	[tilespmem:s8], [sflag:$0x2] =	stream.indirect_vreg.gather [hbm4b:s1+s3], $0x80, v4, vm0, $0xb8;
	[tilespmem:$0x16480] =	vst v63  }
0x7b: {  	s9 =	simm.s32 $0xAC80  }
0x7c: {  	[tilespmem:s9], [sflag:$0x2] =	stream.indirect_vreg.gather [hbm4b:s4+s3], $0x80, v4, vm0, $0xb8;
	[tilespmem:$0x16480] =	vst v63  }
0x7d: {  	_ = 	snop  }
0x7e: {  	[tilespmem:s29], [sflag:$0x2] =	stream.indirect_vreg.gather [hbm4b:s1+s3], $0x80, v3, vm0, $0xb8;
	[tilespmem:$0x16480] =	vst v63  }
0x7f: {  	_ = 	snop  }
0x80: {  	[tilespmem:s10], [sflag:$0x2] =	stream.indirect_vreg.gather [hbm4b:s4+s3], $0x80, v3, vm0, $0xb8;
	[tilespmem:$0x16480] =	vst v63  }
0x81: {  	v3 =	vld [tilespmem:$0x90];
	_ =	sdelay $0x4  }
0x82: {  	v44 =	vshll.u32 v3, $0x2  }
0x83: {  	v3 =	vand.u32 $0x7, v3;
	v4 =	vand.u32 $0xFFFFFFE0, v44  }
0x84: {  	v3 =	vor.u32 v3, v4  }
0x85: {  	v4 =	vperm.xlane v3, v0;
	_ =	sdelay $0x1  }
0x86: {  	v4 =	vadd.s32 v1, v4;
	_ =	sdelay $0x1  }
0x87: {  	v3 =	vperm.xlane v3, v2;
	_ =	sdelay $0x1  }
0x88: {  	v3 =	vadd.s32 v1, v3  }
0x89: {  	[tilespmem:s11], [sflag:$0x2] =	stream.indirect_vreg.gather [hbm4b:s1+s3], $0x80, v4, vm0, $0xb8;
	[tilespmem:$0x16480] =	vst v63  }
0x8a: {  	_ = 	snop  }
0x8b: {  	[tilespmem:s12], [sflag:$0x2] =	stream.indirect_vreg.gather [hbm4b:s4+s3], $0x80, v4, vm0, $0xb8;
	[tilespmem:$0x16480] =	vst v63  }
0x8c: {  	_ = 	snop  }
0x8d: {  	[tilespmem:s13], [sflag:$0x2] =	stream.indirect_vreg.gather [hbm4b:s1+s3], $0x80, v3, vm0, $0xb8;
	[tilespmem:$0x16480] =	vst v63  }
0x8e: {  	_ = 	snop  }
0x8f: {  	[tilespmem:s14], [sflag:$0x2] =	stream.indirect_vreg.gather [hbm4b:s4+s3], $0x80, v3, vm0, $0xb8;
	[tilespmem:$0x16480] =	vst v63  }
0x90: {  	v3 =	vld [tilespmem:$0xA0];
	_ =	sdelay $0x4  }
0x91: {  	v45 =	vshll.u32 v3, $0x2  }
0x92: {  	v3 =	vand.u32 $0x7, v3;
	v4 =	vand.u32 $0xFFFFFFE0, v45  }
0x93: {  	v3 =	vor.u32 v3, v4  }
0x94: {  	v4 =	vperm.xlane v3, v0;
	_ =	sdelay $0x1  }
0x95: {  	v4 =	vadd.s32 v1, v4;
	_ =	sdelay $0x1  }
0x96: {  	v3 =	vperm.xlane v3, v2;
	_ =	sdelay $0x1  }
0x97: {  	v3 =	vadd.s32 v1, v3  }
0x98: {  	[tilespmem:s15], [sflag:$0x2] =	stream.indirect_vreg.gather [hbm4b:s1+s3], $0x80, v4, vm0, $0xb8;
	[tilespmem:$0x16480] =	vst v63  }
0x99: {  	_ = 	snop  }
0x9a: {  	[tilespmem:s16], [sflag:$0x2] =	stream.indirect_vreg.gather [hbm4b:s4+s3], $0x80, v4, vm0, $0xb8;
	[tilespmem:$0x16480] =	vst v63  }
0x9b: {  	_ = 	snop  }
0x9c: {  	[tilespmem:s17], [sflag:$0x2] =	stream.indirect_vreg.gather [hbm4b:s1+s3], $0x80, v3, vm0, $0xb8;
	[tilespmem:$0x16480] =	vst v63  }
0x9d: {  	_ = 	snop  }
0x9e: {  	[tilespmem:s18], [sflag:$0x2] =	stream.indirect_vreg.gather [hbm4b:s4+s3], $0x80, v3, vm0, $0xb8;
	[tilespmem:$0x16480] =	vst v63  }
0x9f: {  	v3 =	vld [tilespmem:$0xB0];
	_ =	sdelay $0x4  }
0xa0: {  	v46 =	vshll.u32 v3, $0x2  }
0xa1: {  	v3 =	vand.u32 $0x7, v3;
	v4 =	vand.u32 $0xFFFFFFE0, v46  }
0xa2: {  	v3 =	vor.u32 v3, v4  }
0xa3: {  	v4 =	vperm.xlane v3, v0;
	_ =	sdelay $0x1  }
0xa4: {  	v4 =	vadd.s32 v1, v4;
	_ =	sdelay $0x1  }
0xa5: {  	v3 =	vperm.xlane v3, v2;
	_ =	sdelay $0x1  }
0xa6: {  	v3 =	vadd.s32 v1, v3  }
0xa7: {  	[tilespmem:s19], [sflag:$0x2] =	stream.indirect_vreg.gather [hbm4b:s1+s3], $0x80, v4, vm0, $0xb8;
	[tilespmem:$0x16480] =	vst v63  }
0xa8: {  	_ = 	snop  }
0xa9: {  	[tilespmem:s20], [sflag:$0x2] =	stream.indirect_vreg.gather [hbm4b:s4+s3], $0x80, v4, vm0, $0xb8;
	[tilespmem:$0x16480] =	vst v63  }
0xaa: {  	_ = 	snop  }
0xab: {  	[tilespmem:s21], [sflag:$0x2] =	stream.indirect_vreg.gather [hbm4b:s1+s3], $0x80, v3, vm0, $0xb8;
	[tilespmem:$0x16480] =	vst v63  }
0xac: {  	_ = 	snop  }
0xad: {  	[tilespmem:s22], [sflag:$0x2] =	stream.indirect_vreg.gather [hbm4b:s4+s3], $0x80, v3, vm0, $0xb8;
	[tilespmem:$0x16480] =	vst v63  }
0xae: {  	v3 =	vld [tilespmem:$0xC0];
	_ =	sdelay $0x4  }
0xaf: {  	v47 =	vshll.u32 v3, $0x2  }
0xb0: {  	v3 =	vand.u32 $0x7, v3;
	v4 =	vand.u32 $0xFFFFFFE0, v47  }
0xb1: {  	v3 =	vor.u32 v3, v4  }
0xb2: {  	v4 =	vperm.xlane v3, v0;
	_ =	sdelay $0x1  }
0xb3: {  	v4 =	vadd.s32 v1, v4;
	_ =	sdelay $0x1  }
0xb4: {  	v3 =	vperm.xlane v3, v2;
	_ =	sdelay $0x1  }
0xb5: {  	v3 =	vadd.s32 v1, v3  }
0xb6: {  	[tilespmem:s23], [sflag:$0x2] =	stream.indirect_vreg.gather [hbm4b:s1+s3], $0x80, v4, vm0, $0xb8;
	[tilespmem:$0x16480] =	vst v63  }
0xb7: {  	_ = 	snop  }
0xb8: {  	[tilespmem:s24], [sflag:$0x2] =	stream.indirect_vreg.gather [hbm4b:s4+s3], $0x80, v4, vm0, $0xb8;
	[tilespmem:$0x16480] =	vst v63  }
0xb9: {  	_ = 	snop  }
0xba: {  	[tilespmem:s25], [sflag:$0x2] =	stream.indirect_vreg.gather [hbm4b:s1+s3], $0x80, v3, vm0, $0xb8;
	[tilespmem:$0x16480] =	vst v63  }
0xbb: {  	_ = 	snop  }
0xbc: {  	[tilespmem:s26], [sflag:$0x2] =	stream.indirect_vreg.gather [hbm4b:s4+s3], $0x80, v3, vm0, $0xb8;
	[tilespmem:$0x16480] =	vst v63  }
0xbd: {  	s0 =	rddreg [dreg:$0x7]  }
0xbe: {  	[hbm4b:s0+s3] =	stream.linear.scatter [tilespmem:s2], [sflag:$0x3], $0xA000, $0x38;
	[tilespmem:$0x16480] =	vst v63  }
0xbf: {  	_ =	swait.ge [sflag:s31], $0xA000  }
0xc0: {  	[sflag:s31] =	ssyncset.done $0x0  }
0xc1: {  	[sflag:s31] =	ssyncadd.s32 $0xFFFF6000  }
0xc2: {  	_ =	swait.ge [sflag:s30], $0xA000  }
0xc3: {  	[sflag:s30] =	ssyncset.done $0x0  }
0xc4: {  	[sflag:s30] =	ssyncadd.s32 $0xFFFF6000  }
0xc5: {  	v3 =	vld [tilespmem:$0x100];
	_ =	sdelay $0x4  }
0xc6: {  	v48 =	vshll.u32 v3, $0x2  }
0xc7: {  	v3 =	vand.u32 $0x7, v3;
	v4 =	vand.u32 $0xFFFFFFE0, v48  }
0xc8: {  	v3 =	vor.u32 v3, v4  }
0xc9: {  	v4 =	vperm.xlane v3, v0;
	_ =	sdelay $0x1  }
0xca: {  	v4 =	vadd.s32 v1, v4;
	_ =	sdelay $0x1  }
0xcb: {  	v3 =	vperm.xlane v3, v2;
	_ =	sdelay $0x1  }
0xcc: {  	v3 =	vadd.s32 v1, v3  }
0xcd: {  	[tilespmem:s2], [sflag:$0x1] =	stream.indirect_vreg.gather [hbm4b:s1+s3], $0x80, v4, vm0, $0xb8;
	[tilespmem:$0x16480] =	vst v63  }
0xce: {  	s0 =	simm.s32 $0xC80  }
0xcf: {  	[tilespmem:s0], [sflag:$0x1] =	stream.indirect_vreg.gather [hbm4b:s4+s3], $0x80, v4, vm0, $0xb8;
	[tilespmem:$0x16480] =	vst v63  }
0xd0: {  	s0 =	simm.s32 $0x1480  }
0xd1: {  	[tilespmem:s0], [sflag:$0x1] =	stream.indirect_vreg.gather [hbm4b:s1+s3], $0x80, v3, vm0, $0xb8;
	[tilespmem:$0x16480] =	vst v63  }
0xd2: {  	s6 =	simm.s32 $0x1C80  }
0xd3: {  	[tilespmem:s6], [sflag:$0x1] =	stream.indirect_vreg.gather [hbm4b:s4+s3], $0x80, v3, vm0, $0xb8;
	[tilespmem:$0x16480] =	vst v63  }
0xd4: {  	v3 =	vld [tilespmem:$0x110];
	_ =	sdelay $0x4  }
0xd5: {  	v49 =	vshll.u32 v3, $0x2  }
0xd6: {  	v3 =	vand.u32 $0x7, v3;
	v4 =	vand.u32 $0xFFFFFFE0, v49  }
0xd7: {  	v3 =	vor.u32 v3, v4  }
0xd8: {  	v4 =	vperm.xlane v3, v0;
	_ =	sdelay $0x1  }
0xd9: {  	v4 =	vadd.s32 v1, v4;
	_ =	sdelay $0x1  }
0xda: {  	v3 =	vperm.xlane v3, v2;
	_ =	sdelay $0x1  }
0xdb: {  	s6 =	simm.s32 $0x2480;
	v3 =	vadd.s32 v1, v3  }
0xdc: {  	[tilespmem:s6], [sflag:$0x1] =	stream.indirect_vreg.gather [hbm4b:s1+s3], $0x80, v4, vm0, $0xb8;
	[tilespmem:$0x16480] =	vst v63  }
0xdd: {  	s6 =	simm.s32 $0x2C80  }
0xde: {  	[tilespmem:s6], [sflag:$0x1] =	stream.indirect_vreg.gather [hbm4b:s4+s3], $0x80, v4, vm0, $0xb8;
	[tilespmem:$0x16480] =	vst v63  }
0xdf: {  	s6 =	simm.s32 $0x3480  }
0xe0: {  	[tilespmem:s6], [sflag:$0x1] =	stream.indirect_vreg.gather [hbm4b:s1+s3], $0x80, v3, vm0, $0xb8;
	[tilespmem:$0x16480] =	vst v63  }
0xe1: {  	s6 =	simm.s32 $0x3C80  }
0xe2: {  	[tilespmem:s6], [sflag:$0x1] =	stream.indirect_vreg.gather [hbm4b:s4+s3], $0x80, v3, vm0, $0xb8;
	[tilespmem:$0x16480] =	vst v63  }
0xe3: {  	v3 =	vld [tilespmem:$0x120];
	_ =	sdelay $0x4  }
0xe4: {  	v50 =	vshll.u32 v3, $0x2  }
0xe5: {  	v3 =	vand.u32 $0x7, v3;
	v4 =	vand.u32 $0xFFFFFFE0, v50  }
0xe6: {  	v3 =	vor.u32 v3, v4  }
0xe7: {  	v4 =	vperm.xlane v3, v0;
	_ =	sdelay $0x1  }
0xe8: {  	v4 =	vadd.s32 v1, v4;
	_ =	sdelay $0x1  }
0xe9: {  	v3 =	vperm.xlane v3, v2;
	_ =	sdelay $0x1  }
0xea: {  	s6 =	simm.s32 $0x4480;
	v3 =	vadd.s32 v1, v3  }
0xeb: {  	[tilespmem:s6], [sflag:$0x1] =	stream.indirect_vreg.gather [hbm4b:s1+s3], $0x80, v4, vm0, $0xb8;
	[tilespmem:$0x16480] =	vst v63  }
0xec: {  	s6 =	simm.s32 $0x4C80  }
0xed: {  	[tilespmem:s6], [sflag:$0x1] =	stream.indirect_vreg.gather [hbm4b:s4+s3], $0x80, v4, vm0, $0xb8;
	[tilespmem:$0x16480] =	vst v63  }
0xee: {  	s6 =	simm.s32 $0x5480  }
0xef: {  	[tilespmem:s6], [sflag:$0x1] =	stream.indirect_vreg.gather [hbm4b:s1+s3], $0x80, v3, vm0, $0xb8;
	[tilespmem:$0x16480] =	vst v63  }
0xf0: {  	s6 =	simm.s32 $0x5C80  }
0xf1: {  	[tilespmem:s6], [sflag:$0x1] =	stream.indirect_vreg.gather [hbm4b:s4+s3], $0x80, v3, vm0, $0xb8;
	[tilespmem:$0x16480] =	vst v63  }
0xf2: {  	v3 =	vld [tilespmem:$0x130];
	_ =	sdelay $0x4  }
0xf3: {  	v51 =	vshll.u32 v3, $0x2  }
0xf4: {  	v3 =	vand.u32 $0x7, v3;
	v4 =	vand.u32 $0xFFFFFFE0, v51  }
0xf5: {  	v3 =	vor.u32 v3, v4  }
0xf6: {  	v4 =	vperm.xlane v3, v0;
	_ =	sdelay $0x1  }
0xf7: {  	v4 =	vadd.s32 v1, v4;
	_ =	sdelay $0x1  }
0xf8: {  	v3 =	vperm.xlane v3, v2;
	_ =	sdelay $0x1  }
0xf9: {  	s6 =	simm.s32 $0x6480;
	v3 =	vadd.s32 v1, v3  }
0xfa: {  	[tilespmem:s6], [sflag:$0x1] =	stream.indirect_vreg.gather [hbm4b:s1+s3], $0x80, v4, vm0, $0xb8;
	[tilespmem:$0x16480] =	vst v63  }
0xfb: {  	s6 =	simm.s32 $0x6C80  }
0xfc: {  	[tilespmem:s6], [sflag:$0x1] =	stream.indirect_vreg.gather [hbm4b:s4+s3], $0x80, v4, vm0, $0xb8;
	[tilespmem:$0x16480] =	vst v63  }
0xfd: {  	s6 =	simm.s32 $0x7480  }
0xfe: {  	[tilespmem:s6], [sflag:$0x1] =	stream.indirect_vreg.gather [hbm4b:s1+s3], $0x80, v3, vm0, $0xb8;
	[tilespmem:$0x16480] =	vst v63  }
0xff: {  	s6 =	simm.s32 $0x7C80  }
0x100: {  	[tilespmem:s6], [sflag:$0x1] =	stream.indirect_vreg.gather [hbm4b:s4+s3], $0x80, v3, vm0, $0xb8;
	[tilespmem:$0x16480] =	vst v63  }
0x101: {  	v3 =	vld [tilespmem:$0x140];
	_ =	sdelay $0x4  }
0x102: {  	v52 =	vshll.u32 v3, $0x2  }
0x103: {  	v3 =	vand.u32 $0x7, v3;
	v4 =	vand.u32 $0xFFFFFFE0, v52  }
0x104: {  	v3 =	vor.u32 v3, v4  }
0x105: {  	v4 =	vperm.xlane v3, v0;
	_ =	sdelay $0x1  }
0x106: {  	v4 =	vadd.s32 v1, v4;
	_ =	sdelay $0x1  }
0x107: {  	v3 =	vperm.xlane v3, v2;
	_ =	sdelay $0x1  }
0x108: {  	s6 =	simm.s32 $0x8480;
	v3 =	vadd.s32 v1, v3  }
0x109: {  	[tilespmem:s6], [sflag:$0x1] =	stream.indirect_vreg.gather [hbm4b:s1+s3], $0x80, v4, vm0, $0xb8;
	[tilespmem:$0x16480] =	vst v63  }
0x10a: {  	s6 =	simm.s32 $0x8C80  }
0x10b: {  	[tilespmem:s6], [sflag:$0x1] =	stream.indirect_vreg.gather [hbm4b:s4+s3], $0x80, v4, vm0, $0xb8;
	[tilespmem:$0x16480] =	vst v63  }
0x10c: {  	s6 =	simm.s32 $0x9480  }
0x10d: {  	[tilespmem:s6], [sflag:$0x1] =	stream.indirect_vreg.gather [hbm4b:s1+s3], $0x80, v3, vm0, $0xb8;
	[tilespmem:$0x16480] =	vst v63  }
0x10e: {  	s6 =	simm.s32 $0x9C80  }
0x10f: {  	[tilespmem:s6], [sflag:$0x1] =	stream.indirect_vreg.gather [hbm4b:s4+s3], $0x80, v3, vm0, $0xb8;
	[tilespmem:$0x16480] =	vst v63  }
0x110: {  	s0 =	rddreg [dreg:$0x8]  }
0x111: {  	[hbm4b:s0+s3] =	stream.linear.scatter [tilespmem:s8], [sflag:$0x4], $0xA000, $0x38;
	[tilespmem:$0x16480] =	vst v63  }
0x112: {  	_ =	swait.ge [sflag:s28], $0xA000  }
0x113: {  	[sflag:s28] =	ssyncset.done $0x0  }
0x114: {  	s6 =	simm.s32 $0x4;
	[sflag:s28] =	ssyncadd.s32 $0xFFFF6000  }
0x115: {  	_ =	swait.ge [sflag:s6], $0xA000  }
0x116: {  	[sflag:s6] =	ssyncset.done $0x0  }
0x117: {  	[sflag:s6] =	ssyncadd.s32 $0xFFFF6000  }
0x118: {  	v3 =	vld [tilespmem:$0x180];
	_ =	sdelay $0x4  }
0x119: {  	v53 =	vshll.u32 v3, $0x2  }
0x11a: {  	v3 =	vand.u32 $0x7, v3;
	v4 =	vand.u32 $0xFFFFFFE0, v53  }
0x11b: {  	v3 =	vor.u32 v3, v4  }
0x11c: {  	v4 =	vperm.xlane v3, v0;
	_ =	sdelay $0x1  }
0x11d: {  	v4 =	vadd.s32 v1, v4;
	_ =	sdelay $0x1  }
0x11e: {  	v3 =	vperm.xlane v3, v2;
	_ =	sdelay $0x1  }
0x11f: {  	v3 =	vadd.s32 v1, v3  }
0x120: {  	[tilespmem:s8], [sflag:$0x2] =	stream.indirect_vreg.gather [hbm4b:s1+s3], $0x80, v4, vm0, $0xb8;
	[tilespmem:$0x16480] =	vst v63  }
0x121: {  	_ = 	snop  }
0x122: {  	[tilespmem:s9], [sflag:$0x2] =	stream.indirect_vreg.gather [hbm4b:s4+s3], $0x80, v4, vm0, $0xb8;
	[tilespmem:$0x16480] =	vst v63  }
0x123: {  	_ = 	snop  }
0x124: {  	[tilespmem:s29], [sflag:$0x2] =	stream.indirect_vreg.gather [hbm4b:s1+s3], $0x80, v3, vm0, $0xb8;
	[tilespmem:$0x16480] =	vst v63  }
0x125: {  	_ = 	snop  }
0x126: {  	[tilespmem:s10], [sflag:$0x2] =	stream.indirect_vreg.gather [hbm4b:s4+s3], $0x80, v3, vm0, $0xb8;
	[tilespmem:$0x16480] =	vst v63  }
0x127: {  	v3 =	vld [tilespmem:$0x190];
	_ =	sdelay $0x4  }
0x128: {  	v54 =	vshll.u32 v3, $0x2  }
0x129: {  	v3 =	vand.u32 $0x7, v3;
	v4 =	vand.u32 $0xFFFFFFE0, v54  }
0x12a: {  	v3 =	vor.u32 v3, v4  }
0x12b: {  	v4 =	vperm.xlane v3, v0;
	_ =	sdelay $0x1  }
0x12c: {  	v4 =	vadd.s32 v1, v4;
	_ =	sdelay $0x1  }
0x12d: {  	v3 =	vperm.xlane v3, v2;
	_ =	sdelay $0x1  }
0x12e: {  	v3 =	vadd.s32 v1, v3  }
0x12f: {  	[tilespmem:s11], [sflag:$0x2] =	stream.indirect_vreg.gather [hbm4b:s1+s3], $0x80, v4, vm0, $0xb8;
	[tilespmem:$0x16480] =	vst v63  }
0x130: {  	_ = 	snop  }
0x131: {  	[tilespmem:s12], [sflag:$0x2] =	stream.indirect_vreg.gather [hbm4b:s4+s3], $0x80, v4, vm0, $0xb8;
	[tilespmem:$0x16480] =	vst v63  }
0x132: {  	_ = 	snop  }
0x133: {  	[tilespmem:s13], [sflag:$0x2] =	stream.indirect_vreg.gather [hbm4b:s1+s3], $0x80, v3, vm0, $0xb8;
	[tilespmem:$0x16480] =	vst v63  }
0x134: {  	_ = 	snop  }
0x135: {  	[tilespmem:s14], [sflag:$0x2] =	stream.indirect_vreg.gather [hbm4b:s4+s3], $0x80, v3, vm0, $0xb8;
	[tilespmem:$0x16480] =	vst v63  }
0x136: {  	v3 =	vld [tilespmem:$0x1A0];
	_ =	sdelay $0x4  }
0x137: {  	v55 =	vshll.u32 v3, $0x2  }
0x138: {  	v3 =	vand.u32 $0x7, v3;
	v4 =	vand.u32 $0xFFFFFFE0, v55  }
0x139: {  	v3 =	vor.u32 v3, v4  }
0x13a: {  	v4 =	vperm.xlane v3, v0;
	_ =	sdelay $0x1  }
0x13b: {  	v4 =	vadd.s32 v1, v4;
	_ =	sdelay $0x1  }
0x13c: {  	v3 =	vperm.xlane v3, v2;
	_ =	sdelay $0x1  }
0x13d: {  	v3 =	vadd.s32 v1, v3  }
0x13e: {  	[tilespmem:s15], [sflag:$0x2] =	stream.indirect_vreg.gather [hbm4b:s1+s3], $0x80, v4, vm0, $0xb8;
	[tilespmem:$0x16480] =	vst v63  }
0x13f: {  	_ = 	snop  }
0x140: {  	[tilespmem:s16], [sflag:$0x2] =	stream.indirect_vreg.gather [hbm4b:s4+s3], $0x80, v4, vm0, $0xb8;
	[tilespmem:$0x16480] =	vst v63  }
0x141: {  	_ = 	snop  }
0x142: {  	[tilespmem:s17], [sflag:$0x2] =	stream.indirect_vreg.gather [hbm4b:s1+s3], $0x80, v3, vm0, $0xb8;
	[tilespmem:$0x16480] =	vst v63  }
0x143: {  	_ = 	snop  }
0x144: {  	[tilespmem:s18], [sflag:$0x2] =	stream.indirect_vreg.gather [hbm4b:s4+s3], $0x80, v3, vm0, $0xb8;
	[tilespmem:$0x16480] =	vst v63  }
0x145: {  	v3 =	vld [tilespmem:$0x1B0];
	_ =	sdelay $0x4  }
0x146: {  	v56 =	vshll.u32 v3, $0x2  }
0x147: {  	v3 =	vand.u32 $0x7, v3;
	v4 =	vand.u32 $0xFFFFFFE0, v56  }
0x148: {  	v3 =	vor.u32 v3, v4  }
0x149: {  	v4 =	vperm.xlane v3, v0;
	_ =	sdelay $0x1  }
0x14a: {  	v4 =	vadd.s32 v1, v4;
	_ =	sdelay $0x1  }
0x14b: {  	v3 =	vperm.xlane v3, v2;
	_ =	sdelay $0x1  }
0x14c: {  	v3 =	vadd.s32 v1, v3  }
0x14d: {  	[tilespmem:s19], [sflag:$0x2] =	stream.indirect_vreg.gather [hbm4b:s1+s3], $0x80, v4, vm0, $0xb8;
	[tilespmem:$0x16480] =	vst v63  }
0x14e: {  	_ = 	snop  }
0x14f: {  	[tilespmem:s20], [sflag:$0x2] =	stream.indirect_vreg.gather [hbm4b:s4+s3], $0x80, v4, vm0, $0xb8;
	[tilespmem:$0x16480] =	vst v63  }
0x150: {  	_ = 	snop  }
0x151: {  	[tilespmem:s21], [sflag:$0x2] =	stream.indirect_vreg.gather [hbm4b:s1+s3], $0x80, v3, vm0, $0xb8;
	[tilespmem:$0x16480] =	vst v63  }
0x152: {  	_ = 	snop  }
0x153: {  	[tilespmem:s22], [sflag:$0x2] =	stream.indirect_vreg.gather [hbm4b:s4+s3], $0x80, v3, vm0, $0xb8;
	[tilespmem:$0x16480] =	vst v63  }
0x154: {  	v3 =	vld [tilespmem:$0x1C0];
	_ =	sdelay $0x4  }
0x155: {  	v57 =	vshll.u32 v3, $0x2  }
0x156: {  	v3 =	vand.u32 $0x7, v3;
	v4 =	vand.u32 $0xFFFFFFE0, v57  }
0x157: {  	v3 =	vor.u32 v3, v4  }
0x158: {  	v4 =	vperm.xlane v3, v0;
	_ =	sdelay $0x1  }
0x159: {  	v4 =	vadd.s32 v1, v4;
	_ =	sdelay $0x1  }
0x15a: {  	v3 =	vperm.xlane v3, v2;
	_ =	sdelay $0x1  }
0x15b: {  	v3 =	vadd.s32 v1, v3  }
0x15c: {  	[tilespmem:s23], [sflag:$0x2] =	stream.indirect_vreg.gather [hbm4b:s1+s3], $0x80, v4, vm0, $0xb8;
	[tilespmem:$0x16480] =	vst v63  }
0x15d: {  	_ = 	snop  }
0x15e: {  	[tilespmem:s24], [sflag:$0x2] =	stream.indirect_vreg.gather [hbm4b:s4+s3], $0x80, v4, vm0, $0xb8;
	[tilespmem:$0x16480] =	vst v63  }
0x15f: {  	_ = 	snop  }
0x160: {  	[tilespmem:s25], [sflag:$0x2] =	stream.indirect_vreg.gather [hbm4b:s1+s3], $0x80, v3, vm0, $0xb8;
	[tilespmem:$0x16480] =	vst v63  }
0x161: {  	_ = 	snop  }
0x162: {  	[tilespmem:s26], [sflag:$0x2] =	stream.indirect_vreg.gather [hbm4b:s4+s3], $0x80, v3, vm0, $0xb8;
	[tilespmem:$0x16480] =	vst v63  }
0x163: {  	s9 =	rddreg [dreg:$0x9]  }
0x164: {  	[hbm4b:s9+s3] =	stream.linear.scatter [tilespmem:s2], [sflag:$0x3], $0xA000, $0x38;
	[tilespmem:$0x16480] =	vst v63  }
0x165: {  	_ =	swait.ge [sflag:s31], $0xA000  }
0x166: {  	[sflag:s31] =	ssyncset.done $0x0  }
0x167: {  	[sflag:s31] =	ssyncadd.s32 $0xFFFF6000  }
0x168: {  	_ =	swait.ge [sflag:s30], $0xA000  }
0x169: {  	[sflag:s30] =	ssyncset.done $0x0  }
0x16a: {  	[sflag:s30] =	ssyncadd.s32 $0xFFFF6000  }
0x16b: {  	v3 =	vld [tilespmem:$0x200];
	_ =	sdelay $0x4  }
0x16c: {  	v58 =	vshll.u32 v3, $0x2  }
0x16d: {  	v3 =	vand.u32 $0x7, v3;
	v4 =	vand.u32 $0xFFFFFFE0, v58  }
0x16e: {  	v3 =	vor.u32 v3, v4  }
0x16f: {  	v4 =	vperm.xlane v3, v0;
	_ =	sdelay $0x1  }
0x170: {  	v4 =	vadd.s32 v1, v4;
	_ =	sdelay $0x1  }
0x171: {  	v3 =	vperm.xlane v3, v2;
	_ =	sdelay $0x1  }
0x172: {  	v3 =	vadd.s32 v1, v3  }
0x173: {  	[tilespmem:s2], [sflag:$0x1] =	stream.indirect_vreg.gather [hbm4b:s1+s3], $0x80, v4, vm0, $0xb8;
	[tilespmem:$0x16480] =	vst v63  }
0x174: {  	s9 =	simm.s32 $0xC80  }
0x175: {  	[tilespmem:s9], [sflag:$0x1] =	stream.indirect_vreg.gather [hbm4b:s4+s3], $0x80, v4, vm0, $0xb8;
	[tilespmem:$0x16480] =	vst v63  }
0x176: {  	s9 =	simm.s32 $0x1480  }
0x177: {  	[tilespmem:s9], [sflag:$0x1] =	stream.indirect_vreg.gather [hbm4b:s1+s3], $0x80, v3, vm0, $0xb8;
	[tilespmem:$0x16480] =	vst v63  }
0x178: {  	s9 =	simm.s32 $0x1C80  }
0x179: {  	[tilespmem:s9], [sflag:$0x1] =	stream.indirect_vreg.gather [hbm4b:s4+s3], $0x80, v3, vm0, $0xb8;
	[tilespmem:$0x16480] =	vst v63  }
0x17a: {  	v3 =	vld [tilespmem:$0x210];
	_ =	sdelay $0x4  }
0x17b: {  	v59 =	vshll.u32 v3, $0x2  }
0x17c: {  	v3 =	vand.u32 $0x7, v3;
	v4 =	vand.u32 $0xFFFFFFE0, v59  }
0x17d: {  	v3 =	vor.u32 v3, v4  }
0x17e: {  	v4 =	vperm.xlane v3, v0;
	_ =	sdelay $0x1  }
0x17f: {  	v4 =	vadd.s32 v1, v4;
	_ =	sdelay $0x1  }
0x180: {  	v3 =	vperm.xlane v3, v2;
	_ =	sdelay $0x1  }
0x181: {  	s9 =	simm.s32 $0x2480;
	v3 =	vadd.s32 v1, v3  }
0x182: {  	[tilespmem:s9], [sflag:$0x1] =	stream.indirect_vreg.gather [hbm4b:s1+s3], $0x80, v4, vm0, $0xb8;
	[tilespmem:$0x16480] =	vst v63  }
0x183: {  	s9 =	simm.s32 $0x2C80  }
0x184: {  	[tilespmem:s9], [sflag:$0x1] =	stream.indirect_vreg.gather [hbm4b:s4+s3], $0x80, v4, vm0, $0xb8;
	[tilespmem:$0x16480] =	vst v63  }
0x185: {  	s9 =	simm.s32 $0x3480  }
0x186: {  	[tilespmem:s9], [sflag:$0x1] =	stream.indirect_vreg.gather [hbm4b:s1+s3], $0x80, v3, vm0, $0xb8;
	[tilespmem:$0x16480] =	vst v63  }
0x187: {  	s9 =	simm.s32 $0x3C80  }
0x188: {  	[tilespmem:s9], [sflag:$0x1] =	stream.indirect_vreg.gather [hbm4b:s4+s3], $0x80, v3, vm0, $0xb8;
	[tilespmem:$0x16480] =	vst v63  }
0x189: {  	v3 =	vld [tilespmem:$0x220];
	_ =	sdelay $0x4  }
0x18a: {  	v60 =	vshll.u32 v3, $0x2  }
0x18b: {  	v3 =	vand.u32 $0x7, v3;
	v4 =	vand.u32 $0xFFFFFFE0, v60  }
0x18c: {  	v3 =	vor.u32 v3, v4  }
0x18d: {  	v4 =	vperm.xlane v3, v0;
	_ =	sdelay $0x1  }
0x18e: {  	v4 =	vadd.s32 v1, v4;
	_ =	sdelay $0x1  }
0x18f: {  	v3 =	vperm.xlane v3, v2;
	_ =	sdelay $0x1  }
0x190: {  	s9 =	simm.s32 $0x4480;
	v3 =	vadd.s32 v1, v3  }
0x191: {  	[tilespmem:s9], [sflag:$0x1] =	stream.indirect_vreg.gather [hbm4b:s1+s3], $0x80, v4, vm0, $0xb8;
	[tilespmem:$0x16480] =	vst v63  }
0x192: {  	s9 =	simm.s32 $0x4C80  }
0x193: {  	[tilespmem:s9], [sflag:$0x1] =	stream.indirect_vreg.gather [hbm4b:s4+s3], $0x80, v4, vm0, $0xb8;
	[tilespmem:$0x16480] =	vst v63  }
0x194: {  	s9 =	simm.s32 $0x5480  }
0x195: {  	[tilespmem:s9], [sflag:$0x1] =	stream.indirect_vreg.gather [hbm4b:s1+s3], $0x80, v3, vm0, $0xb8;
	[tilespmem:$0x16480] =	vst v63  }
0x196: {  	s9 =	simm.s32 $0x5C80  }
0x197: {  	[tilespmem:s9], [sflag:$0x1] =	stream.indirect_vreg.gather [hbm4b:s4+s3], $0x80, v3, vm0, $0xb8;
	[tilespmem:$0x16480] =	vst v63  }
0x198: {  	v3 =	vld [tilespmem:$0x230];
	_ =	sdelay $0x4  }
0x199: {  	v61 =	vshll.u32 v3, $0x2  }
0x19a: {  	v3 =	vand.u32 $0x7, v3;
	v4 =	vand.u32 $0xFFFFFFE0, v61  }
0x19b: {  	v3 =	vor.u32 v3, v4  }
0x19c: {  	v4 =	vperm.xlane v3, v0;
	_ =	sdelay $0x1  }
0x19d: {  	v4 =	vadd.s32 v1, v4;
	_ =	sdelay $0x1  }
0x19e: {  	v3 =	vperm.xlane v3, v2;
	_ =	sdelay $0x1  }
0x19f: {  	s9 =	simm.s32 $0x6480;
	v3 =	vadd.s32 v1, v3  }
0x1a0: {  	[tilespmem:s9], [sflag:$0x1] =	stream.indirect_vreg.gather [hbm4b:s1+s3], $0x80, v4, vm0, $0xb8;
	[tilespmem:$0x16480] =	vst v63  }
0x1a1: {  	s9 =	simm.s32 $0x6C80  }
0x1a2: {  	[tilespmem:s9], [sflag:$0x1] =	stream.indirect_vreg.gather [hbm4b:s4+s3], $0x80, v4, vm0, $0xb8;
	[tilespmem:$0x16480] =	vst v63  }
0x1a3: {  	s9 =	simm.s32 $0x7480  }
0x1a4: {  	[tilespmem:s9], [sflag:$0x1] =	stream.indirect_vreg.gather [hbm4b:s1+s3], $0x80, v3, vm0, $0xb8;
	[tilespmem:$0x16480] =	vst v63  }
0x1a5: {  	s9 =	simm.s32 $0x7C80  }
0x1a6: {  	[tilespmem:s9], [sflag:$0x1] =	stream.indirect_vreg.gather [hbm4b:s4+s3], $0x80, v3, vm0, $0xb8;
	[tilespmem:$0x16480] =	vst v63  }
0x1a7: {  	v3 =	vld [tilespmem:$0x240];
	_ =	sdelay $0x4  }
0x1a8: {  	v62 =	vshll.u32 v3, $0x2  }
0x1a9: {  	v3 =	vand.u32 $0x7, v3;
	v4 =	vand.u32 $0xFFFFFFE0, v62  }
0x1aa: {  	v3 =	vor.u32 v3, v4  }
0x1ab: {  	v4 =	vperm.xlane v3, v0;
	_ =	sdelay $0x1  }
0x1ac: {  	v4 =	vadd.s32 v1, v4;
	_ =	sdelay $0x1  }
0x1ad: {  	v3 =	vperm.xlane v3, v2;
	_ =	sdelay $0x1  }
0x1ae: {  	s9 =	simm.s32 $0x8480;
	v3 =	vadd.s32 v1, v3  }
0x1af: {  	[tilespmem:s9], [sflag:$0x1] =	stream.indirect_vreg.gather [hbm4b:s1+s3], $0x80, v4, vm0, $0xb8;
	[tilespmem:$0x16480] =	vst v63  }
0x1b0: {  	s9 =	simm.s32 $0x8C80  }
0x1b1: {  	[tilespmem:s9], [sflag:$0x1] =	stream.indirect_vreg.gather [hbm4b:s4+s3], $0x80, v4, vm0, $0xb8;
	[tilespmem:$0x16480] =	vst v63  }
0x1b2: {  	s9 =	simm.s32 $0x9480  }
0x1b3: {  	[tilespmem:s9], [sflag:$0x1] =	stream.indirect_vreg.gather [hbm4b:s1+s3], $0x80, v3, vm0, $0xb8;
	[tilespmem:$0x16480] =	vst v63  }
0x1b4: {  	s9 =	simm.s32 $0x9C80  }
0x1b5: {  	[tilespmem:s9], [sflag:$0x1] =	stream.indirect_vreg.gather [hbm4b:s4+s3], $0x80, v3, vm0, $0xb8;
	[tilespmem:$0x16480] =	vst v63  }
0x1b6: {  	s0 =	rddreg [dreg:$0xa]  }
0x1b7: {  	[hbm4b:s0+s3] =	stream.linear.scatter [tilespmem:s8], [sflag:$0x4], $0xA000, $0x38;
	[tilespmem:$0x16480] =	vst v63  }
0x1b8: {  	_ =	swait.ge [sflag:s28], $0xA000  }
0x1b9: {  	[sflag:s28] =	ssyncset.done $0x0  }
0x1ba: {  	s9 =	rddreg [dreg:$0xb];
	[sflag:s28] =	ssyncadd.s32 $0xFFFF6000  }
0x1bb: {  	[hbm4b:s9+s3] =	stream.linear.scatter [tilespmem:s2], [sflag:$0x3], $0xA000, $0x38;
	[tilespmem:$0x16480] =	vst v63  }
0x1bc: {  	_ =	swait.ge [sflag:s6], $0xA000  }
0x1bd: {  	[sflag:s6] =	ssyncset.done $0x0  }
0x1be: {  	[sflag:s6] =	ssyncadd.s32 $0xFFFF6000  }
0x1bf: {  	_ =	swait.ge [sflag:s30], $0xA000  }
0x1c0: {  	[sflag:s30] =	ssyncset.done $0x0  }
0x1c1: {  	[sflag:s30] =	ssyncadd.s32 $0xFFFF6000  }
0x1c2: {  	v3 =	vld [tilespmem:$0x400];
	_ =	sdelay $0x4  }
0x1c3: {  	v63 =	vshll.u32 v3, $0x2  }
0x1c4: {  	v3 =	vand.u32 $0x7, v3;
	v4 =	vand.u32 $0xFFFFFFE0, v63  }
0x1c5: {  	v3 =	vor.u32 v3, v4  }
0x1c6: {  	v4 =	vperm.xlane v3, v0;
	_ =	sdelay $0x1  }
0x1c7: {  	v4 =	vadd.s32 v1, v4;
	_ =	sdelay $0x1  }
0x1c8: {  	v3 =	vperm.xlane v3, v2;
	_ =	sdelay $0x1  }
0x1c9: {  	s2 =	simm.s32 $0x14480;
	v3 =	vadd.s32 v1, v3  }
0x1ca: {  	[tilespmem:s2], [sflag:$0x1] =	stream.indirect_vreg.gather [hbm4b:s1+s3], $0x80, v4, vm0, $0xb8;
	[tilespmem:$0x16480] =	vst v63  }
0x1cb: {  	s8 =	rddreg [dreg:$0xe]  }
0x1cc: {  	[tilespmem:s8], [sflag:$0x1] =	stream.indirect_vreg.gather [hbm4b:s4+s3], $0x80, v4, vm0, $0xb8;
	[tilespmem:$0x16480] =	vst v63  }
0x1cd: {  	s9 =	rddreg [dreg:$0xf]  }
0x1ce: {  	[tilespmem:s9], [sflag:$0x1] =	stream.indirect_vreg.gather [hbm4b:s1+s3], $0x80, v3, vm0, $0xb8;
	[tilespmem:$0x16480] =	vst v63  }
0x1cf: {  	s6 =	rddreg [dreg:$0x10]  }
0x1d0: {  	[tilespmem:s6], [sflag:$0x1] =	stream.indirect_vreg.gather [hbm4b:s4+s3], $0x80, v3, vm0, $0xb8;
	[tilespmem:$0x16480] =	vst v63  }
0x1d1: {  	_ =	swait.ge [sflag:s28], $0x2000  }
0x1d2: {  	p0 =	sne.s32 s5, $0x1;
	[sflag:s28] =	ssyncset.done $0x0  }
.Ltmp0:
0x1d3: {  	s9 =	rddreg [dreg:$0xc];
	[sflag:s28] =	ssyncadd.s32 $0xFFFFE000;
	(pc) =	sbr.rel @p0 .LBB2_1-.Ltmp0, $4  }
0x1d4: {  	[hbm4b:s9+s3] =	stream.linear.scatter [tilespmem:s2], [sflag:$0x5], $0x2000, $0x38;
	[tilespmem:$0x16480] =	vst v63  }
0x1d5: {  	_ =	swait.ge [sflag:s7], $0x2000  }
0x1d6: {  	[sflag:s7] =	ssyncset.done $0x0  }
0x1d7: {  	s5 =	sadd.s32 $0xFFFFFFFF, s5;
	[sflag:s7] =	ssyncadd.s32 $0xFFFFE000  }
0x1d8: {  	_ =	sfence.sel $0x180000  }
0x1d9: {  	[bflag:$0x0] =	sbarrier.arrive $0xFFFF  }
0x1da: {  	_ =	strace $0x90000047  }
0x1db: {  	s0 =	stileid.u32;
	[bflag:$0x2] =	sbarrier.arrive $0xFFFF  }
0x1dc: {  	p0 =	sne.s32 s0, $0x0;
	s0 =	rddreg [dreg:$0x4]  }
0x1dd: {  	s0 =	sadd.s32 @!p0 $0x100000, s0  }
0x1de: {  	[sflag:s0] =	ssyncadd.tile.s32 @!p0 $0x1;
	_ =	shalt  }
.Lfunc_end2:
_tile_overlayer_lowered:
.L_overlay_start_2:
0x1df: {  	(tag) =	ssettag $0x2  }
0x1e0: {  	s0 =	rddreg [dreg:$0x0];
	s2 =	stileid.u32  }
0x1e1: {  	s1 =	rddreg [dreg:$0x1];
	p0 =	sne.s32 s2, $0x0  }
0x1e2: {  	s3 =	rddreg [dreg:$0x2];
	[bflag:$0x3] =	sbarrier.arrive $0xFFFF;
	s2 =	simm.s32 @!p0 $0x1C05  }
0x1e3: {  	[timem:s3], [sflag:s2] =	dma.local @!p0 [hbm:s0], s1  }
0x1e4: {  	s0 =	simm.s32 @!p0 $0x5  }
0x1e5: {  	_ =	swait.ge @!p0 [sflag:s0], s1  }
0x1e6: {  	s1 =	ssub.s32 @!p0 $0x0, s1;
	[sflag:s0] =	ssyncset.done @!p0 $0x0  }
0x1e7: {  	[sflag:s0] =	ssyncadd.s32 @!p0 s1  }
0x1e8: {  	[bflag:$0x3] =	sbarrier.arrive $0xFFFF  }
0x1e9: {  	_ =	shalt  }

// kernel: kernel.9.cloned.1.call-start
scs
__scs_entry_jumppad:
0x0: {  	(pc) =	sbr.rel $0x88, $3  }
0x1: {  	(tag) =	ssettag $0x0;
	lr =	simm.s32 $0x1  }
0x2: {  	[smem:$0x3F99] =	sst lr;
	_ =	strace $0xD0000000  }
0x3: {  	_ = 	snop  }
0x4: {  	_ = 	snop  }
0x5: {  	_ = 	snop  }
0x6: {  	_ = 	snop  }
0x7: {  	_ = 	snop  }
__scs_overlays_trampoline_lowered:
0x8: {  	[smem:$0x3FA8] =	sst s0  }
0x9: {  	[smem:$0x3FA9] =	sst s1  }
0xa: {  	[smem:$0x3FAA] =	sst s2  }
0xb: {  	[smem:$0x3FAB] =	sst s3  }
0xc: {  	[smem:$0x3FAC] =	sst s4  }
0xd: {  	[smem:$0x3FAD] =	sst s5  }
0xe: {  	[smem:$0x3FAE] =	sst s6  }
0xf: {  	[smem:$0x3FAF] =	sst s7  }
0x10: {  	[smem:$0x3FB0] =	sst s8  }
0x11: {  	[smem:$0x3FB1] =	sst s9;
	s0 =	simm.s32 @!p0 $0x0  }
0x12: {  	s1 =	sld [smem:$0x3F97];
	s0 =	simm.s32 @p0 $0x1  }
0x13: {  	[smem:$0x3FB2] =	sst s0;
	s0 =	simm.s32 @!p1 $0x0  }
0x14: {  	s2 =	sld [smem:$0x3F96];
	s0 =	simm.s32 @p1 $0x1  }
0x15: {  	[smem:$0x3FB3] =	sst s0;
	s0 =	simm.s32 @!p2 $0x0  }
0x16: {  	s3 =	sld [smem:$0x3FDB];
	s0 =	simm.s32 @p2 $0x1  }
0x17: {  	s4 =	simm.s32 $0x1BF5;
	[smem:$0x3FB5] =	sst s0  }
0x18: {  	s0 =	sld [smem:$0x3F98];
	_ =	swait.ge [sflag:s4], $0x0  }
0x19: {  	s7 =	sld [smem:$0x3F99]  }
0x1a: {  	s8 =	sadd.s32 $0xFFFFE003, lr  }
0x1b: {  	s9 =	sadd.s32 $0xFFFFFEF7, lr;
	s5 =	simm.s32 $0xFFFFFFFF;
	p2 =	slt.u32 s8, $0xFFFFF086  }
0x1c: {  	p1 =	slt.u32 s9, $0xF7A;
	s5 =	simm.s32 @!p2 $0x0  }
0x1d: {  	s5 =	simm.s32 @p1 $0x1;
	p0 =	seq.s32 s7, s2  }
0x1e: {  	s7 =	smul.u32 @!p0 $0xF7A, s2;
	p2 =	seq.s32 @!p0 s5, $0x0  }
0x1f: {  	s9 =	smul.u32 $0xF7A, s1;
	s8 =	simm.s32 @!p0 $0x1BF5;
	p2 =	por !p2, p0  }
0x20: {  	[sflag:s8] =	ssyncset.s32 @!p0 $0xFFFFF086;
	s6 =	sadd.s32 @!p0 s3, s7;
	s7 =	simm.s32 @!p0 $0x108  }
0x21: {  	s3 =	sadd.s32 s3, s9;
	s6 =	sadd.s32 @!p0 $0x88, s6;
	s7 =	simm.s32 @p2 $0x1082  }
0x22: {  	[simem:s7], [sflag:s8] =	dma.local @!p0 [hbm:s6], $0xF7A  }
0x23: {  	s9 =	sor.u32 $0xD0000000, s2;
	s6 =	simm.s32 $0x108;
	_ =	swait.ge @!p0 [sflag:s8], $0x0  }
0x24: {  	s3 =	sadd.s32 $0x88, s3;
	s6 =	simm.s32 @!p1 $0x1082;
	[sflag:s4] =	ssyncset.s32 $0xFFFFF086  }
0x25: {  	[simem:s6], [sflag:s4] =	dma.local [hbm:s3], $0xF7A  }
0x26: {  	[smem:$0x3F99] =	sst s1;
	(tag) =	ssettag s2;
	_ =	strace s9  }
0x27: {  	s1 =	sld [smem:$0x3FA9]  }
0x28: {  	s2 =	sld [smem:$0x3FAA]  }
0x29: {  	s4 =	sld [smem:$0x3FAC]  }
0x2a: {  	p0 =	seq.s32 s5, $0x0;
	s5 =	sld [smem:$0x3FAD]  }
0x2b: {  	s6 =	sld [smem:$0x3FAE]  }
0x2c: {  	s7 =	sld [smem:$0x3FAF]  }
0x2d: {  	s3 =	simm.s32 $0x108;
	s8 =	sld [smem:$0x3FB0]  }
0x2e: {  	s3 =	simm.s32 @!p0 $0x1082;
	s9 =	sld [smem:$0x3FB1]  }
0x2f: {  	lr =	sadd.s32 s0, s3;
	s0 =	sld [smem:$0x3FA8]  }
0x30: {  	s3 =	sld [smem:$0x3FAB]  }
0x31: {  	[smem:$0x3FB4] =	sst s10  }
0x32: {  	s10 =	sld [smem:$0x3FB2];
	_ =	sdelay $0x3  }
0x33: {  	p0 =	seq.s32 s10, $0x1;
	s10 =	sld [smem:$0x3FB4];
	_ =	sdelay $0x3  }
0x34: {  	[smem:$0x3FB4] =	sst s10  }
0x35: {  	s10 =	sld [smem:$0x3FB3];
	_ =	sdelay $0x3  }
0x36: {  	p1 =	seq.s32 s10, $0x1;
	s10 =	sld [smem:$0x3FB4];
	_ =	sdelay $0x3  }
0x37: {  	[smem:$0x3FB4] =	sst s10  }
0x38: {  	s10 =	sld [smem:$0x3FB5]  }
0x39: {  	_ = 	snop;
	(pc) =	sbr.ind lr, $3  }
0x3a: {  	_ = 	snop  }
0x3b: {  	_ = 	snop  }
0x3c: {  	p2 =	seq.s32 s10, $0x1;
	s10 =	sld [smem:$0x3FB4]  }
0x3d: {  	_ =	shalt  }
0x3e: {  	_ =	shalt  }
0x3f: {  	_ =	shalt  }
0x40: {  	_ =	shalt  }
0x41: {  	_ =	shalt  }
0x42: {  	_ =	shalt  }
0x43: {  	_ =	shalt  }
0x44: {  	_ =	shalt  }
0x45: {  	_ =	shalt  }
0x46: {  	_ =	shalt  }
0x47: {  	_ =	shalt  }
0x48: {  	_ =	shalt  }
0x49: {  	_ =	shalt  }
0x4a: {  	_ =	shalt  }
0x4b: {  	_ =	shalt  }
0x4c: {  	_ =	shalt  }
0x4d: {  	_ =	shalt  }
0x4e: {  	_ =	shalt  }
0x4f: {  	_ =	shalt  }
0x50: {  	_ =	shalt  }
0x51: {  	_ =	shalt  }
0x52: {  	_ =	shalt  }
0x53: {  	_ =	shalt  }
0x54: {  	_ =	shalt  }
0x55: {  	_ =	shalt  }
0x56: {  	_ =	shalt  }
0x57: {  	_ =	shalt  }
0x58: {  	_ =	shalt  }
0x59: {  	_ =	shalt  }
0x5a: {  	_ =	shalt  }
0x5b: {  	_ =	shalt  }
0x5c: {  	_ =	shalt  }
0x5d: {  	_ =	shalt  }
0x5e: {  	_ =	shalt  }
0x5f: {  	_ =	shalt  }
0x60: {  	_ =	shalt  }
0x61: {  	_ =	shalt  }
0x62: {  	_ =	shalt  }
0x63: {  	_ =	shalt  }
0x64: {  	_ =	shalt  }
0x65: {  	_ =	shalt  }
0x66: {  	_ =	shalt  }
0x67: {  	_ =	shalt  }
0x68: {  	_ =	shalt  }
0x69: {  	_ =	shalt  }
0x6a: {  	_ =	shalt  }
0x6b: {  	_ =	shalt  }
0x6c: {  	_ =	shalt  }
0x6d: {  	_ =	shalt  }
0x6e: {  	_ =	shalt  }
0x6f: {  	_ =	shalt  }
0x70: {  	_ =	shalt  }
0x71: {  	_ =	shalt  }
0x72: {  	_ =	shalt  }
0x73: {  	_ =	shalt  }
0x74: {  	_ =	shalt  }
0x75: {  	_ =	shalt  }
0x76: {  	_ =	shalt  }
0x77: {  	_ =	shalt  }
0x78: {  	_ =	shalt  }
0x79: {  	_ =	shalt  }
0x7a: {  	_ =	shalt  }
0x7b: {  	_ =	shalt  }
0x7c: {  	_ =	shalt  }
0x7d: {  	_ =	shalt  }
0x7e: {  	_ =	shalt  }
0x7f: {  	_ =	shalt  }
0x80: {  	_ =	shalt  }
0x81: {  	_ =	shalt  }
0x82: {  	_ =	shalt  }
0x83: {  	_ =	shalt  }
0x84: {  	_ =	shalt  }
0x85: {  	_ =	shalt  }
0x86: {  	_ =	shalt  }
0x87: {  	_ =	shalt  }
.Lfunc_end0:
.L_simem_size_0:
called_computation.1_lowered:
.L_overlay_start_0:
0x88: {  	s2 =	sld [smem:$0x3FD9]  }
0x89: {  	s3 =	sld [smem:$0x3FFE];
	_ =	sdelay $0x1  }
0x8a: {  	s1 =	srdreg.scid  }
0x8b: {  	s0 =	sand.u32 $0x1, s1  }
0x8c: {  	s17 =	sshll.u32 s0, $0xA;
	s2 =	sadd.s32 s3, s2  }
0x8d: {  	s2 =	sadd.s32 s2, s17  }
0x8e: {  	[smem:$0x3FC0] =	sst s2  }
0x8f: {  	_ = 	snop  }
0x90: {  	s18 =	sld [smem:$0x3FC9];
	(tm) =	ssettm $0x1  }
0x91: {  	s19 =	sld [smem:$0x3FFB];
	_ =	sdelay $0x3  }
0x92: {  	_ =	strace s19  }
0x93: {  	s2 =	sld [smem:$0x3FFC];
	_ =	sdelay $0x3  }
0x94: {  	_ =	strace s2  }
0x95: {  	s2 =	sld [smem:$0x3FFD];
	_ =	sdelay $0x3  }
0x96: {  	_ =	strace s2  }
0x97: {  	_ =	strace $0x8FFFFFFF  }
0x98: {  	s20 =	sld [smem:$0x3FDB];
	_ =	sdelay $0x1  }
0x99: {  	s4 =	simm.s32 $_scs_section_size  }
0x9a: {  	s5 =	simm.s32 $_size__tile_overlayer_lowered;
	s6 =	simm.s32 $_tile_overlayer_lowered  }
0x9b: {  	s7 =	simm.s32 $0x1BFF;
	s21 =	sshll.u32 s6, $0x1;
	s4 =	sadd.s32 s4, s20  }
0x9c: {  	s22 =	simm.s32 $0x0;
	s5 =	sshll.u32 s5, $0x1;
	s6 =	sadd.s32 s21, s4  }
0x9d: {  	[timem:s22], [sflag:s7] =	dma.local [hbm:s6], s5  }
0x9e: {  	_ =	swait.ge [sflag:s7], s5  }
0x9f: {  	s5 =	ssub.s32 $0x0, s5;
	[sflag:s7] =	ssyncset.done $0x0  }
0xa0: {  	[sflag:s7] =	ssyncadd.s32 s5;
	_ =	sdelay $0x1  }
0xa1: {  	s23 =	simm.s32 $0x1B8B  }
0xa2: {  	_ =	swait.ge [sflag:s23], $0x1  }
0xa3: {  	[sflag:s23] =	ssyncset.done $0x0  }
0xa4: {  	[sflag:s23] =	ssyncadd.s32 $0xFFFFFFFF  }
0xa5: {  	s5 =	sld [smem:$0x0]  }
0xa6: {  	s6 =	sand.u32 $0xFFFFFFFE, s1  }
0xa7: {  	p0 =	sne.s32 s1, s6  }
0xa8: {  	s6 =	sshll.u32 @p0 s6, $0xE  }
0xa9: {  	s6 =	sadd.s32 @p0 $0x11B8D, s6;
	s7 =	sshll.u32 @p0 s5, $0x11  }
0xaa: {  	s6 =	sor.u32 @p0 s7, s6  }
0xab: {  	[sflag:s6] =	ssyncadd.remote.s32 @p0 $0x1;
	_ =	sdelay $0x1  }
0xac: {  	s6 =	simm.s32 @p0 $0x1B8D  }
0xad: {  	_ =	swait.eq @p0 [sflag:s6], $0x1  }
0xae: {  	[sflag:s6] =	ssyncadd.s32 @p0 $0xFFFFFFFF  }
0xaf: {  	s7 =	sshll.u32 @!p0 s1, $0xE  }
0xb0: {  	s7 =	sor.u32 @!p0 $0x4000, s7;
	s6 =	simm.s32 @!p0 $0x1B8D  }
0xb1: {  	s5 =	sshll.u32 @!p0 s5, $0x11;
	s7 =	sadd.s32 @!p0 $0x11B8D, s7;
	_ =	swait.eq @!p0 [sflag:s6], $0x1  }
0xb2: {  	s5 =	sor.u32 @!p0 s5, s7;
	[sflag:s6] =	ssyncadd.s32 @!p0 $0xFFFFFFFF  }
0xb3: {  	s25 =	simm.s32 $0x1B8E;
	s24 =	sld [smem:$0x3FFE];
	[sflag:s5] =	ssyncadd.remote.s32 @!p0 $0x1  }
0xb4: {  	s26 =	simm.s32 $execute0_lowered;
	[smem:$0x3FD2] =	sst s25  }
0xb5: {  	s6 =	sshll.u32 s26, $0x1;
	_ =	strace $0x80000049;
	[dreg:$0x1] =	wrdreg $0xFFFFFFFF  }
0xb6: {  	s28 =	simm.s32 $_size_execute0_lowered;
	s4 =	sadd.s32 s4, s6;
	[dreg:$0x0] =	wrdreg $0x0  }
0xb7: {  	s6 =	sshll.u32 s28, $0x1;
	[dreg:$0x2] =	wrdreg s4  }
0xb8: {  	[dreg:$0x3] =	wrdreg s6  }
0xb9: {  	[dreg:$0x4] =	wrdreg $0xC0  }
0xba: {  	_ =	task [dreg:s22], $0x5FFFF  }
0xbb: {  	[dreg:$0x1] =	wrdreg $0xFFFFFFFF  }
0xbc: {  	[dreg:$0x0] =	wrdreg $0x60  }
0xbd: {  	[dreg:$0x2] =	wrdreg s18  }
0xbe: {  	[dreg:$0x3] =	wrdreg s24  }
0xbf: {  	[dreg:$0x4] =	wrdreg $0xA  }
0xc0: {  	_ =	task.clear_ibuf [dreg:s22], $0x5FFFF;
	_ =	strace $0x90000049  }
0xc1: {  	s29 =	simm.s32 $0xA;
	_ =	strace $0x8000004B  }
0xc2: {  	_ =	swait.ge [sflag:s29], $0x1  }
0xc3: {  	[sflag:s29] =	ssyncadd.s32 $0xFFFFFFFF  }
0xc4: {  	_ =	strace $0x9000004B  }
0xc5: {  	_ =	sfence  }
0xc6: {  	s30 =	sld [smem:$0x0];
	_ =	sdelay $0x2  }
0xc7: {  	s31 =	sshll.u32 s1, $0xD;
	s1 =	sshrl.u32 s1, $0x2  }
0xc8: {  	s4 =	sand.u32 $0x4000, s31;
	s1 =	sadd.s32 s1, s30  }
0xc9: {  	s0 =	sor.u32 s4, s0;
	s1 =	sshll.u32 s1, $0x11  }
0xca: {  	s0 =	sor.u32 s1, s0  }
0xcb: {  	s0 =	sadd.s32 $0x8F2B, s0  }
0xcc: {  	[sflag:s0] =	ssyncadd.remote.s32 $0x1  }
0xcd: {  	_ =	sfence.sel $0xFFFF  }
0xce: {  	[dreg:$0x0] =	wrdreg $0xFFFFFFFF;
	(pc) =	sbr.abs _section_cstart, $3  }
0xcf: {  	[dreg:$0x1] =	wrdreg $0xFFFFFFFF  }
0xd0: {  	_ =	task.clear_ibuf [dreg:s22], $0x2FFFF;
	_ =	strace $0x9FFFFFFF  }
0xd1: {  	(tm) =	ssettm $0x7FFFFFFF  }
tec
execute0_lowered:
.L_overlay_start_1:
0x0: {  	(tag) =	ssettag $0x1  }
0x1: {  	s2 =	rddreg [dreg:$0x0]  }
0x2: {  	s0 =	srdreg.scid;
	s3 =	stileid.u32  }
0x3: {  	s1 =	rddreg [dreg:$0x1];
	s17 =	simm.s32 $0xF400;
	s18 =	simm.s32 $0xFC00  }
0x4: {  	s19 =	simm.s32 $0x10400;
	s20 =	simm.s32 $0x10C00;
	s21 =	simm.s32 $0x11400  }
0x5: {  	s22 =	simm.s32 $0x11C00;
	s23 =	simm.s32 $0x12400;
	s24 =	simm.s32 $0x12C00  }
0x6: {  	s28 =	simm.s32 $0x14400;
	s29 =	simm.s32 $0x14C00;
	s30 =	simm.s32 $0x15400  }
0x7: {  	s31 =	simm.s32 $0x15C00;
	s9 =	simm.s32 $0x16C00;
	s10 =	simm.s32 $0x4  }
0x8: {  	s11 =	simm.s32 $0x0;
	s0 =	sand.u32 $0x1, s0;
	s4 =	sshll.u32 s3, $0x1  }
0x9: {  	s3 =	simm.s32 $0x0;
	s7 =	sadd.s32 $0x100, s2;
	s5 =	sor.u32 s0, s4  }
0xa: {  	[smem:$0x7FF] =	sst s3;
	s0 =	ssub.s32 $0x2, s0;
	s4 =	smul.u32 $0x380, s5  }
0xb: {  	_ =	strace $0x8000004A;
	s25 =	sshrl.u32 s0, $0x1;
	s8 =	smul.u32 $0x32, s5  }
0xc: {  	s0 =	ssub.s32 s0, s25;
	s25 =	simm.s32 $0x13400;
	s6 =	sadd.s32 s4, s1  }
0xd: {  	v2 =	vlaneseq.u32;
	s4 =	sadd.s32 $0xD8E00, s1;
	s0 =	smax.u32 s0, $0x1;
	s1 =	simm.s32 $0x1  }
0xe: {  	vm0 =	vmmov $0xffff;
	v1 =	vshrl.u32 v2, $0x3;
	s26 =	sadd.s32 $0xD1E00, s6;
	s6 =	smul.u32 $0x32000, s5;
	[dreg:$0x4] =	wrdreg s0  }
0xf: {  	v0 =	vand.u32 $0x7, v2;
	v2 =	vor.u32 $0x8, v2;
	v1 =	vmul.u32 $0x8, v1;
	s5 =	simm.s32 $0x2;
	[dreg:$0x3] =	wrdreg s26;
	s26 =	simm.s32 $0x13C00  }
.LBB2_1:
0x10: {  	[dreg:$0x5] =	wrdreg s11  }
0x11: {  	s0 =	rddreg [dreg:$0x3];
	s14 =	simm.s32 $0x5  }
0x12: {  	[tilespmem:s3], [sflag:$0x5] =	stream.linear.gather [hbm4b:s0+s3], $0x1900, $0x38;
	[tilespmem:$0x17C00] =	vst v63  }
0x13: {  	_ =	swait.ge [sflag:s14], $0x1900  }
0x14: {  	[sflag:s14] =	ssyncset.done $0x0  }
0x15: {  	[sflag:s14] =	ssyncadd.s32 $0xFFFFE700  }
0x16: {  	v3 =	vld [tilespmem:$0x0];
	_ =	sdelay $0x4  }
0x17: {  	v4 =	vshll.u32 v3, $0x2  }
0x18: {  	v3 =	vand.u32 $0x7, v3;
	v4 =	vand.u32 $0xFFFFFFE0, v4  }
0x19: {  	v3 =	vor.u32 v3, v4  }
0x1a: {  	v4 =	vperm.xlane v3, v0;
	_ =	sdelay $0x1  }
0x1b: {  	v4 =	vadd.s32 v1, v4;
	_ =	sdelay $0x1  }
0x1c: {  	v3 =	vperm.xlane v3, v2;
	_ =	sdelay $0x1  }
0x1d: {  	s15 =	simm.s32 $0x1C00;
	v3 =	vadd.s32 v1, v3  }
0x1e: {  	[tilespmem:s15], [sflag:$0x1] =	stream.indirect_vreg.gather [hbm4b:s2+s3], $0x80, v4, vm0, $0xb8;
	[tilespmem:$0x17C00] =	vst v63  }
0x1f: {  	s16 =	simm.s32 $0x2400  }
0x20: {  	[tilespmem:s16], [sflag:$0x1] =	stream.indirect_vreg.gather [hbm4b:s7+s3], $0x80, v4, vm0, $0xb8;
	[tilespmem:$0x17C00] =	vst v63  }
0x21: {  	s11 =	simm.s32 $0x2C00  }
0x22: {  	[tilespmem:s11], [sflag:$0x1] =	stream.indirect_vreg.gather [hbm4b:s2+s3], $0x80, v3, vm0, $0xb8;
	[tilespmem:$0x17C00] =	vst v63  }
0x23: {  	s12 =	simm.s32 $0x3400  }
0x24: {  	[tilespmem:s12], [sflag:$0x1] =	stream.indirect_vreg.gather [hbm4b:s7+s3], $0x80, v3, vm0, $0xb8;
	[tilespmem:$0x17C00] =	vst v63  }
0x25: {  	v3 =	vld [tilespmem:$0x10];
	_ =	sdelay $0x4  }
0x26: {  	v60 =	vshll.u32 v3, $0x2  }
0x27: {  	v3 =	vand.u32 $0x7, v3;
	v4 =	vand.u32 $0xFFFFFFE0, v60  }
0x28: {  	v3 =	vor.u32 v3, v4  }
0x29: {  	v4 =	vperm.xlane v3, v0;
	_ =	sdelay $0x1  }
0x2a: {  	v4 =	vadd.s32 v1, v4;
	_ =	sdelay $0x1  }
0x2b: {  	v3 =	vperm.xlane v3, v2;
	_ =	sdelay $0x1  }
0x2c: {  	s13 =	simm.s32 $0x3C00;
	v3 =	vadd.s32 v1, v3  }
0x2d: {  	[tilespmem:s13], [sflag:$0x1] =	stream.indirect_vreg.gather [hbm4b:s2+s3], $0x80, v4, vm0, $0xb8;
	[tilespmem:$0x17C00] =	vst v63  }
0x2e: {  	s14 =	simm.s32 $0x4400  }
0x2f: {  	[tilespmem:s14], [sflag:$0x1] =	stream.indirect_vreg.gather [hbm4b:s7+s3], $0x80, v4, vm0, $0xb8;
	[tilespmem:$0x17C00] =	vst v63  }
0x30: {  	s15 =	simm.s32 $0x4C00  }
0x31: {  	[tilespmem:s15], [sflag:$0x1] =	stream.indirect_vreg.gather [hbm4b:s2+s3], $0x80, v3, vm0, $0xb8;
	[tilespmem:$0x17C00] =	vst v63  }
0x32: {  	s16 =	simm.s32 $0x5400  }
0x33: {  	[tilespmem:s16], [sflag:$0x1] =	stream.indirect_vreg.gather [hbm4b:s7+s3], $0x80, v3, vm0, $0xb8;
	[tilespmem:$0x17C00] =	vst v63  }
0x34: {  	v3 =	vld [tilespmem:$0x20];
	_ =	sdelay $0x4  }
0x35: {  	v61 =	vshll.u32 v3, $0x2  }
0x36: {  	v3 =	vand.u32 $0x7, v3;
	v4 =	vand.u32 $0xFFFFFFE0, v61  }
0x37: {  	v3 =	vor.u32 v3, v4  }
0x38: {  	v4 =	vperm.xlane v3, v0;
	_ =	sdelay $0x1  }
0x39: {  	v4 =	vadd.s32 v1, v4;
	_ =	sdelay $0x1  }
0x3a: {  	v3 =	vperm.xlane v3, v2;
	_ =	sdelay $0x1  }
0x3b: {  	s11 =	simm.s32 $0x5C00;
	v3 =	vadd.s32 v1, v3  }
0x3c: {  	[tilespmem:s11], [sflag:$0x1] =	stream.indirect_vreg.gather [hbm4b:s2+s3], $0x80, v4, vm0, $0xb8;
	[tilespmem:$0x17C00] =	vst v63  }
0x3d: {  	s12 =	simm.s32 $0x6400  }
0x3e: {  	[tilespmem:s12], [sflag:$0x1] =	stream.indirect_vreg.gather [hbm4b:s7+s3], $0x80, v4, vm0, $0xb8;
	[tilespmem:$0x17C00] =	vst v63  }
0x3f: {  	s13 =	simm.s32 $0x6C00  }
0x40: {  	[tilespmem:s13], [sflag:$0x1] =	stream.indirect_vreg.gather [hbm4b:s2+s3], $0x80, v3, vm0, $0xb8;
	[tilespmem:$0x17C00] =	vst v63  }
0x41: {  	s14 =	simm.s32 $0x7400  }
0x42: {  	[tilespmem:s14], [sflag:$0x1] =	stream.indirect_vreg.gather [hbm4b:s7+s3], $0x80, v3, vm0, $0xb8;
	[tilespmem:$0x17C00] =	vst v63  }
0x43: {  	v3 =	vld [tilespmem:$0x30];
	_ =	sdelay $0x4  }
0x44: {  	v62 =	vshll.u32 v3, $0x2  }
0x45: {  	v3 =	vand.u32 $0x7, v3;
	v4 =	vand.u32 $0xFFFFFFE0, v62  }
0x46: {  	v3 =	vor.u32 v3, v4  }
0x47: {  	v4 =	vperm.xlane v3, v0;
	_ =	sdelay $0x1  }
0x48: {  	v4 =	vadd.s32 v1, v4;
	_ =	sdelay $0x1  }
0x49: {  	v3 =	vperm.xlane v3, v2;
	_ =	sdelay $0x1  }
0x4a: {  	s15 =	simm.s32 $0x7C00;
	v3 =	vadd.s32 v1, v3  }
0x4b: {  	[tilespmem:s15], [sflag:$0x1] =	stream.indirect_vreg.gather [hbm4b:s2+s3], $0x80, v4, vm0, $0xb8;
	[tilespmem:$0x17C00] =	vst v63  }
0x4c: {  	s16 =	simm.s32 $0x8400  }
0x4d: {  	[tilespmem:s16], [sflag:$0x1] =	stream.indirect_vreg.gather [hbm4b:s7+s3], $0x80, v4, vm0, $0xb8;
	[tilespmem:$0x17C00] =	vst v63  }
0x4e: {  	s11 =	simm.s32 $0x8C00  }
0x4f: {  	[tilespmem:s11], [sflag:$0x1] =	stream.indirect_vreg.gather [hbm4b:s2+s3], $0x80, v3, vm0, $0xb8;
	[tilespmem:$0x17C00] =	vst v63  }
0x50: {  	s12 =	simm.s32 $0x9400  }
0x51: {  	[tilespmem:s12], [sflag:$0x1] =	stream.indirect_vreg.gather [hbm4b:s7+s3], $0x80, v3, vm0, $0xb8;
	[tilespmem:$0x17C00] =	vst v63  }
0x52: {  	v3 =	vld [tilespmem:$0x40];
	_ =	sdelay $0x4  }
0x53: {  	v63 =	vshll.u32 v3, $0x2  }
0x54: {  	v3 =	vand.u32 $0x7, v3;
	v4 =	vand.u32 $0xFFFFFFE0, v63  }
0x55: {  	v3 =	vor.u32 v3, v4  }
0x56: {  	v4 =	vperm.xlane v3, v0;
	_ =	sdelay $0x1  }
0x57: {  	v4 =	vadd.s32 v1, v4;
	_ =	sdelay $0x1  }
0x58: {  	v3 =	vperm.xlane v3, v2;
	_ =	sdelay $0x1  }
0x59: {  	s13 =	simm.s32 $0x9C00;
	v3 =	vadd.s32 v1, v3  }
0x5a: {  	[tilespmem:s13], [sflag:$0x1] =	stream.indirect_vreg.gather [hbm4b:s2+s3], $0x80, v4, vm0, $0xb8;
	[tilespmem:$0x17C00] =	vst v63  }
0x5b: {  	s14 =	simm.s32 $0xA400  }
0x5c: {  	[tilespmem:s14], [sflag:$0x1] =	stream.indirect_vreg.gather [hbm4b:s7+s3], $0x80, v4, vm0, $0xb8;
	[tilespmem:$0x17C00] =	vst v63  }
0x5d: {  	s15 =	simm.s32 $0xAC00  }
0x5e: {  	[tilespmem:s15], [sflag:$0x1] =	stream.indirect_vreg.gather [hbm4b:s2+s3], $0x80, v3, vm0, $0xb8;
	[tilespmem:$0x17C00] =	vst v63  }
0x5f: {  	s0 =	simm.s32 $0x0;
	s16 =	simm.s32 $0xB400  }
0x60: {  	[tilespmem:s16], [sflag:$0x1] =	stream.indirect_vreg.gather [hbm4b:s7+s3], $0x80, v3, vm0, $0xb8;
	[tilespmem:$0x17C00] =	vst v63  }
.LBB2_2:
0x61: {  	_ =	swait.ge [sflag:s1], $0xA000;
	s11 =	sshllo.u32 s0, $0x1  }
0x62: {  	[sflag:s1] =	ssyncset.done $0x0;
	s12 =	sshll.u32 s11, $0x7  }
0x63: {  	[sflag:s1] =	ssyncadd.s32 $0xFFFF6000;
	s12 =	sand.u32 $0x3FFFFF80, s12  }
0x64: {  	v3 =	vld [tilespmem:s12+$0x0];
	_ =	sdelay $0x4  }
0x65: {  	v4 =	vshll.u32 v3, $0x2  }
0x66: {  	v3 =	vand.u32 $0x7, v3;
	v4 =	vand.u32 $0xFFFFFFE0, v4  }
0x67: {  	v3 =	vor.u32 v3, v4  }
0x68: {  	v4 =	vperm.xlane v3, v0;
	_ =	sdelay $0x1  }
0x69: {  	v4 =	vadd.s32 v1, v4;
	_ =	sdelay $0x1  }
0x6a: {  	v3 =	vperm.xlane v3, v2;
	_ =	sdelay $0x1  }
0x6b: {  	s13 =	simm.s32 $0xBC00;
	v3 =	vadd.s32 v1, v3  }
0x6c: {  	[tilespmem:s13], [sflag:$0x2] =	stream.indirect_vreg.gather [hbm4b:s2+s3], $0x80, v4, vm0, $0xb8;
	[tilespmem:$0x17C00] =	vst v63  }
0x6d: {  	s14 =	simm.s32 $0xC400  }
0x6e: {  	[tilespmem:s14], [sflag:$0x2] =	stream.indirect_vreg.gather [hbm4b:s7+s3], $0x80, v4, vm0, $0xb8;
	[tilespmem:$0x17C00] =	vst v63  }
0x6f: {  	s15 =	simm.s32 $0xCC00  }
0x70: {  	[tilespmem:s15], [sflag:$0x2] =	stream.indirect_vreg.gather [hbm4b:s2+s3], $0x80, v3, vm0, $0xb8;
	[tilespmem:$0x17C00] =	vst v63  }
0x71: {  	s16 =	simm.s32 $0xD400  }
0x72: {  	[tilespmem:s16], [sflag:$0x2] =	stream.indirect_vreg.gather [hbm4b:s7+s3], $0x80, v3, vm0, $0xb8;
	[tilespmem:$0x17C00] =	vst v63  }
0x73: {  	v3 =	vld [tilespmem:s12+$0x10];
	_ =	sdelay $0x4  }
0x74: {  	v60 =	vshll.u32 v3, $0x2  }
0x75: {  	v3 =	vand.u32 $0x7, v3;
	v4 =	vand.u32 $0xFFFFFFE0, v60  }
0x76: {  	v3 =	vor.u32 v3, v4  }
0x77: {  	v4 =	vperm.xlane v3, v0;
	_ =	sdelay $0x1  }
0x78: {  	v4 =	vadd.s32 v1, v4;
	_ =	sdelay $0x1  }
0x79: {  	v3 =	vperm.xlane v3, v2;
	_ =	sdelay $0x1  }
0x7a: {  	s14 =	simm.s32 $0xDC00;
	v3 =	vadd.s32 v1, v3  }
0x7b: {  	[tilespmem:s14], [sflag:$0x2] =	stream.indirect_vreg.gather [hbm4b:s2+s3], $0x80, v4, vm0, $0xb8;
	[tilespmem:$0x17C00] =	vst v63  }
0x7c: {  	s15 =	simm.s32 $0xE400  }
0x7d: {  	[tilespmem:s15], [sflag:$0x2] =	stream.indirect_vreg.gather [hbm4b:s7+s3], $0x80, v4, vm0, $0xb8;
	[tilespmem:$0x17C00] =	vst v63  }
0x7e: {  	s16 =	simm.s32 $0xEC00  }
0x7f: {  	[tilespmem:s16], [sflag:$0x2] =	stream.indirect_vreg.gather [hbm4b:s2+s3], $0x80, v3, vm0, $0xb8;
	[tilespmem:$0x17C00] =	vst v63  }
0x80: {  	_ = 	snop  }
0x81: {  	[tilespmem:s17], [sflag:$0x2] =	stream.indirect_vreg.gather [hbm4b:s7+s3], $0x80, v3, vm0, $0xb8;
	[tilespmem:$0x17C00] =	vst v63  }
0x82: {  	v3 =	vld [tilespmem:s12+$0x20];
	_ =	sdelay $0x4  }
0x83: {  	v61 =	vshll.u32 v3, $0x2  }
0x84: {  	v3 =	vand.u32 $0x7, v3;
	v4 =	vand.u32 $0xFFFFFFE0, v61  }
0x85: {  	v3 =	vor.u32 v3, v4  }
0x86: {  	v4 =	vperm.xlane v3, v0;
	_ =	sdelay $0x1  }
0x87: {  	v4 =	vadd.s32 v1, v4;
	_ =	sdelay $0x1  }
0x88: {  	v3 =	vperm.xlane v3, v2;
	_ =	sdelay $0x1  }
0x89: {  	v3 =	vadd.s32 v1, v3  }
0x8a: {  	[tilespmem:s18], [sflag:$0x2] =	stream.indirect_vreg.gather [hbm4b:s2+s3], $0x80, v4, vm0, $0xb8;
	[tilespmem:$0x17C00] =	vst v63  }
0x8b: {  	_ = 	snop  }
0x8c: {  	[tilespmem:s19], [sflag:$0x2] =	stream.indirect_vreg.gather [hbm4b:s7+s3], $0x80, v4, vm0, $0xb8;
	[tilespmem:$0x17C00] =	vst v63  }
0x8d: {  	_ = 	snop  }
0x8e: {  	[tilespmem:s20], [sflag:$0x2] =	stream.indirect_vreg.gather [hbm4b:s2+s3], $0x80, v3, vm0, $0xb8;
	[tilespmem:$0x17C00] =	vst v63  }
0x8f: {  	_ = 	snop  }
0x90: {  	[tilespmem:s21], [sflag:$0x2] =	stream.indirect_vreg.gather [hbm4b:s7+s3], $0x80, v3, vm0, $0xb8;
	[tilespmem:$0x17C00] =	vst v63  }
0x91: {  	v3 =	vld [tilespmem:s12+$0x30];
	_ =	sdelay $0x4  }
0x92: {  	v62 =	vshll.u32 v3, $0x2  }
0x93: {  	v3 =	vand.u32 $0x7, v3;
	v4 =	vand.u32 $0xFFFFFFE0, v62  }
0x94: {  	v3 =	vor.u32 v3, v4  }
0x95: {  	v4 =	vperm.xlane v3, v0;
	_ =	sdelay $0x1  }
0x96: {  	v4 =	vadd.s32 v1, v4;
	_ =	sdelay $0x1  }
0x97: {  	v3 =	vperm.xlane v3, v2;
	_ =	sdelay $0x1  }
0x98: {  	v3 =	vadd.s32 v1, v3  }
0x99: {  	[tilespmem:s22], [sflag:$0x2] =	stream.indirect_vreg.gather [hbm4b:s2+s3], $0x80, v4, vm0, $0xb8;
	[tilespmem:$0x17C00] =	vst v63  }
0x9a: {  	_ = 	snop  }
0x9b: {  	[tilespmem:s23], [sflag:$0x2] =	stream.indirect_vreg.gather [hbm4b:s7+s3], $0x80, v4, vm0, $0xb8;
	[tilespmem:$0x17C00] =	vst v63  }
0x9c: {  	_ = 	snop  }
0x9d: {  	[tilespmem:s24], [sflag:$0x2] =	stream.indirect_vreg.gather [hbm4b:s2+s3], $0x80, v3, vm0, $0xb8;
	[tilespmem:$0x17C00] =	vst v63  }
0x9e: {  	_ = 	snop  }
0x9f: {  	[tilespmem:s25], [sflag:$0x2] =	stream.indirect_vreg.gather [hbm4b:s7+s3], $0x80, v3, vm0, $0xb8;
	[tilespmem:$0x17C00] =	vst v63  }
0xa0: {  	v3 =	vld [tilespmem:s12+$0x40];
	_ =	sdelay $0x4  }
0xa1: {  	v63 =	vshll.u32 v3, $0x2  }
0xa2: {  	v3 =	vand.u32 $0x7, v3;
	v4 =	vand.u32 $0xFFFFFFE0, v63  }
0xa3: {  	v3 =	vor.u32 v3, v4  }
0xa4: {  	v4 =	vperm.xlane v3, v0;
	_ =	sdelay $0x1  }
0xa5: {  	v4 =	vadd.s32 v1, v4;
	_ =	sdelay $0x1  }
0xa6: {  	v3 =	vperm.xlane v3, v2;
	_ =	sdelay $0x1  }
0xa7: {  	v3 =	vadd.s32 v1, v3  }
0xa8: {  	[tilespmem:s26], [sflag:$0x2] =	stream.indirect_vreg.gather [hbm4b:s2+s3], $0x80, v4, vm0, $0xb8;
	[tilespmem:$0x17C00] =	vst v63  }
0xa9: {  	_ = 	snop  }
0xaa: {  	[tilespmem:s28], [sflag:$0x2] =	stream.indirect_vreg.gather [hbm4b:s7+s3], $0x80, v4, vm0, $0xb8;
	[tilespmem:$0x17C00] =	vst v63  }
0xab: {  	p0 =	seq.s32 s0, $0x0  }
0xac: {  	[tilespmem:s29], [sflag:$0x2] =	stream.indirect_vreg.gather [hbm4b:s2+s3], $0x80, v3, vm0, $0xb8;
	[tilespmem:$0x17C00] =	vst v63  }
0xad: {  	s12 =	simm.s32 @!p0 $0x3  }
0xae: {  	[tilespmem:s30], [sflag:$0x2] =	stream.indirect_vreg.gather [hbm4b:s7+s3], $0x80, v3, vm0, $0xb8;
	[tilespmem:$0x17C00] =	vst v63  }
0xaf: {  	_ =	swait.ge @!p0 [sflag:s12], $0x1000  }
0xb0: {  	[sflag:s12] =	ssyncset.done @!p0 $0x0  }
0xb1: {  	s13 =	simm.s32 $0x0;
	[sflag:s12] =	ssyncadd.s32 @!p0 $0xFFFFF000;
	s12 =	simm.s32 $0x0  }
.LBB2_3:
0xb2: {  	s14 =	sand.u32 $0x70, s13;
	s15 =	sand.u32 $0xC00, s12  }
0xb3: {  	s14 =	sor.u32 s14, s15  }
0xb4: {  	v3 =	vld [tilespmem:s14+$0x1C00]  }
0xb5: {  	v4 =	vld [tilespmem:s14+$0x2D00]  }
0xb6: {  	v5 =	vld [tilespmem:s14+$0x3E00]  }
0xb7: {  	v6 =	vld [tilespmem:s14+$0x4F00]  }
0xb8: {  	v7 =	vld [tilespmem:s14+$0x6C00]  }
0xb9: {  	v8 =	vld [tilespmem:s14+$0x7D00]  }
0xba: {  	v9 =	vld [tilespmem:s14+$0x8E00]  }
0xbb: {  	v10 =	vld [tilespmem:s14+$0x9F00]  }
0xbc: {  	v11 =	vld [tilespmem:s14+$0x1C80]  }
0xbd: {  	v12 =	vld [tilespmem:s14+$0x2D80]  }
0xbe: {  	v13 =	vld [tilespmem:s14+$0x3E80]  }
0xbf: {  	v14 =	vld [tilespmem:s14+$0x4F80]  }
0xc0: {  	v15 =	vld [tilespmem:s14+$0x6C80]  }
0xc1: {  	v16 =	vld [tilespmem:s14+$0x7D80]  }
0xc2: {  	v17 =	vld [tilespmem:s14+$0x8E80]  }
0xc3: {  	v18 =	vld [tilespmem:s14+$0x9F80]  }
0xc4: {  	v19 =	vld [tilespmem:s14+$0x1D00]  }
0xc5: {  	v20 =	vld [tilespmem:s14+$0x2E00]  }
0xc6: {  	v21 =	vld [tilespmem:s14+$0x3F00]  }
0xc7: {  	v22 =	vld [tilespmem:s14+$0x5C00]  }
0xc8: {  	v23 =	vld [tilespmem:s14+$0x6D00]  }
0xc9: {  	v24 =	vld [tilespmem:s14+$0x7E00]  }
0xca: {  	v25 =	vld [tilespmem:s14+$0x8F00]  }
0xcb: {  	v26 =	vld [tilespmem:s14+$0xAC00]  }
0xcc: {  	v28 =	vld [tilespmem:s14+$0x2E80]  }
0xcd: {  	v29 =	vld [tilespmem:s14+$0x3F80]  }
0xce: {  	v30 =	vld [tilespmem:s14+$0x5C80]  }
0xcf: {  	v31 =	vld [tilespmem:s14+$0x6D80]  }
0xd0: {  	v32 =	vld [tilespmem:s14+$0x7E80]  }
0xd1: {  	v33 =	vld [tilespmem:s14+$0x8F80]  }
0xd2: {  	v34 =	vld [tilespmem:s14+$0xAC80]  }
0xd3: {  	v35 =	vld [tilespmem:s14+$0x1E00]  }
0xd4: {  	v36 =	vld [tilespmem:s14+$0x2F00]  }
0xd5: {  	v37 =	vld [tilespmem:s14+$0x4C00]  }
0xd6: {  	v38 =	vld [tilespmem:s14+$0x5D00]  }
0xd7: {  	v39 =	vld [tilespmem:s14+$0x6E00]  }
0xd8: {  	v40 =	vld [tilespmem:s14+$0x7F00]  }
0xd9: {  	v41 =	vld [tilespmem:s14+$0x9C00]  }
0xda: {  	v42 =	vld [tilespmem:s14+$0xAD00]  }
0xdb: {  	v43 =	vld [tilespmem:s14+$0x1E80]  }
0xdc: {  	v44 =	vld [tilespmem:s14+$0x2F80]  }
0xdd: {  	v45 =	vld [tilespmem:s14+$0x4C80]  }
0xde: {  	v46 =	vld [tilespmem:s14+$0x5D80]  }
0xdf: {  	v47 =	vld [tilespmem:s14+$0x6E80]  }
0xe0: {  	v48 =	vld [tilespmem:s14+$0x7F80]  }
0xe1: {  	v49 =	vld [tilespmem:s14+$0x9C80]  }
0xe2: {  	v50 =	vld [tilespmem:s14+$0xAD80]  }
0xe3: {  	v53 =	vld [tilespmem:s14+$0x1F00]  }
0xe4: {  	v54 =	vld [tilespmem:s14+$0x3C00];
	v3 =	vadd.f32 v11, v3;
	v4 =	vadd.f32 v12, v4  }
0xe5: {  	s15 =	sor.u32 s15, s13;
	v55 =	vld [tilespmem:s14+$0x4D00];
	v5 =	vadd.f32 v13, v5;
	v6 =	vadd.f32 v14, v6  }
0xe6: {  	s15 =	sor.u32 $0x180, s15;
	v56 =	vld [tilespmem:s14+$0x5E00];
	v7 =	vadd.f32 v15, v7;
	v8 =	vadd.f32 v16, v8  }
0xe7: {  	v27 =	vld [tilespmem:s15+$0x1C00];
	v9 =	vadd.f32 v17, v9;
	v10 =	vadd.f32 v18, v10  }
0xe8: {  	v57 =	vld [tilespmem:s14+$0x6F00];
	v3 =	vadd.f32 v19, v3;
	v4 =	vadd.f32 v20, v4  }
0xe9: {  	v58 =	vld [tilespmem:s14+$0x8C00];
	v5 =	vadd.f32 v21, v5;
	v6 =	vadd.f32 v22, v6  }
0xea: {  	s16 =	sor.u32 s12, s13;
	v59 =	vld [tilespmem:s14+$0x9D00];
	v7 =	vadd.f32 v23, v7;
	v8 =	vadd.f32 v24, v8  }
0xeb: {  	s16 =	sor.u32 $0x380, s16;
	v60 =	vld [tilespmem:s14+$0xAE00];
	v9 =	vadd.f32 v25, v9;
	v10 =	vadd.f32 v26, v10  }
0xec: {  	v61 =	vld [tilespmem:s16+$0x1C00];
	v3 =	vadd.f32 v27, v3;
	v4 =	vadd.f32 v28, v4  }
0xed: {  	v62 =	vld [tilespmem:s14+$0x3C80];
	v5 =	vadd.f32 v29, v5;
	v6 =	vadd.f32 v30, v6  }
0xee: {  	v63 =	vld [tilespmem:s14+$0x4D80];
	v7 =	vadd.f32 v31, v7;
	v8 =	vadd.f32 v32, v8  }
0xef: {  	v51 =	vld [tilespmem:s14+$0x2C80];
	v9 =	vadd.f32 v33, v9;
	v10 =	vadd.f32 v34, v10  }
0xf0: {  	v52 =	vld [tilespmem:s14+$0x3D80];
	v3 =	vadd.f32 v35, v3;
	v4 =	vadd.f32 v36, v4  }
0xf1: {  	v34 =	vld [tilespmem:s14+$0x5E80];
	v5 =	vadd.f32 v37, v5;
	v6 =	vadd.f32 v38, v6  }
0xf2: {  	v36 =	vld [tilespmem:s14+$0x6F80];
	v7 =	vadd.f32 v39, v7;
	v8 =	vadd.f32 v40, v8  }
0xf3: {  	v38 =	vld [tilespmem:s14+$0x8C80];
	v9 =	vadd.f32 v41, v9;
	v10 =	vadd.f32 v42, v10  }
0xf4: {  	v40 =	vld [tilespmem:s14+$0x9D80];
	v3 =	vadd.f32 v43, v3;
	v4 =	vadd.f32 v44, v4  }
0xf5: {  	v42 =	vld [tilespmem:s14+$0xAE80];
	v5 =	vadd.f32 v45, v5;
	v6 =	vadd.f32 v46, v6  }
0xf6: {  	v43 =	vld [tilespmem:s14+$0x2C00];
	v7 =	vadd.f32 v47, v7;
	v8 =	vadd.f32 v48, v8  }
0xf7: {  	v44 =	vld [tilespmem:s14+$0x3D00];
	v9 =	vadd.f32 v49, v9;
	v10 =	vadd.f32 v50, v10  }
0xf8: {  	v45 =	vld [tilespmem:s14+$0x4E00];
	v3 =	vadd.f32 v53, v3;
	v4 =	vadd.f32 v54, v4  }
0xf9: {  	v46 =	vld [tilespmem:s14+$0x5F00];
	v5 =	vadd.f32 v55, v5;
	v6 =	vadd.f32 v56, v6  }
0xfa: {  	v47 =	vld [tilespmem:s14+$0x7C00];
	v7 =	vadd.f32 v57, v7;
	v8 =	vadd.f32 v58, v8  }
0xfb: {  	v48 =	vld [tilespmem:s14+$0x8D00];
	v9 =	vadd.f32 v59, v9;
	v10 =	vadd.f32 v60, v10  }
0xfc: {  	v49 =	vld [tilespmem:s14+$0x9E00];
	v3 =	vadd.f32 v61, v3;
	v4 =	vadd.f32 v62, v4  }
0xfd: {  	v50 =	vld [tilespmem:s14+$0xAF00];
	v5 =	vadd.f32 v63, v5;
	v6 =	vadd.f32 v34, v6  }
0xfe: {  	v53 =	vld [tilespmem:s14+$0x4E80];
	v7 =	vadd.f32 v36, v7;
	v8 =	vadd.f32 v38, v8  }
0xff: {  	v54 =	vld [tilespmem:s14+$0x5F80];
	v9 =	vadd.f32 v40, v9;
	v3 =	vadd.f32 v43, v3  }
0x100: {  	v55 =	vld [tilespmem:s14+$0x7C80];
	v10 =	vadd.f32 v42, v10;
	v4 =	vadd.f32 v44, v4  }
0x101: {  	v56 =	vld [tilespmem:s14+$0x8D80];
	v5 =	vadd.f32 v45, v5;
	v3 =	vadd.f32 v51, v3  }
0x102: {  	v57 =	vld [tilespmem:s14+$0x9E80];
	v6 =	vadd.f32 v46, v6;
	v4 =	vadd.f32 v52, v4  }
0x103: {  	v58 =	vld [tilespmem:s14+$0xAF80];
	v7 =	vadd.f32 v47, v7;
	v5 =	vadd.f32 v53, v5;
	v3 =	vmul.f32 $1.000000010e-01, v3  }
0x104: {  	v8 =	vadd.f32 v48, v8;
	v6 =	vadd.f32 v54, v6;
	v4 =	vmul.f32 $1.000000010e-01, v4  }
0x105: {  	v9 =	vadd.f32 v49, v9;
	v7 =	vadd.f32 v55, v7;
	[tilespmem:s14+$0x15C00] =	vst v3;
	v3 =	vmul.f32 $1.000000010e-01, v5  }
0x106: {  	v59 =	vadd.f32 v50, v10;
	v8 =	vadd.f32 v56, v8;
	v60 =	vmul.f32 $1.000000010e-01, v6;
	[tilespmem:s14+$0x15C80] =	vst v4  }
0x107: {  	p0 =	sne.s32 s13, $0x1F0;
	v61 =	vadd.f32 v57, v9;
	[tilespmem:s14+$0x15D00] =	vst v3;
	v3 =	vmul.f32 $1.000000010e-01, v7  }
.Ltmp0:
0x108: {  	v62 =	vmul.f32 $1.000000010e-01, v8;
	v5 =	vadd.f32 v58, v59;
	[tilespmem:s15+$0x15C00] =	vst v60;
	(pc) =	sbr.rel @p0 .LBB2_3-.Ltmp0, $4  }
0x109: {  	[tilespmem:s14+$0x15E00] =	vst v3;
	v3 =	vmul.f32 $1.000000010e-01, v61  }
0x10a: {  	v63 =	vmul.f32 $1.000000010e-01, v5;
	[tilespmem:s14+$0x15E80] =	vst v62  }
0x10b: {  	[tilespmem:s14+$0x15F00] =	vst v3  }
0x10c: {  	s12 =	sadd.s32 $0x80, s12;
	s13 =	sadd.s32 $0x10, s13;
	[tilespmem:s16+$0x15C00] =	vst v63  }
0x10d: {  	s12 =	sshll.u32 s0, $0xD  }
0x10e: {  	s12 =	sadd.s32 s6, s12  }
0x10f: {  	s12 =	sshrl.u32 s12, $0x3  }
0x110: {  	s12 =	sadd.s32 s4, s12  }
0x111: {  	[hbm4b:s12+s3] =	stream.linear.scatter [tilespmem:s31], [sflag:$0x3], $0x1000, $0x38;
	[tilespmem:$0x17C00] =	vst v63  }
0x112: {  	p0 =	seq.s32 s0, $0x18;
	_ =	swait.ge [sflag:s5], $0xA000  }
0x113: {  	s12 =	sshll.u32 @!p0 s0, $0x8;
	[sflag:s5] =	ssyncset.done $0x0  }
0x114: {  	s13 =	sand.u32 @!p0 $0x3FFFFF00, s12;
	[sflag:s5] =	ssyncadd.s32 $0xFFFF6000  }
0x115: {  	v3 =	vld @!p0 [tilespmem:s13+$0x100];
	_ =	sdelay $0x4  }
0x116: {  	v4 =	vshll.u32 @!p0 v3, $0x2  }
0x117: {  	v5 =	vlaneseq.u32 @!p0;
	v3 =	vand.u32 @!p0 $0x7, v3;
	v4 =	vand.u32 @!p0 $0xFFFFFFE0, v4  }
0x118: {  	v6 =	vshrl.u32 @!p0 v5, $0x3;
	v3 =	vor.u32 @!p0 v3, v4;
	v4 =	vand.u32 @!p0 $0x7, v5  }
0x119: {  	v6 =	vmul.u32 @!p0 $0x8, v6;
	v7 =	vperm.xlane @!p0 v3, v4;
	_ =	sdelay $0x1  }
0x11a: {  	v7 =	vadd.s32 @!p0 v6, v7  }
0x11b: {  	v5 =	vor.u32 @!p0 $0x8, v5  }
0x11c: {  	v3 =	vperm.xlane @!p0 v3, v5;
	_ =	sdelay $0x1  }
0x11d: {  	vm1 =	vmmov @!p0 $0xffff;
	s14 =	simm.s32 @!p0 $0x1C00;
	s12 =	simm.s32 @!p0 $0x0;
	v3 =	vadd.s32 @!p0 v6, v3  }
0x11e: {  	[tilespmem:s14], [sflag:$0x1] =	stream.indirect_vreg.gather @!p0 [hbm4b:s2+s12], $0x80, v7, vm1, $0xb8;
	[tilespmem:$0x17C00] =	vst v63  }
0x11f: {  	s14 =	simm.s32 @!p0 $0x2400  }
0x120: {  	[tilespmem:s14], [sflag:$0x1] =	stream.indirect_vreg.gather @!p0 [hbm4b:s7+s12], $0x80, v7, vm1, $0xb8;
	[tilespmem:$0x17C00] =	vst v63  }
0x121: {  	s14 =	simm.s32 @!p0 $0x2C00  }
0x122: {  	[tilespmem:s14], [sflag:$0x1] =	stream.indirect_vreg.gather @!p0 [hbm4b:s2+s12], $0x80, v3, vm1, $0xb8;
	[tilespmem:$0x17C00] =	vst v63  }
0x123: {  	s14 =	simm.s32 @!p0 $0x3400  }
0x124: {  	[tilespmem:s14], [sflag:$0x1] =	stream.indirect_vreg.gather @!p0 [hbm4b:s7+s12], $0x80, v3, vm1, $0xb8;
	[tilespmem:$0x17C00] =	vst v63  }
0x125: {  	v3 =	vld @!p0 [tilespmem:s13+$0x110];
	_ =	sdelay $0x4  }
0x126: {  	v7 =	vshll.u32 @!p0 v3, $0x2  }
0x127: {  	v3 =	vand.u32 @!p0 $0x7, v3;
	v7 =	vand.u32 @!p0 $0xFFFFFFE0, v7  }
0x128: {  	v3 =	vor.u32 @!p0 v3, v7  }
0x129: {  	v7 =	vperm.xlane @!p0 v3, v4;
	_ =	sdelay $0x1  }
0x12a: {  	v7 =	vadd.s32 @!p0 v6, v7;
	_ =	sdelay $0x1  }
0x12b: {  	v3 =	vperm.xlane @!p0 v3, v5;
	_ =	sdelay $0x1  }
0x12c: {  	s14 =	simm.s32 @!p0 $0x3C00;
	v3 =	vadd.s32 @!p0 v6, v3  }
0x12d: {  	[tilespmem:s14], [sflag:$0x1] =	stream.indirect_vreg.gather @!p0 [hbm4b:s2+s12], $0x80, v7, vm1, $0xb8;
	[tilespmem:$0x17C00] =	vst v63  }
0x12e: {  	s14 =	simm.s32 @!p0 $0x4400  }
0x12f: {  	[tilespmem:s14], [sflag:$0x1] =	stream.indirect_vreg.gather @!p0 [hbm4b:s7+s12], $0x80, v7, vm1, $0xb8;
	[tilespmem:$0x17C00] =	vst v63  }
0x130: {  	s14 =	simm.s32 @!p0 $0x4C00  }
0x131: {  	[tilespmem:s14], [sflag:$0x1] =	stream.indirect_vreg.gather @!p0 [hbm4b:s2+s12], $0x80, v3, vm1, $0xb8;
	[tilespmem:$0x17C00] =	vst v63  }
0x132: {  	s14 =	simm.s32 @!p0 $0x5400  }
0x133: {  	[tilespmem:s14], [sflag:$0x1] =	stream.indirect_vreg.gather @!p0 [hbm4b:s7+s12], $0x80, v3, vm1, $0xb8;
	[tilespmem:$0x17C00] =	vst v63  }
0x134: {  	v3 =	vld @!p0 [tilespmem:s13+$0x120];
	_ =	sdelay $0x4  }
0x135: {  	v7 =	vshll.u32 @!p0 v3, $0x2  }
0x136: {  	v3 =	vand.u32 @!p0 $0x7, v3;
	v7 =	vand.u32 @!p0 $0xFFFFFFE0, v7  }
0x137: {  	v3 =	vor.u32 @!p0 v3, v7  }
0x138: {  	v7 =	vperm.xlane @!p0 v3, v4;
	_ =	sdelay $0x1  }
0x139: {  	v7 =	vadd.s32 @!p0 v6, v7;
	_ =	sdelay $0x1  }
0x13a: {  	v3 =	vperm.xlane @!p0 v3, v5;
	_ =	sdelay $0x1  }
0x13b: {  	s14 =	simm.s32 @!p0 $0x5C00;
	v3 =	vadd.s32 @!p0 v6, v3  }
0x13c: {  	[tilespmem:s14], [sflag:$0x1] =	stream.indirect_vreg.gather @!p0 [hbm4b:s2+s12], $0x80, v7, vm1, $0xb8;
	[tilespmem:$0x17C00] =	vst v63  }
0x13d: {  	s14 =	simm.s32 @!p0 $0x6400  }
0x13e: {  	[tilespmem:s14], [sflag:$0x1] =	stream.indirect_vreg.gather @!p0 [hbm4b:s7+s12], $0x80, v7, vm1, $0xb8;
	[tilespmem:$0x17C00] =	vst v63  }
0x13f: {  	s14 =	simm.s32 @!p0 $0x6C00  }
0x140: {  	[tilespmem:s14], [sflag:$0x1] =	stream.indirect_vreg.gather @!p0 [hbm4b:s2+s12], $0x80, v3, vm1, $0xb8;
	[tilespmem:$0x17C00] =	vst v63  }
0x141: {  	s14 =	simm.s32 @!p0 $0x7400  }
0x142: {  	[tilespmem:s14], [sflag:$0x1] =	stream.indirect_vreg.gather @!p0 [hbm4b:s7+s12], $0x80, v3, vm1, $0xb8;
	[tilespmem:$0x17C00] =	vst v63  }
0x143: {  	v3 =	vld @!p0 [tilespmem:s13+$0x130];
	_ =	sdelay $0x4  }
0x144: {  	v7 =	vshll.u32 @!p0 v3, $0x2  }
0x145: {  	v3 =	vand.u32 @!p0 $0x7, v3;
	v7 =	vand.u32 @!p0 $0xFFFFFFE0, v7  }
0x146: {  	v3 =	vor.u32 @!p0 v3, v7  }
0x147: {  	v7 =	vperm.xlane @!p0 v3, v4;
	_ =	sdelay $0x1  }
0x148: {  	v7 =	vadd.s32 @!p0 v6, v7;
	_ =	sdelay $0x1  }
0x149: {  	v3 =	vperm.xlane @!p0 v3, v5;
	_ =	sdelay $0x1  }
0x14a: {  	s14 =	simm.s32 @!p0 $0x7C00;
	v3 =	vadd.s32 @!p0 v6, v3  }
0x14b: {  	[tilespmem:s14], [sflag:$0x1] =	stream.indirect_vreg.gather @!p0 [hbm4b:s2+s12], $0x80, v7, vm1, $0xb8;
	[tilespmem:$0x17C00] =	vst v63  }
0x14c: {  	s14 =	simm.s32 @!p0 $0x8400  }
0x14d: {  	[tilespmem:s14], [sflag:$0x1] =	stream.indirect_vreg.gather @!p0 [hbm4b:s7+s12], $0x80, v7, vm1, $0xb8;
	[tilespmem:$0x17C00] =	vst v63  }
0x14e: {  	s14 =	simm.s32 @!p0 $0x8C00  }
0x14f: {  	[tilespmem:s14], [sflag:$0x1] =	stream.indirect_vreg.gather @!p0 [hbm4b:s2+s12], $0x80, v3, vm1, $0xb8;
	[tilespmem:$0x17C00] =	vst v63  }
0x150: {  	s14 =	simm.s32 @!p0 $0x9400  }
0x151: {  	[tilespmem:s14], [sflag:$0x1] =	stream.indirect_vreg.gather @!p0 [hbm4b:s7+s12], $0x80, v3, vm1, $0xb8;
	[tilespmem:$0x17C00] =	vst v63  }
0x152: {  	v3 =	vld @!p0 [tilespmem:s13+$0x140];
	_ =	sdelay $0x4  }
0x153: {  	v7 =	vshll.u32 @!p0 v3, $0x2  }
0x154: {  	v3 =	vand.u32 @!p0 $0x7, v3;
	v7 =	vand.u32 @!p0 $0xFFFFFFE0, v7  }
0x155: {  	v3 =	vor.u32 @!p0 v3, v7  }
0x156: {  	v4 =	vperm.xlane @!p0 v3, v4;
	_ =	sdelay $0x1  }
0x157: {  	v4 =	vadd.s32 @!p0 v6, v4;
	_ =	sdelay $0x1  }
0x158: {  	v3 =	vperm.xlane @!p0 v3, v5;
	_ =	sdelay $0x1  }
0x159: {  	s13 =	simm.s32 @!p0 $0x9C00;
	v3 =	vadd.s32 @!p0 v6, v3  }
0x15a: {  	[tilespmem:s13], [sflag:$0x1] =	stream.indirect_vreg.gather @!p0 [hbm4b:s2+s12], $0x80, v4, vm1, $0xb8;
	[tilespmem:$0x17C00] =	vst v63  }
0x15b: {  	s13 =	simm.s32 @!p0 $0xA400  }
0x15c: {  	[tilespmem:s13], [sflag:$0x1] =	stream.indirect_vreg.gather @!p0 [hbm4b:s7+s12], $0x80, v4, vm1, $0xb8;
	[tilespmem:$0x17C00] =	vst v63  }
0x15d: {  	s13 =	simm.s32 @!p0 $0xAC00  }
0x15e: {  	[tilespmem:s13], [sflag:$0x1] =	stream.indirect_vreg.gather @!p0 [hbm4b:s2+s12], $0x80, v3, vm1, $0xb8;
	[tilespmem:$0x17C00] =	vst v63  }
0x15f: {  	p1 =	seq.s32 @!p0 s0, $0x0;
	s13 =	simm.s32 @!p0 $0xB400  }
0x160: {  	[tilespmem:s13], [sflag:$0x1] =	stream.indirect_vreg.gather @!p0 [hbm4b:s7+s12], $0x80, v3, vm1, $0xb8;
	[tilespmem:$0x17C00] =	vst v63  }
0x161: {  	p0 =	por p0, !p1  }
0x162: {  	_ =	swait.ge @p0 [sflag:s10], $0x1000  }
0x163: {  	[sflag:s10] =	ssyncset.done @p0 $0x0  }
0x164: {  	s12 =	simm.s32 $0x0;
	s13 =	simm.s32 $0x0;
	[sflag:s10] =	ssyncadd.s32 @p0 $0xFFFFF000  }
.LBB2_5:
0x165: {  	s14 =	sand.u32 $0x70, s13;
	s15 =	sand.u32 $0xC00, s12  }
0x166: {  	s14 =	sor.u32 s14, s15  }
0x167: {  	v3 =	vld [tilespmem:s14+$0xBC00]  }
0x168: {  	v4 =	vld [tilespmem:s14+$0xCD00]  }
0x169: {  	v5 =	vld [tilespmem:s14+$0xDE00]  }
0x16a: {  	v6 =	vld [tilespmem:s14+$0xEF00]  }
0x16b: {  	v7 =	vld [tilespmem:s14+$0x10C00]  }
0x16c: {  	v8 =	vld [tilespmem:s14+$0x11D00]  }
0x16d: {  	v9 =	vld [tilespmem:s14+$0x12E00]  }
0x16e: {  	v10 =	vld [tilespmem:s14+$0x13F00]  }
0x16f: {  	v11 =	vld [tilespmem:s14+$0xBC80]  }
0x170: {  	v12 =	vld [tilespmem:s14+$0xCD80]  }
0x171: {  	v13 =	vld [tilespmem:s14+$0xDE80]  }
0x172: {  	v14 =	vld [tilespmem:s14+$0xEF80]  }
0x173: {  	v15 =	vld [tilespmem:s14+$0x10C80]  }
0x174: {  	v16 =	vld [tilespmem:s14+$0x11D80]  }
0x175: {  	v17 =	vld [tilespmem:s14+$0x12E80]  }
0x176: {  	v18 =	vld [tilespmem:s14+$0x13F80]  }
0x177: {  	v19 =	vld [tilespmem:s14+$0xBD00]  }
0x178: {  	v20 =	vld [tilespmem:s14+$0xCE00]  }
0x179: {  	v21 =	vld [tilespmem:s14+$0xDF00]  }
0x17a: {  	v22 =	vld [tilespmem:s14+$0xFC00]  }
0x17b: {  	v23 =	vld [tilespmem:s14+$0x10D00]  }
0x17c: {  	v24 =	vld [tilespmem:s14+$0x11E00]  }
0x17d: {  	v25 =	vld [tilespmem:s14+$0x12F00]  }
0x17e: {  	v26 =	vld [tilespmem:s14+$0x14C00]  }
0x17f: {  	v28 =	vld [tilespmem:s14+$0xCE80]  }
0x180: {  	v29 =	vld [tilespmem:s14+$0xDF80]  }
0x181: {  	v30 =	vld [tilespmem:s14+$0xFC80]  }
0x182: {  	v31 =	vld [tilespmem:s14+$0x10D80]  }
0x183: {  	v32 =	vld [tilespmem:s14+$0x11E80]  }
0x184: {  	v33 =	vld [tilespmem:s14+$0x12F80]  }
0x185: {  	v34 =	vld [tilespmem:s14+$0x14C80]  }
0x186: {  	v35 =	vld [tilespmem:s14+$0xBE00]  }
0x187: {  	v36 =	vld [tilespmem:s14+$0xCF00]  }
0x188: {  	v37 =	vld [tilespmem:s14+$0xEC00]  }
0x189: {  	v38 =	vld [tilespmem:s14+$0xFD00]  }
0x18a: {  	v39 =	vld [tilespmem:s14+$0x10E00]  }
0x18b: {  	v40 =	vld [tilespmem:s14+$0x11F00]  }
0x18c: {  	v41 =	vld [tilespmem:s14+$0x13C00]  }
0x18d: {  	v42 =	vld [tilespmem:s14+$0x14D00]  }
0x18e: {  	v43 =	vld [tilespmem:s14+$0xBE80]  }
0x18f: {  	v44 =	vld [tilespmem:s14+$0xCF80]  }
0x190: {  	v45 =	vld [tilespmem:s14+$0xEC80]  }
0x191: {  	v46 =	vld [tilespmem:s14+$0xFD80]  }
0x192: {  	v47 =	vld [tilespmem:s14+$0x10E80]  }
0x193: {  	v48 =	vld [tilespmem:s14+$0x11F80]  }
0x194: {  	v49 =	vld [tilespmem:s14+$0x13C80]  }
0x195: {  	v50 =	vld [tilespmem:s14+$0x14D80]  }
0x196: {  	v53 =	vld [tilespmem:s14+$0xBF00]  }
0x197: {  	v54 =	vld [tilespmem:s14+$0xDC00];
	v3 =	vadd.f32 v11, v3;
	v4 =	vadd.f32 v12, v4  }
0x198: {  	s15 =	sor.u32 s15, s13;
	v55 =	vld [tilespmem:s14+$0xED00];
	v5 =	vadd.f32 v13, v5;
	v6 =	vadd.f32 v14, v6  }
0x199: {  	s15 =	sor.u32 $0x180, s15;
	v56 =	vld [tilespmem:s14+$0xFE00];
	v7 =	vadd.f32 v15, v7;
	v8 =	vadd.f32 v16, v8  }
0x19a: {  	v27 =	vld [tilespmem:s15+$0xBC00];
	v9 =	vadd.f32 v17, v9;
	v10 =	vadd.f32 v18, v10  }
0x19b: {  	v57 =	vld [tilespmem:s14+$0x10F00];
	v3 =	vadd.f32 v19, v3;
	v4 =	vadd.f32 v20, v4  }
0x19c: {  	v58 =	vld [tilespmem:s14+$0x12C00];
	v5 =	vadd.f32 v21, v5;
	v6 =	vadd.f32 v22, v6  }
0x19d: {  	s16 =	sor.u32 s12, s13;
	v59 =	vld [tilespmem:s14+$0x13D00];
	v7 =	vadd.f32 v23, v7;
	v8 =	vadd.f32 v24, v8  }
0x19e: {  	s16 =	sor.u32 $0x380, s16;
	v60 =	vld [tilespmem:s14+$0x14E00];
	v9 =	vadd.f32 v25, v9;
	v10 =	vadd.f32 v26, v10  }
0x19f: {  	v61 =	vld [tilespmem:s16+$0xBC00];
	v3 =	vadd.f32 v27, v3;
	v4 =	vadd.f32 v28, v4  }
0x1a0: {  	v62 =	vld [tilespmem:s14+$0xDC80];
	v5 =	vadd.f32 v29, v5;
	v6 =	vadd.f32 v30, v6  }
0x1a1: {  	v63 =	vld [tilespmem:s14+$0xED80];
	v7 =	vadd.f32 v31, v7;
	v8 =	vadd.f32 v32, v8  }
0x1a2: {  	v51 =	vld [tilespmem:s14+$0xCC80];
	v9 =	vadd.f32 v33, v9;
	v10 =	vadd.f32 v34, v10  }
0x1a3: {  	v52 =	vld [tilespmem:s14+$0xDD80];
	v3 =	vadd.f32 v35, v3;
	v4 =	vadd.f32 v36, v4  }
0x1a4: {  	v34 =	vld [tilespmem:s14+$0xFE80];
	v5 =	vadd.f32 v37, v5;
	v6 =	vadd.f32 v38, v6  }
0x1a5: {  	v36 =	vld [tilespmem:s14+$0x10F80];
	v7 =	vadd.f32 v39, v7;
	v8 =	vadd.f32 v40, v8  }
0x1a6: {  	v38 =	vld [tilespmem:s14+$0x12C80];
	v9 =	vadd.f32 v41, v9;
	v10 =	vadd.f32 v42, v10  }
0x1a7: {  	v40 =	vld [tilespmem:s14+$0x13D80];
	v3 =	vadd.f32 v43, v3;
	v4 =	vadd.f32 v44, v4  }
0x1a8: {  	v42 =	vld [tilespmem:s14+$0x14E80];
	v5 =	vadd.f32 v45, v5;
	v6 =	vadd.f32 v46, v6  }
0x1a9: {  	v43 =	vld [tilespmem:s14+$0xCC00];
	v7 =	vadd.f32 v47, v7;
	v8 =	vadd.f32 v48, v8  }
0x1aa: {  	v44 =	vld [tilespmem:s14+$0xDD00];
	v9 =	vadd.f32 v49, v9;
	v10 =	vadd.f32 v50, v10  }
0x1ab: {  	v45 =	vld [tilespmem:s14+$0xEE00];
	v3 =	vadd.f32 v53, v3;
	v4 =	vadd.f32 v54, v4  }
0x1ac: {  	v46 =	vld [tilespmem:s14+$0xFF00];
	v5 =	vadd.f32 v55, v5;
	v6 =	vadd.f32 v56, v6  }
0x1ad: {  	v47 =	vld [tilespmem:s14+$0x11C00];
	v7 =	vadd.f32 v57, v7;
	v8 =	vadd.f32 v58, v8  }
0x1ae: {  	v48 =	vld [tilespmem:s14+$0x12D00];
	v9 =	vadd.f32 v59, v9;
	v10 =	vadd.f32 v60, v10  }
0x1af: {  	v49 =	vld [tilespmem:s14+$0x13E00];
	v3 =	vadd.f32 v61, v3;
	v4 =	vadd.f32 v62, v4  }
0x1b0: {  	v50 =	vld [tilespmem:s14+$0x14F00];
	v5 =	vadd.f32 v63, v5;
	v6 =	vadd.f32 v34, v6  }
0x1b1: {  	v53 =	vld [tilespmem:s14+$0xEE80];
	v7 =	vadd.f32 v36, v7;
	v8 =	vadd.f32 v38, v8  }
0x1b2: {  	v54 =	vld [tilespmem:s14+$0xFF80];
	v9 =	vadd.f32 v40, v9;
	v3 =	vadd.f32 v43, v3  }
0x1b3: {  	v55 =	vld [tilespmem:s14+$0x11C80];
	v10 =	vadd.f32 v42, v10;
	v4 =	vadd.f32 v44, v4  }
0x1b4: {  	v56 =	vld [tilespmem:s14+$0x12D80];
	v5 =	vadd.f32 v45, v5;
	v3 =	vadd.f32 v51, v3  }
0x1b5: {  	v57 =	vld [tilespmem:s14+$0x13E80];
	v6 =	vadd.f32 v46, v6;
	v4 =	vadd.f32 v52, v4  }
0x1b6: {  	v58 =	vld [tilespmem:s14+$0x14F80];
	v7 =	vadd.f32 v47, v7;
	v5 =	vadd.f32 v53, v5;
	v3 =	vmul.f32 $1.000000010e-01, v3  }
0x1b7: {  	v8 =	vadd.f32 v48, v8;
	v6 =	vadd.f32 v54, v6;
	v4 =	vmul.f32 $1.000000010e-01, v4  }
0x1b8: {  	v9 =	vadd.f32 v49, v9;
	v7 =	vadd.f32 v55, v7;
	[tilespmem:s14+$0x16C00] =	vst v3;
	v3 =	vmul.f32 $1.000000010e-01, v5  }
0x1b9: {  	v59 =	vadd.f32 v50, v10;
	v8 =	vadd.f32 v56, v8;
	v60 =	vmul.f32 $1.000000010e-01, v6;
	[tilespmem:s14+$0x16C80] =	vst v4  }
0x1ba: {  	p0 =	sne.s32 s13, $0x1F0;
	v61 =	vadd.f32 v57, v9;
	[tilespmem:s14+$0x16D00] =	vst v3;
	v3 =	vmul.f32 $1.000000010e-01, v7  }
.Ltmp1:
0x1bb: {  	v62 =	vmul.f32 $1.000000010e-01, v8;
	v5 =	vadd.f32 v58, v59;
	[tilespmem:s15+$0x16C00] =	vst v60;
	(pc) =	sbr.rel @p0 .LBB2_5-.Ltmp1, $4  }
0x1bc: {  	[tilespmem:s14+$0x16E00] =	vst v3;
	v3 =	vmul.f32 $1.000000010e-01, v61  }
0x1bd: {  	v63 =	vmul.f32 $1.000000010e-01, v5;
	[tilespmem:s14+$0x16E80] =	vst v62  }
0x1be: {  	[tilespmem:s14+$0x16F00] =	vst v3  }
0x1bf: {  	s12 =	sadd.s32 $0x80, s12;
	s13 =	sadd.s32 $0x10, s13;
	[tilespmem:s16+$0x16C00] =	vst v63  }
0x1c0: {  	s0 =	sadd.s32 $0x1, s0  }
0x1c1: {  	p0 =	sne.s32 s0, $0x19  }
.Ltmp2:
0x1c2: {  	s11 =	sadd.s32 s8, s11;
	(pc) =	sbr.rel @p0 .LBB2_2-.Ltmp2, $4  }
0x1c3: {  	s11 =	sshll.u32 s11, $0x9  }
0x1c4: {  	s11 =	sand.u32 $0x1FFFFE00, s11  }
0x1c5: {  	s11 =	sadd.s32 s4, s11  }
0x1c6: {  	[hbm4b:s11+s3] =	stream.linear.scatter [tilespmem:s9], [sflag:$0x4], $0x1000, $0x38;
	[tilespmem:$0x17C00] =	vst v63  }
0x1c7: {  	s0 =	simm.s32 $0x3  }
0x1c8: {  	_ =	swait.ge [sflag:s0], $0x1000  }
0x1c9: {  	[sflag:s0] =	ssyncset.done $0x0  }
0x1ca: {  	[sflag:s0] =	ssyncadd.s32 $0xFFFFF000  }
0x1cb: {  	_ =	swait.ge [sflag:s10], $0x1000  }
0x1cc: {  	s11 =	rddreg [dreg:$0x5]  }
0x1cd: {  	s16 =	rddreg [dreg:$0x4];
	s11 =	sadd.s32 $0x1, s11  }
0x1ce: {  	p0 =	sne.s32 s11, s16  }
.Ltmp3:
0x1cf: {  	_ = 	snop;
	(pc) =	sbr.rel @p0 .LBB2_1-.Ltmp3, $3  }
0x1d0: {  	_ =	sdelay $0x1  }
0x1d1: {  	[sflag:s10] =	ssyncset.done $0x0  }
0x1d2: {  	[sflag:s10] =	ssyncadd.s32 $0xFFFFF000  }
0x1d3: {  	_ =	sfence.sel $0x180000  }
0x1d4: {  	[bflag:$0x0] =	sbarrier.arrive $0xFFFF  }
0x1d5: {  	_ =	strace $0x9000004A  }
0x1d6: {  	s0 =	stileid.u32;
	[bflag:$0x2] =	sbarrier.arrive $0xFFFF  }
0x1d7: {  	p0 =	sne.s32 s0, $0x0;
	s0 =	rddreg [dreg:$0x2]  }
0x1d8: {  	s0 =	sadd.s32 @!p0 $0x100000, s0  }
0x1d9: {  	[sflag:s0] =	ssyncadd.tile.s32 @!p0 $0x1;
	_ =	shalt  }
.Lfunc_end2:
_tile_overlayer_lowered:
.L_overlay_start_2:
0x1da: {  	(tag) =	ssettag $0x2  }
0x1db: {  	s0 =	rddreg [dreg:$0x0];
	s2 =	stileid.u32  }
0x1dc: {  	s1 =	rddreg [dreg:$0x1];
	p0 =	sne.s32 s2, $0x0  }
0x1dd: {  	s3 =	rddreg [dreg:$0x2];
	[bflag:$0x3] =	sbarrier.arrive $0xFFFF;
	s2 =	simm.s32 @!p0 $0x1C05  }
0x1de: {  	[timem:s3], [sflag:s2] =	dma.local @!p0 [hbm:s0], s1  }
0x1df: {  	s0 =	simm.s32 @!p0 $0x5  }
0x1e0: {  	_ =	swait.ge @!p0 [sflag:s0], s1  }
0x1e1: {  	s1 =	ssub.s32 @!p0 $0x0, s1;
	[sflag:s0] =	ssyncset.done @!p0 $0x0  }
0x1e2: {  	[sflag:s0] =	ssyncadd.s32 @!p0 s1  }
0x1e3: {  	[bflag:$0x3] =	sbarrier.arrive $0xFFFF  }
0x1e4: {  	_ =	shalt  }

</sc_bundles>
